<compile_context>
chip_gen: v7x
topology: tpu7x:2x2x1
jax: 0.10.2.dev20260603
libtpu: 0.0.44.dev20260713+nightly
codegen_flags: <defaults>
</compile_context>

<pallas_src>
import functools

import jax
import jax.numpy as jnp
from jax import lax
from jax.experimental import pallas as pl
from jax.experimental.pallas import tpu as pltpu
from jax.experimental.pallas import tpu_sc as plsc

N = 10000
E = 320000
D = 128
H = 16
DH = 8
DE = 16
FC = 64
DM = 384

NP = 10112
EP = 327680
NW = 32
EPW = EP // NW
GC = 128
NCH = EPW // GC
RPT = NP // 16

f32 = jnp.float32


def _node_msg_body(ns_ref, nd_ref, ws_ref, wd_ref, bd_ref, ms_ref, md_ref):
    ms_ref[...] = jnp.dot(ns_ref[...], ws_ref[...], preferred_element_type=f32)
    md_ref[...] = (
        jnp.dot(nd_ref[...], wd_ref[...], preferred_element_type=f32) + bd_ref[...]
    )


def _node_msgs(ns_p, nd_p, W_src, W_dst, b_dst):
    blk = 1264
    return pl.pallas_call(
        _node_msg_body,
        grid=(NP // blk,),
        in_specs=[
            pl.BlockSpec((blk, D), lambda i: (i, 0)),
            pl.BlockSpec((blk, D), lambda i: (i, 0)),
            pl.BlockSpec((D, D), lambda i: (0, 0)),
            pl.BlockSpec((D, D), lambda i: (0, 0)),
            pl.BlockSpec((1, D), lambda i: (0, 0)),
        ],
        out_specs=[
            pl.BlockSpec((blk, D), lambda i: (i, 0)),
            pl.BlockSpec((blk, D), lambda i: (i, 0)),
        ],
        out_shape=[
            jax.ShapeDtypeStruct((NP, D), f32),
            jax.ShapeDtypeStruct((NP, D), f32),
        ],
    )(ns_p, nd_p, W_src, W_dst, b_dst.reshape(1, D))


def _sc_gather(msrc, mdst, esrc2d, edst2d):
    mesh = plsc.VectorSubcoreMesh(core_axis_name="c", subcore_axis_name="s")

    @functools.partial(
        pl.kernel,
        mesh=mesh,
        out_type=(
            jax.ShapeDtypeStruct((EP, D), f32),
            jax.ShapeDtypeStruct((EP, D), f32),
        ),
        scratch_types=[
            pltpu.VMEM((NCH, GC), jnp.int32),
            pltpu.VMEM((NCH, GC), jnp.int32),
            pltpu.VMEM((3, GC, D), f32),
            pltpu.VMEM((3, GC, D), f32),
            pltpu.SemaphoreType.DMA,
            pltpu.SemaphoreType.DMA,
            pltpu.SemaphoreType.DMA,
            pltpu.SemaphoreType.DMA,
            pltpu.SemaphoreType.DMA,
            pltpu.SemaphoreType.DMA,
        ],
    )
    def k(msrc_h, mdst_h, esrc_h, edst_h, outs_h, outd_h,
          ixs, ixd, ra, rb, g0, g1, g2, w0, w1, w2):
        c = lax.axis_index("c")
        s = lax.axis_index("s")
        wid = s * 2 + c
        chunk0 = wid * NCH
        base0 = wid * EPW
        gsem = (g0, g1, g2)
        wsem = (w0, w1, w2)
        pltpu.sync_copy(esrc_h.at[pl.ds(chunk0, NCH), :], ixs)
        pltpu.sync_copy(edst_h.at[pl.ds(chunk0, NCH), :], ixd)

        def g_start(i, b):
            pltpu.make_async_copy(msrc_h.at[ixs.at[i]], ra.at[b], gsem[b]).start()
            pltpu.make_async_copy(mdst_h.at[ixd.at[i]], rb.at[b], gsem[b]).start()

        def g_wait(i, b):
            pltpu.make_async_copy(msrc_h.at[ixs.at[i]], ra.at[b], gsem[b]).wait()
            pltpu.make_async_copy(mdst_h.at[ixd.at[i]], rb.at[b], gsem[b]).wait()

        def w_start(i, b):
            base = base0 + i * GC
            pltpu.make_async_copy(ra.at[b], outs_h.at[pl.ds(base, GC), :], wsem[b]).start()
            pltpu.make_async_copy(rb.at[b], outd_h.at[pl.ds(base, GC), :], wsem[b]).start()

        def w_wait(b):
            pltpu.make_async_copy(ra.at[b], outs_h.at[pl.ds(0, GC), :], wsem[b]).wait()
            pltpu.make_async_copy(rb.at[b], outd_h.at[pl.ds(0, GC), :], wsem[b]).wait()

        g_start(0, 0)
        g_start(1, 1)

        def outer(t, carry):
            for j in range(3):
                i = t * 3 + j
                b = j
                bprev = (j + 2) % 3
                if j == 0:
                    @pl.when(t > 0)
                    def _():
                        w_wait(bprev)
                        g_start(i + 2, bprev)

                    @pl.when(t == 0)
                    def _():
                        g_start(i + 2, bprev)
                else:
                    w_wait(bprev)
                    g_start(i + 2, bprev)
                g_wait(i, b)
                w_start(i, b)
            return carry

        lax.fori_loop(0, NCH // 3, outer, 0)
        w_wait(2)
        g_wait(NCH - 2, 0)
        w_start(NCH - 2, 0)
        w_wait(0)
        g_wait(NCH - 1, 1)
        w_start(NCH - 1, 1)
        w_wait(1)

    return k(msrc, mdst, esrc2d, edst2d)


def _edge_body(ms_ref, md_ref, es_ref, ea_ref, w1_ref, b1_ref, w2_ref, b2_ref,
               wea_ref, aa_ref, rr_ref, wv_ref, ev_ref, ex_ref):
    msg = ms_ref[...] + md_ref[...]
    h = jax.nn.silu(
        jnp.dot(es_ref[...], w1_ref[...], preferred_element_type=f32) + b1_ref[...]
    )
    w = jnp.dot(h, w2_ref[...], preferred_element_type=f32) + b2_ref[...]
    dtp = msg * w + jnp.dot(ea_ref[...], wea_ref[...], preferred_element_type=f32)
    a = jnp.where(dtp >= 0, dtp, 0.2 * dtp)
    exv = jnp.exp(jnp.dot(a, aa_ref[...], preferred_element_type=f32))
    v = jnp.dot(dtp, wv_ref[...], preferred_element_type=f32)
    exw = jnp.dot(exv, rr_ref[...], preferred_element_type=f32)
    ev_ref[...] = v * exw
    ex_ref[...] = exw


def _edge_pipeline(msgg_s, msgg_d, es_p, ea_p, W1, b1, W2, b2, W_ea, Aa, Rr, W_v):
    bt = 512
    return pl.pallas_call(
        _edge_body,
        grid=(EP // bt,),
        in_specs=[
            pl.BlockSpec((bt, D), lambda i: (i, 0)),
            pl.BlockSpec((bt, D), lambda i: (i, 0)),
            pl.BlockSpec((bt, FC), lambda i: (i, 0)),
            pl.BlockSpec((bt, DE), lambda i: (i, 0)),
            pl.BlockSpec((FC, FC), lambda i: (0, 0)),
            pl.BlockSpec((1, FC), lambda i: (0, 0)),
            pl.BlockSpec((FC, D), lambda i: (0, 0)),
            pl.BlockSpec((1, D), lambda i: (0, 0)),
            pl.BlockSpec((DE, D), lambda i: (0, 0)),
            pl.BlockSpec((D, H), lambda i: (0, 0)),
            pl.BlockSpec((H, D), lambda i: (0, 0)),
            pl.BlockSpec((D, D), lambda i: (0, 0)),
        ],
        out_specs=[
            pl.BlockSpec((bt, D), lambda i: (i, 0)),
            pl.BlockSpec((bt, D), lambda i: (i, 0)),
        ],
        out_shape=[
            jax.ShapeDtypeStruct((EP, D), f32),
            jax.ShapeDtypeStruct((EP, D), f32),
        ],
    )(msgg_s, msgg_d, es_p, ea_p, W1, b1.reshape(1, FC), W2, b2.reshape(1, D),
      W_ea, Aa, Rr, W_v)


def _sc_scatter128(vals, edst2d, zS):
    mesh = plsc.VectorSubcoreMesh(core_axis_name="c", subcore_axis_name="s")

    @functools.partial(
        pl.kernel,
        mesh=mesh,
        out_type=jax.ShapeDtypeStruct((2, NP, D), f32),
        scratch_types=[
            pltpu.VMEM((NCH, GC), jnp.int32),
            pltpu.VMEM((2, GC, D), f32),
            pltpu.VMEM_SHARED((NP, D), f32),
            pltpu.SemaphoreType.DMA,
            pltpu.SemaphoreType.DMA,
        ],
    )
    def k(val_h, edst_h, zs_h, out_h, ix, vv, ssh, r0sem, r1sem):
        c = lax.axis_index("c")
        s = lax.axis_index("s")
        rsem = (r0sem, r1sem)
        r0 = s * RPT
        pltpu.sync_copy(zs_h.at[pl.ds(r0, RPT), :], ssh.at[pl.ds(r0, RPT), :])

        base0 = c * (EP // 2) + s * EPW
        chunk0 = c * (EP // (2 * GC)) + s * NCH
        pltpu.sync_copy(edst_h.at[pl.ds(chunk0, NCH), :], ix)
        plsc.subcore_barrier()

        def outer(t, carry):
            i0 = t * 2
            for b in range(2):
                i = i0 + b
                base = base0 + i * GC
                pltpu.make_async_copy(
                    val_h.at[pl.ds(base, GC), :], vv.at[b], rsem[b]).start()
            for b in range(2):
                i = i0 + b
                base = base0 + i * GC
                pltpu.make_async_copy(
                    val_h.at[pl.ds(base, GC), :], vv.at[b], rsem[b]).wait()
                pltpu.sync_copy(vv.at[b], ssh.at[ix.at[i]], add=True)
            return carry

        lax.fori_loop(0, NCH // 2, outer, 0)
        plsc.subcore_barrier()
        pltpu.sync_copy(ssh.at[pl.ds(r0, RPT), :], out_h.at[c, pl.ds(r0, RPT), :])

    return k(vals, edst2d, zS)


def _final_body(s_ref, dn_ref, nd_ref, wp_ref, bp_ref, lnw_ref, lnb_ref,
                wf1_ref, bf1_ref, wf2_ref, bf2_ref, out_ref):
    sv = s_ref[0] + s_ref[1]
    denw = dn_ref[0] + dn_ref[1]
    agg = sv / (denw + 1e-9)
    nf = jnp.dot(agg, wp_ref[...], preferred_element_type=f32) + bp_ref[...]
    node_out = nd_ref[...] + nf
    mu = jnp.mean(node_out, axis=-1, keepdims=True)
    xc = node_out - mu
    var = jnp.mean(xc * xc, axis=-1, keepdims=True)
    nrm = xc / jnp.sqrt(var + 1e-5) * lnw_ref[...] + lnb_ref[...]
    h2 = jax.nn.silu(
        jnp.dot(nrm, wf1_ref[...], preferred_element_type=f32) + bf1_ref[...]
    )
    nf2 = jnp.dot(h2, wf2_ref[...], preferred_element_type=f32) + bf2_ref[...]
    out_ref[...] = node_out + nf2


def _node_final(outS, outDen, node_input_dst, W_proj, b_proj, ln_w, ln_b,
                Wf1, bf1, Wf2, bf2):
    bn = 1000
    return pl.pallas_call(
        _final_body,
        grid=(N // bn,),
        in_specs=[
            pl.BlockSpec((2, bn, D), lambda i: (0, i, 0)),
            pl.BlockSpec((2, bn, D), lambda i: (0, i, 0)),
            pl.BlockSpec((bn, D), lambda i: (i, 0)),
            pl.BlockSpec((D, D), lambda i: (0, 0)),
            pl.BlockSpec((1, D), lambda i: (0, 0)),
            pl.BlockSpec((1, D), lambda i: (0, 0)),
            pl.BlockSpec((1, D), lambda i: (0, 0)),
            pl.BlockSpec((D, DM), lambda i: (0, 0)),
            pl.BlockSpec((1, DM), lambda i: (0, 0)),
            pl.BlockSpec((DM, D), lambda i: (0, 0)),
            pl.BlockSpec((1, D), lambda i: (0, 0)),
        ],
        out_specs=pl.BlockSpec((bn, D), lambda i: (i, 0)),
        out_shape=jax.ShapeDtypeStruct((N, D), f32),
    )(outS, outDen, node_input_dst, W_proj, b_proj.reshape(1, D),
      ln_w.reshape(1, D), ln_b.reshape(1, D), Wf1, bf1.reshape(1, DM),
      Wf2, bf2.reshape(1, D))


def kernel(node_input_src, node_input_dst, batch_dst, edge_src, edge_dst,
           edge_attr, edge_scalars, W_src, W_dst, b_dst, W1, b1, W2, b2, W_ea,
           w_alpha, W_v, W_proj, b_proj, ln_w, ln_b, Wf1, bf1, Wf2, bf2):
    ns_p = jnp.zeros((NP, D), f32).at[:N].set(node_input_src)
    nd_p = jnp.zeros((NP, D), f32).at[:N].set(node_input_dst)
    esrc_p = jnp.concatenate([edge_src, jnp.zeros((EP - E,), jnp.int32)])
    edst_p = jnp.concatenate([edge_dst, jnp.full((EP - E,), N, jnp.int32)])
    es_p = jnp.zeros((EP, FC), f32).at[:E].set(edge_scalars)
    ea_p = jnp.zeros((EP, DE), f32).at[:E].set(edge_attr)
    eye16 = jnp.eye(H, dtype=f32)
    Rr = jnp.repeat(eye16, DH, axis=1)
    Aa = (w_alpha[:, :, None] * eye16[:, None, :]).reshape(D, H)

    msg_src, msg_dst = _node_msgs(ns_p, nd_p, W_src, W_dst, b_dst)
    msgg_s, msgg_d = _sc_gather(msg_src, msg_dst, esrc_p.reshape(EP // GC, GC),
                                edst_p.reshape(EP // GC, GC))
    ev, exw = _edge_pipeline(msgg_s, msgg_d, es_p, ea_p, W1, b1, W2, b2, W_ea,
                             Aa, Rr, W_v)
    zS = jnp.zeros((NP, D), f32)
    edst2d = edst_p.reshape(EP // GC, GC)
    outS = _sc_scatter128(ev, edst2d, zS)
    outDen = _sc_scatter128(exw, edst2d, zS)
    return _node_final(outS, outDen, node_input_dst, W_proj, b_proj, ln_w, ln_b,
                       Wf1, bf1, Wf2, bf2)

# --- scband reference (transcript-rebuilt; emitter-appended) ---
"""Pipeline reference for scband-equiformer-block-37873021616387 (READ-ONLY COPY).

The authoritative reference and input builder live on the scoring server;
editing this copy changes nothing except your own understanding.
"""

import jax, jax.numpy as jnp
import numpy as np

N = 10000
E = 320000
D = 128
H = 16
DH = 8
DE = 16
FC = 64
DM = 384


def setup_inputs(seed: int = 0):
    key = jax.random.key(seed)
    ks = jax.random.split(key, 30)
    inp = {}
    inp["node_input_src"] = jax.random.normal(ks[0], (N, D), jnp.float32)
    inp["node_input_dst"] = jax.random.normal(ks[1], (N, D), jnp.float32)
    inp["batch_dst"] = jnp.zeros((N,), jnp.int32)
    inp["edge_src"] = jax.random.randint(ks[2], (E,), 0, N, jnp.int32)
    inp["edge_dst"] = jnp.sort(jax.random.randint(ks[3], (E,), 0, N, jnp.int32))
    inp["edge_attr"] = jax.random.normal(ks[4], (E, DE), jnp.float32)
    inp["edge_scalars"] = jax.random.normal(ks[5], (E, FC), jnp.float32)
    inp["W_src"] = jax.random.normal(ks[6], (D, D), jnp.float32) / np.sqrt(D)
    inp["W_dst"] = jax.random.normal(ks[7], (D, D), jnp.float32) / np.sqrt(D)
    inp["b_dst"] = jnp.zeros((D,), jnp.float32)
    inp["W1"] = jax.random.normal(ks[8], (FC, FC), jnp.float32) / np.sqrt(FC)
    inp["b1"] = jnp.zeros((FC,), jnp.float32)
    inp["W2"] = jax.random.normal(ks[9], (FC, D), jnp.float32) / np.sqrt(FC)
    inp["b2"] = jnp.zeros((D,), jnp.float32)
    inp["W_ea"] = jax.random.normal(ks[10], (DE, D), jnp.float32) / np.sqrt(DE)
    inp["w_alpha"] = jax.random.normal(ks[11], (H, DH), jnp.float32) / np.sqrt(DH)
    inp["W_v"] = jax.random.normal(ks[12], (D, D), jnp.float32) / np.sqrt(D)
    inp["W_proj"] = jax.random.normal(ks[13], (D, D), jnp.float32) / np.sqrt(D)
    inp["b_proj"] = jnp.zeros((D,), jnp.float32)
    inp["ln_w"] = jnp.ones((D,), jnp.float32)
    inp["ln_b"] = jnp.zeros((D,), jnp.float32)
    inp["Wf1"] = jax.random.normal(ks[14], (D, DM), jnp.float32) / np.sqrt(D)
    inp["bf1"] = jnp.zeros((DM,), jnp.float32)
    inp["Wf2"] = jax.random.normal(ks[15], (DM, D), jnp.float32) / np.sqrt(DM)
    inp["bf2"] = jnp.zeros((D,), jnp.float32)
    return inp


def _layernorm(x, w, b):
    mu = jnp.mean(x, axis=-1, keepdims=True)
    xc = x - mu
    var = jnp.mean(xc * xc, axis=-1, keepdims=True)
    return xc / jnp.sqrt(var + 1e-5) * w + b


def reference(node_input_src, node_input_dst, batch_dst, edge_src, edge_dst, edge_attr, edge_scalars, W_src, W_dst, b_dst, W1, b1, W2, b2, W_ea, w_alpha, W_v, W_proj, b_proj, ln_w, ln_b, Wf1, bf1, Wf2, bf2):
    # NOTE: original torch code computes norm_1 then overwrites with linear of the RAW
    # input (the norm result is discarded); we replicate that faithfully.
    msg_src = node_input_src @ W_src
    msg_dst = node_input_dst @ W_dst + b_dst
    # gather per-edge messages (SparseCore-style gather)
    message = msg_src[edge_src] + msg_dst[edge_dst]
    # radial MLP on edge scalars -> depthwise tensor-product weights (scalar irreps)
    h = jax.nn.silu(edge_scalars @ W1 + b1)
    w = h @ W2 + b2
    dtp = message * w + edge_attr @ W_ea
    # multi-head attention logits via leaky-relu MLP, softmax per destination node
    a = jax.nn.leaky_relu(dtp.reshape(-1, H, DH), 0.2)
    alpha = jnp.einsum('ehd,hd->eh', a, w_alpha)
    amax = jax.ops.segment_max(alpha, edge_dst, num_segments=N)
    amax = jnp.where(jnp.isfinite(amax), amax, 0.0)
    ex = jnp.exp(alpha - amax[edge_dst])
    den = jax.ops.segment_sum(ex, edge_dst, num_segments=N)
    attn = ex / (den[edge_dst] + 1e-9)
    v = (dtp @ W_v).reshape(-1, H, DH)
    # scatter-add aggregation over destination nodes
    agg = jax.ops.segment_sum(attn[:, :, None] * v, edge_dst, num_segments=N).reshape(N, D)
    node_features = agg @ W_proj + b_proj
    node_output = node_input_dst + node_features
    nf = _layernorm(node_output, ln_w, ln_b)
    # FFN: FCTP+swish gate then FCTP (scalar irreps -> dense + silu + dense)
    h2 = jax.nn.silu(nf @ Wf1 + bf1)
    nf = h2 @ Wf2 + bf2
    return node_output + nf

if __name__ == "__main__":
    import jax
    _d = setup_inputs()
    print(jax.jit(kernel)(*tuple(_d.values())))

</pallas_src>

<mosaic_0001>
#map = affine_map<(d0, d1) -> (0, 0)>
#map1 = affine_map<(d0, d1) -> (0, 0, 0)>
module attributes {stable_mosaic.version = 14 : i64} {
  func.func @k(%arg0: i32, %arg1: i32, %arg2: memref<327680x128xf32, #tpu.memory_space<hbm>>, %arg3: memref<2560x128xi32, #tpu.memory_space<hbm>>, %arg4: memref<10112x128xf32, #tpu.memory_space<hbm>>, %arg5: memref<2x10112x128xf32, #tpu.memory_space<hbm>>, %arg6: memref<80x128xi32, #tpu.memory_space<vmem>>, %arg7: memref<2x128x128xf32, #tpu.memory_space<vmem>>, %arg8: memref<10112x128xf32, #tpu.memory_space<vmem_shared>>, %arg9: memref<!tpu.dma_semaphore, #tpu.memory_space<semaphore_mem>>, %arg10: memref<!tpu.dma_semaphore, #tpu.memory_space<semaphore_mem>>) attributes {dimension_semantics = [#tpu.dimension_semantics<core_parallel>, #tpu.dimension_semantics<subcore_parallel>], iteration_bounds = array<i64: 2, 16>, scalar_prefetch = 0 : i64, scratch_operands = 5 : i64, tpu.core_type = #tpu.core_type<sc_vector_subcore>, window_params = [{transform_indices = #map}, {transform_indices = #map}, {transform_indices = #map}, {transform_indices = #map1}]} {
    %mul3A = arith.constant 632 : i32
    %mul3A_0 = arith.muli %arg1, %mul3A : i32
    "tpu.region"() ({
      %run_scoped3A = tpu.sem_alloc : memref<!tpu.dma_semaphore, #tpu.memory_space<semaphore_mem>>
      %dma_start3A = arith.constant 0 : i32
      %dma_start3A_16 = tpu.memref_slice %arg8[%mul3A_0, %dma_start3A] : memref<10112x128xf32, #tpu.memory_space<vmem_shared>> -> memref<632x128xf32, #tpu.memory_space<vmem_shared>>
      %dma_start3A_17 = arith.constant 0 : i32
      %dma_start3A_18 = tpu.memref_slice %arg4[%mul3A_0, %dma_start3A_17] : memref<10112x128xf32, #tpu.memory_space<hbm>> -> memref<632x128xf32, #tpu.memory_space<hbm>>
      tpu.enqueue_dma source(%dma_start3A_18 : memref<632x128xf32, #tpu.memory_space<hbm>>) target(%dma_start3A_16 : memref<632x128xf32, #tpu.memory_space<vmem_shared>>) target_semaphore(%run_scoped3A : memref<!tpu.dma_semaphore, #tpu.memory_space<semaphore_mem>>)
      %dma_wait3A = arith.constant 0 : i32
      %dma_wait3A_19 = tpu.memref_slice %arg8[%mul3A_0, %dma_wait3A] : memref<10112x128xf32, #tpu.memory_space<vmem_shared>> -> memref<632x128xf32, #tpu.memory_space<vmem_shared>>
      %dma_wait3A_20 = arith.constant 0 : i32
      %dma_wait3A_21 = tpu.memref_slice %arg4[%mul3A_0, %dma_wait3A_20] : memref<10112x128xf32, #tpu.memory_space<hbm>> -> memref<632x128xf32, #tpu.memory_space<hbm>>
      tpu.wait_dma2 semaphore(%run_scoped3A : memref<!tpu.dma_semaphore, #tpu.memory_space<semaphore_mem>>) src(%dma_wait3A_21 : memref<632x128xf32, #tpu.memory_space<hbm>>) dst(%dma_wait3A_19 : memref<632x128xf32, #tpu.memory_space<vmem_shared>>)
      tpu.yield
    }) : () -> ()
    %mul3A_1 = arith.constant 163840 : i32
    %mul3A_2 = arith.muli %arg0, %mul3A_1 : i32
    %mul3A_3 = arith.constant 10240 : i32
    %mul3A_4 = arith.muli %arg1, %mul3A_3 : i32
    %add3A = arith.addi %mul3A_2, %mul3A_4 : i32
    %mul3A_5 = arith.constant 1280 : i32
    %mul3A_6 = arith.muli %arg0, %mul3A_5 : i32
    %mul3A_7 = arith.constant 80 : i32
    %mul3A_8 = arith.muli %arg1, %mul3A_7 : i32
    %add3A_9 = arith.addi %mul3A_6, %mul3A_8 : i32
    "tpu.region"() ({
      %run_scoped3A = tpu.sem_alloc : memref<!tpu.dma_semaphore, #tpu.memory_space<semaphore_mem>>
      %dma_start3A = arith.constant 0 : i32
      %dma_start3A_16 = tpu.memref_slice %arg3[%add3A_9, %dma_start3A] : memref<2560x128xi32, #tpu.memory_space<hbm>> -> memref<80x128xi32, #tpu.memory_space<hbm>>
      %dma_start3A_17 = arith.constant 0 : i32
      %dma_start3A_18 = tpu.memref_slice %arg3[%add3A_9, %dma_start3A_17] : memref<2560x128xi32, #tpu.memory_space<hbm>> -> memref<80x128xi32, #tpu.memory_space<hbm>>
      tpu.enqueue_dma source(%dma_start3A_18 : memref<80x128xi32, #tpu.memory_space<hbm>>) target(%arg6 : memref<80x128xi32, #tpu.memory_space<vmem>>) target_semaphore(%run_scoped3A : memref<!tpu.dma_semaphore, #tpu.memory_space<semaphore_mem>>)
      %dma_wait3A = arith.constant 0 : i32
      %dma_wait3A_19 = tpu.memref_slice %arg3[%add3A_9, %dma_wait3A] : memref<2560x128xi32, #tpu.memory_space<hbm>> -> memref<80x128xi32, #tpu.memory_space<hbm>>
      %dma_wait3A_20 = arith.constant 0 : i32
      %dma_wait3A_21 = tpu.memref_slice %arg3[%add3A_9, %dma_wait3A_20] : memref<2560x128xi32, #tpu.memory_space<hbm>> -> memref<80x128xi32, #tpu.memory_space<hbm>>
      tpu.wait_dma2 semaphore(%run_scoped3A : memref<!tpu.dma_semaphore, #tpu.memory_space<semaphore_mem>>) src(%dma_wait3A_21 : memref<80x128xi32, #tpu.memory_space<hbm>>) dst(%arg6 : memref<80x128xi32, #tpu.memory_space<vmem>>)
      tpu.yield
    }) : () -> ()
    %barrier3A = arith.constant 0 : index
    tpu.barrier barrier_id(%barrier3A)
    %scan3A = arith.constant 0 : i32
    %scan3A_10 = arith.constant 0 : i32
    %scan3A_11 = arith.constant 40 : i32
    %scan3A_12 = arith.addi %scan3A_10, %scan3A_11 : i32
    %scan3A_13 = arith.constant 1 : i32
    scf.for %scan3A_16 = %scan3A_10 to %scan3A_12 step %scan3A_13  : i32 {
      %mul3A_17 = arith.constant 2 : i32
      %mul3A_18 = arith.muli %scan3A_16, %mul3A_17 : i32
      %add3A_19 = arith.constant 0 : i32
      %add3A_20 = arith.addi %mul3A_18, %add3A_19 : i32
      %mul3A_21 = arith.constant 128 : i32
      %mul3A_22 = arith.muli %add3A_20, %mul3A_21 : i32
      %add3A_23 = arith.addi %add3A, %mul3A_22 : i32
      %dma_start3A = arith.constant 0 : i32
      %dma_start3A_24 = arith.constant 0 : i32
      %dma_start3A_25 = arith.constant 0 : i32
      %dma_start3A_26 = tpu.memref_slice %arg7[%dma_start3A, %dma_start3A_24, %dma_start3A_25] : memref<2x128x128xf32, #tpu.memory_space<vmem>> -> memref<1x128x128xf32, #tpu.memory_space<vmem>>
      %dma_start3A_27 = tpu.memref_squeeze %dma_start3A_26 : memref<1x128x128xf32, #tpu.memory_space<vmem>> -> memref<128x128xf32, #tpu.memory_space<vmem>>
      %dma_start3A_28 = arith.constant 0 : i32
      %dma_start3A_29 = tpu.memref_slice %arg2[%add3A_23, %dma_start3A_28] : memref<327680x128xf32, #tpu.memory_space<hbm>> -> memref<128x128xf32, #tpu.memory_space<hbm>>
      %dma_start3A_30 = arith.constant 0 : i32
      %dma_start3A_31 = arith.constant 0 : i32
      %dma_start3A_32 = tpu.memref_slice %arg7[%dma_start3A, %dma_start3A_30, %dma_start3A_31] : memref<2x128x128xf32, #tpu.memory_space<vmem>> -> memref<1x128x128xf32, #tpu.memory_space<vmem>>
      %dma_start3A_33 = tpu.memref_squeeze %dma_start3A_32 : memref<1x128x128xf32, #tpu.memory_space<vmem>> -> memref<128x128xf32, #tpu.memory_space<vmem>>
      %dma_start3A_34 = arith.constant 0 : i32
      %dma_start3A_35 = tpu.memref_slice %arg2[%add3A_23, %dma_start3A_34] : memref<327680x128xf32, #tpu.memory_space<hbm>> -> memref<128x128xf32, #tpu.memory_space<hbm>>
      tpu.enqueue_dma source(%dma_start3A_35 : memref<128x128xf32, #tpu.memory_space<hbm>>) target(%dma_start3A_33 : memref<128x128xf32, #tpu.memory_space<vmem>>) target_semaphore(%arg9 : memref<!tpu.dma_semaphore, #tpu.memory_space<semaphore_mem>>)
      %add3A_36 = arith.constant 1 : i32
      %add3A_37 = arith.addi %mul3A_18, %add3A_36 : i32
      %mul3A_38 = arith.constant 128 : i32
      %mul3A_39 = arith.muli %add3A_37, %mul3A_38 : i32
      %add3A_40 = arith.addi %add3A, %mul3A_39 : i32
      %dma_start3A_41 = arith.constant 1 : i32
      %dma_start3A_42 = arith.constant 0 : i32
      %dma_start3A_43 = arith.constant 0 : i32
      %dma_start3A_44 = tpu.memref_slice %arg7[%dma_start3A_41, %dma_start3A_42, %dma_start3A_43] : memref<2x128x128xf32, #tpu.memory_space<vmem>> -> memref<1x128x128xf32, #tpu.memory_space<vmem>>
      %dma_start3A_45 = tpu.memref_squeeze %dma_start3A_44 : memref<1x128x128xf32, #tpu.memory_space<vmem>> -> memref<128x128xf32, #tpu.memory_space<vmem>>
      %dma_start3A_46 = arith.constant 0 : i32
      %dma_start3A_47 = tpu.memref_slice %arg2[%add3A_40, %dma_start3A_46] : memref<327680x128xf32, #tpu.memory_space<hbm>> -> memref<128x128xf32, #tpu.memory_space<hbm>>
      %dma_start3A_48 = arith.constant 0 : i32
      %dma_start3A_49 = arith.constant 0 : i32
      %dma_start3A_50 = tpu.memref_slice %arg7[%dma_start3A_41, %dma_start3A_48, %dma_start3A_49] : memref<2x128x128xf32, #tpu.memory_space<vmem>> -> memref<1x128x128xf32, #tpu.memory_space<vmem>>
      %dma_start3A_51 = tpu.memref_squeeze %dma_start3A_50 : memref<1x128x128xf32, #tpu.memory_space<vmem>> -> memref<128x128xf32, #tpu.memory_space<vmem>>
      %dma_start3A_52 = arith.constant 0 : i32
      %dma_start3A_53 = tpu.memref_slice %arg2[%add3A_40, %dma_start3A_52] : memref<327680x128xf32, #tpu.memory_space<hbm>> -> memref<128x128xf32, #tpu.memory_space<hbm>>
      tpu.enqueue_dma source(%dma_start3A_53 : memref<128x128xf32, #tpu.memory_space<hbm>>) target(%dma_start3A_51 : memref<128x128xf32, #tpu.memory_space<vmem>>) target_semaphore(%arg10 : memref<!tpu.dma_semaphore, #tpu.memory_space<semaphore_mem>>)
      %add3A_54 = arith.constant 0 : i32
      %add3A_55 = arith.addi %mul3A_18, %add3A_54 : i32
      %mul3A_56 = arith.constant 128 : i32
      %mul3A_57 = arith.muli %add3A_55, %mul3A_56 : i32
      %add3A_58 = arith.addi %add3A, %mul3A_57 : i32
      %dma_wait3A = arith.constant 0 : i32
      %dma_wait3A_59 = arith.constant 0 : i32
      %dma_wait3A_60 = arith.constant 0 : i32
      %dma_wait3A_61 = tpu.memref_slice %arg7[%dma_wait3A, %dma_wait3A_59, %dma_wait3A_60] : memref<2x128x128xf32, #tpu.memory_space<vmem>> -> memref<1x128x128xf32, #tpu.memory_space<vmem>>
      %dma_wait3A_62 = tpu.memref_squeeze %dma_wait3A_61 : memref<1x128x128xf32, #tpu.memory_space<vmem>> -> memref<128x128xf32, #tpu.memory_space<vmem>>
      %dma_wait3A_63 = arith.constant 0 : i32
      %dma_wait3A_64 = tpu.memref_slice %arg2[%add3A_58, %dma_wait3A_63] : memref<327680x128xf32, #tpu.memory_space<hbm>> -> memref<128x128xf32, #tpu.memory_space<hbm>>
      %dma_wait3A_65 = arith.constant 0 : i32
      %dma_wait3A_66 = arith.constant 0 : i32
      %dma_wait3A_67 = tpu.memref_slice %arg7[%dma_wait3A, %dma_wait3A_65, %dma_wait3A_66] : memref<2x128x128xf32, #tpu.memory_space<vmem>> -> memref<1x128x128xf32, #tpu.memory_space<vmem>>
      %dma_wait3A_68 = tpu.memref_squeeze %dma_wait3A_67 : memref<1x128x128xf32, #tpu.memory_space<vmem>> -> memref<128x128xf32, #tpu.memory_space<vmem>>
      %dma_wait3A_69 = arith.constant 0 : i32
      %dma_wait3A_70 = tpu.memref_slice %arg2[%add3A_58, %dma_wait3A_69] : memref<327680x128xf32, #tpu.memory_space<hbm>> -> memref<128x128xf32, #tpu.memory_space<hbm>>
      tpu.wait_dma2 semaphore(%arg9 : memref<!tpu.dma_semaphore, #tpu.memory_space<semaphore_mem>>) src(%dma_wait3A_70 : memref<128x128xf32, #tpu.memory_space<hbm>>) dst(%dma_wait3A_68 : memref<128x128xf32, #tpu.memory_space<vmem>>)
      %run_scoped3A = arith.constant 0 : i32
      "tpu.region"() ({
        %run_scoped3A_90 = tpu.sem_alloc : memref<!tpu.dma_semaphore, #tpu.memory_space<semaphore_mem>>
        %dma_start3A_91 = arith.constant 0 : i32
        %dma_start3A_92 = arith.constant 0 : i32
        %dma_start3A_93 = tpu.memref_slice %arg7[%run_scoped3A, %dma_start3A_91, %dma_start3A_92] : memref<2x128x128xf32, #tpu.memory_space<vmem>> -> memref<1x128x128xf32, #tpu.memory_space<vmem>>
        %dma_start3A_94 = tpu.memref_squeeze %dma_start3A_93 : memref<1x128x128xf32, #tpu.memory_space<vmem>> -> memref<128x128xf32, #tpu.memory_space<vmem>>
        %dma_start3A_95 = arith.constant 0 : i32
        %dma_start3A_96 = tpu.memref_slice %arg6[%add3A_55, %dma_start3A_95] : memref<80x128xi32, #tpu.memory_space<vmem>> -> memref<1x128xi32, #tpu.memory_space<vmem>>
        %dma_start3A_97 = tpu.memref_squeeze %dma_start3A_96 : memref<1x128xi32, #tpu.memory_space<vmem>> -> memref<128xi32, #tpu.memory_space<vmem>>
        %dma_start3A_98 = arith.constant 0 : i32
        %dma_start3A_99 = arith.constant 0 : i32
        %dma_start3A_100 = tpu.memref_slice %arg8[%dma_start3A_98, %dma_start3A_99] : memref<10112x128xf32, #tpu.memory_space<vmem_shared>> -> memref<10112x128xf32, #tpu.memory_space<vmem_shared>>
        tpu.enqueue_indirect_dma source(%dma_start3A_94 : memref<128x128xf32, #tpu.memory_space<vmem>>) target(%dma_start3A_100 : memref<10112x128xf32, #tpu.memory_space<vmem_shared>>) offsets(%dma_start3A_97 : memref<128xi32, #tpu.memory_space<vmem>>) semaphore(%run_scoped3A_90 : memref<!tpu.dma_semaphore, #tpu.memory_space<semaphore_mem>>) {add = true}
        %dma_wait3A_101 = arith.constant 0 : i32
        %dma_wait3A_102 = arith.constant 0 : i32
        %dma_wait3A_103 = tpu.memref_slice %arg7[%run_scoped3A, %dma_wait3A_101, %dma_wait3A_102] : memref<2x128x128xf32, #tpu.memory_space<vmem>> -> memref<1x128x128xf32, #tpu.memory_space<vmem>>
        %dma_wait3A_104 = tpu.memref_squeeze %dma_wait3A_103 : memref<1x128x128xf32, #tpu.memory_space<vmem>> -> memref<128x128xf32, #tpu.memory_space<vmem>>
        %dma_wait3A_105 = arith.constant 0 : i32
        %dma_wait3A_106 = tpu.memref_slice %arg6[%add3A_55, %dma_wait3A_105] : memref<80x128xi32, #tpu.memory_space<vmem>> -> memref<1x128xi32, #tpu.memory_space<vmem>>
        %dma_wait3A_107 = tpu.memref_squeeze %dma_wait3A_106 : memref<1x128xi32, #tpu.memory_space<vmem>> -> memref<128xi32, #tpu.memory_space<vmem>>
        %dma_wait3A_108 = arith.constant 0 : i32
        %dma_wait3A_109 = arith.constant 0 : i32
        %dma_wait3A_110 = tpu.memref_slice %arg8[%dma_wait3A_108, %dma_wait3A_109] : memref<10112x128xf32, #tpu.memory_space<vmem_shared>> -> memref<10112x128xf32, #tpu.memory_space<vmem_shared>>
        tpu.wait_indirect_dma semaphore(%run_scoped3A_90 : memref<!tpu.dma_semaphore, #tpu.memory_space<semaphore_mem>>) src(%dma_wait3A_104 : memref<128x128xf32, #tpu.memory_space<vmem>>) dst(%dma_wait3A_110 : memref<10112x128xf32, #tpu.memory_space<vmem_shared>>)
        tpu.yield
      }) : () -> ()
      %add3A_71 = arith.constant 1 : i32
      %add3A_72 = arith.addi %mul3A_18, %add3A_71 : i32
      %mul3A_73 = arith.constant 128 : i32
      %mul3A_74 = arith.muli %add3A_72, %mul3A_73 : i32
      %add3A_75 = arith.addi %add3A, %mul3A_74 : i32
      %dma_wait3A_76 = arith.constant 1 : i32
      %dma_wait3A_77 = arith.constant 0 : i32
      %dma_wait3A_78 = arith.constant 0 : i32
      %dma_wait3A_79 = tpu.memref_slice %arg7[%dma_wait3A_76, %dma_wait3A_77, %dma_wait3A_78] : memref<2x128x128xf32, #tpu.memory_space<vmem>> -> memref<1x128x128xf32, #tpu.memory_space<vmem>>
      %dma_wait3A_80 = tpu.memref_squeeze %dma_wait3A_79 : memref<1x128x128xf32, #tpu.memory_space<vmem>> -> memref<128x128xf32, #tpu.memory_space<vmem>>
      %dma_wait3A_81 = arith.constant 0 : i32
      %dma_wait3A_82 = tpu.memref_slice %arg2[%add3A_75, %dma_wait3A_81] : memref<327680x128xf32, #tpu.memory_space<hbm>> -> memref<128x128xf32, #tpu.memory_space<hbm>>
      %dma_wait3A_83 = arith.constant 0 : i32
      %dma_wait3A_84 = arith.constant 0 : i32
      %dma_wait3A_85 = tpu.memref_slice %arg7[%dma_wait3A_76, %dma_wait3A_83, %dma_wait3A_84] : memref<2x128x128xf32, #tpu.memory_space<vmem>> -> memref<1x128x128xf32, #tpu.memory_space<vmem>>
      %dma_wait3A_86 = tpu.memref_squeeze %dma_wait3A_85 : memref<1x128x128xf32, #tpu.memory_space<vmem>> -> memref<128x128xf32, #tpu.memory_space<vmem>>
      %dma_wait3A_87 = arith.constant 0 : i32
      %dma_wait3A_88 = tpu.memref_slice %arg2[%add3A_75, %dma_wait3A_87] : memref<327680x128xf32, #tpu.memory_space<hbm>> -> memref<128x128xf32, #tpu.memory_space<hbm>>
      tpu.wait_dma2 semaphore(%arg10 : memref<!tpu.dma_semaphore, #tpu.memory_space<semaphore_mem>>) src(%dma_wait3A_88 : memref<128x128xf32, #tpu.memory_space<hbm>>) dst(%dma_wait3A_86 : memref<128x128xf32, #tpu.memory_space<vmem>>)
      %run_scoped3A_89 = arith.constant 1 : i32
      "tpu.region"() ({
        %run_scoped3A_90 = tpu.sem_alloc : memref<!tpu.dma_semaphore, #tpu.memory_space<semaphore_mem>>
        %dma_start3A_91 = arith.constant 0 : i32
        %dma_start3A_92 = arith.constant 0 : i32
        %dma_start3A_93 = tpu.memref_slice %arg7[%run_scoped3A_89, %dma_start3A_91, %dma_start3A_92] : memref<2x128x128xf32, #tpu.memory_space<vmem>> -> memref<1x128x128xf32, #tpu.memory_space<vmem>>
        %dma_start3A_94 = tpu.memref_squeeze %dma_start3A_93 : memref<1x128x128xf32, #tpu.memory_space<vmem>> -> memref<128x128xf32, #tpu.memory_space<vmem>>
        %dma_start3A_95 = arith.constant 0 : i32
        %dma_start3A_96 = tpu.memref_slice %arg6[%add3A_72, %dma_start3A_95] : memref<80x128xi32, #tpu.memory_space<vmem>> -> memref<1x128xi32, #tpu.memory_space<vmem>>
        %dma_start3A_97 = tpu.memref_squeeze %dma_start3A_96 : memref<1x128xi32, #tpu.memory_space<vmem>> -> memref<128xi32, #tpu.memory_space<vmem>>
        %dma_start3A_98 = arith.constant 0 : i32
        %dma_start3A_99 = arith.constant 0 : i32
        %dma_start3A_100 = tpu.memref_slice %arg8[%dma_start3A_98, %dma_start3A_99] : memref<10112x128xf32, #tpu.memory_space<vmem_shared>> -> memref<10112x128xf32, #tpu.memory_space<vmem_shared>>
        tpu.enqueue_indirect_dma source(%dma_start3A_94 : memref<128x128xf32, #tpu.memory_space<vmem>>) target(%dma_start3A_100 : memref<10112x128xf32, #tpu.memory_space<vmem_shared>>) offsets(%dma_start3A_97 : memref<128xi32, #tpu.memory_space<vmem>>) semaphore(%run_scoped3A_90 : memref<!tpu.dma_semaphore, #tpu.memory_space<semaphore_mem>>) {add = true}
        %dma_wait3A_101 = arith.constant 0 : i32
        %dma_wait3A_102 = arith.constant 0 : i32
        %dma_wait3A_103 = tpu.memref_slice %arg7[%run_scoped3A_89, %dma_wait3A_101, %dma_wait3A_102] : memref<2x128x128xf32, #tpu.memory_space<vmem>> -> memref<1x128x128xf32, #tpu.memory_space<vmem>>
        %dma_wait3A_104 = tpu.memref_squeeze %dma_wait3A_103 : memref<1x128x128xf32, #tpu.memory_space<vmem>> -> memref<128x128xf32, #tpu.memory_space<vmem>>
        %dma_wait3A_105 = arith.constant 0 : i32
        %dma_wait3A_106 = tpu.memref_slice %arg6[%add3A_72, %dma_wait3A_105] : memref<80x128xi32, #tpu.memory_space<vmem>> -> memref<1x128xi32, #tpu.memory_space<vmem>>
        %dma_wait3A_107 = tpu.memref_squeeze %dma_wait3A_106 : memref<1x128xi32, #tpu.memory_space<vmem>> -> memref<128xi32, #tpu.memory_space<vmem>>
        %dma_wait3A_108 = arith.constant 0 : i32
        %dma_wait3A_109 = arith.constant 0 : i32
        %dma_wait3A_110 = tpu.memref_slice %arg8[%dma_wait3A_108, %dma_wait3A_109] : memref<10112x128xf32, #tpu.memory_space<vmem_shared>> -> memref<10112x128xf32, #tpu.memory_space<vmem_shared>>
        tpu.wait_indirect_dma semaphore(%run_scoped3A_90 : memref<!tpu.dma_semaphore, #tpu.memory_space<semaphore_mem>>) src(%dma_wait3A_104 : memref<128x128xf32, #tpu.memory_space<vmem>>) dst(%dma_wait3A_110 : memref<10112x128xf32, #tpu.memory_space<vmem_shared>>)
        tpu.yield
      }) : () -> ()
    }
    %scan3A_14 = arith.constant 40 : i32
    %barrier3A_15 = arith.constant 0 : index
    tpu.barrier barrier_id(%barrier3A_15)
    "tpu.region"() ({
      %run_scoped3A = tpu.sem_alloc : memref<!tpu.dma_semaphore, #tpu.memory_space<semaphore_mem>>
      %dma_start3A = arith.constant 0 : i32
      %dma_start3A_16 = tpu.memref_slice %arg5[%arg0, %mul3A_0, %dma_start3A] : memref<2x10112x128xf32, #tpu.memory_space<hbm>> -> memref<1x632x128xf32, #tpu.memory_space<hbm>>
      %dma_start3A_17 = tpu.memref_squeeze %dma_start3A_16 : memref<1x632x128xf32, #tpu.memory_space<hbm>> -> memref<632x128xf32, #tpu.memory_space<hbm>>
      %dma_start3A_18 = arith.constant 0 : i32
      %dma_start3A_19 = tpu.memref_slice %arg8[%mul3A_0, %dma_start3A_18] : memref<10112x128xf32, #tpu.memory_space<vmem_shared>> -> memref<632x128xf32, #tpu.memory_space<vmem_shared>>
      tpu.enqueue_dma source(%dma_start3A_19 : memref<632x128xf32, #tpu.memory_space<vmem_shared>>) target(%dma_start3A_17 : memref<632x128xf32, #tpu.memory_space<hbm>>) target_semaphore(%run_scoped3A : memref<!tpu.dma_semaphore, #tpu.memory_space<semaphore_mem>>)
      %dma_wait3A = arith.constant 0 : i32
      %dma_wait3A_20 = tpu.memref_slice %arg5[%arg0, %mul3A_0, %dma_wait3A] : memref<2x10112x128xf32, #tpu.memory_space<hbm>> -> memref<1x632x128xf32, #tpu.memory_space<hbm>>
      %dma_wait3A_21 = tpu.memref_squeeze %dma_wait3A_20 : memref<1x632x128xf32, #tpu.memory_space<hbm>> -> memref<632x128xf32, #tpu.memory_space<hbm>>
      %dma_wait3A_22 = arith.constant 0 : i32
      %dma_wait3A_23 = tpu.memref_slice %arg8[%mul3A_0, %dma_wait3A_22] : memref<10112x128xf32, #tpu.memory_space<vmem_shared>> -> memref<632x128xf32, #tpu.memory_space<vmem_shared>>
      tpu.wait_dma2 semaphore(%run_scoped3A : memref<!tpu.dma_semaphore, #tpu.memory_space<semaphore_mem>>) src(%dma_wait3A_23 : memref<632x128xf32, #tpu.memory_space<vmem_shared>>) dst(%dma_wait3A_21 : memref<632x128xf32, #tpu.memory_space<hbm>>)
      tpu.yield
    }) : () -> ()
    return
  }
}

#map = affine_map<(d0, d1) -> (0, 0)>
#map1 = affine_map<(d0, d1) -> (0, 0, 0)>
module attributes {stable_mosaic.version = 14 : i64} {
  func.func @k(%arg0: i32, %arg1: i32, %arg2: memref<327680x128xf32, #tpu.memory_space<hbm>>, %arg3: memref<2560x128xi32, #tpu.memory_space<hbm>>, %arg4: memref<10112x128xf32, #tpu.memory_space<hbm>>, %arg5: memref<2x10112x128xf32, #tpu.memory_space<hbm>>, %arg6: memref<80x128xi32, #tpu.memory_space<vmem>>, %arg7: memref<2x128x128xf32, #tpu.memory_space<vmem>>, %arg8: memref<10112x128xf32, #tpu.memory_space<vmem_shared>>, %arg9: memref<!tpu.dma_semaphore, #tpu.memory_space<semaphore_mem>>, %arg10: memref<!tpu.dma_semaphore, #tpu.memory_space<semaphore_mem>>) attributes {dimension_semantics = [#tpu.dimension_semantics<core_parallel>, #tpu.dimension_semantics<subcore_parallel>], iteration_bounds = array<i64: 2, 16>, scalar_prefetch = 0 : i64, scratch_operands = 5 : i64, tpu.core_type = #tpu.core_type<sc_vector_subcore>, window_params = [{transform_indices = #map}, {transform_indices = #map}, {transform_indices = #map}, {transform_indices = #map1}]} {
    %mul3A = arith.constant 632 : i32
    %mul3A_0 = arith.muli %arg1, %mul3A : i32
    "tpu.region"() ({
      %run_scoped3A = tpu.sem_alloc : memref<!tpu.dma_semaphore, #tpu.memory_space<semaphore_mem>>
      %dma_start3A = arith.constant 0 : i32
      %dma_start3A_16 = tpu.memref_slice %arg8[%mul3A_0, %dma_start3A] : memref<10112x128xf32, #tpu.memory_space<vmem_shared>> -> memref<632x128xf32, #tpu.memory_space<vmem_shared>>
      %dma_start3A_17 = arith.constant 0 : i32
      %dma_start3A_18 = tpu.memref_slice %arg4[%mul3A_0, %dma_start3A_17] : memref<10112x128xf32, #tpu.memory_space<hbm>> -> memref<632x128xf32, #tpu.memory_space<hbm>>
      tpu.enqueue_dma source(%dma_start3A_18 : memref<632x128xf32, #tpu.memory_space<hbm>>) target(%dma_start3A_16 : memref<632x128xf32, #tpu.memory_space<vmem_shared>>) target_semaphore(%run_scoped3A : memref<!tpu.dma_semaphore, #tpu.memory_space<semaphore_mem>>)
      %dma_wait3A = arith.constant 0 : i32
      %dma_wait3A_19 = tpu.memref_slice %arg8[%mul3A_0, %dma_wait3A] : memref<10112x128xf32, #tpu.memory_space<vmem_shared>> -> memref<632x128xf32, #tpu.memory_space<vmem_shared>>
      %dma_wait3A_20 = arith.constant 0 : i32
      %dma_wait3A_21 = tpu.memref_slice %arg4[%mul3A_0, %dma_wait3A_20] : memref<10112x128xf32, #tpu.memory_space<hbm>> -> memref<632x128xf32, #tpu.memory_space<hbm>>
      tpu.wait_dma2 semaphore(%run_scoped3A : memref<!tpu.dma_semaphore, #tpu.memory_space<semaphore_mem>>) src(%dma_wait3A_21 : memref<632x128xf32, #tpu.memory_space<hbm>>) dst(%dma_wait3A_19 : memref<632x128xf32, #tpu.memory_space<vmem_shared>>)
      tpu.yield
    }) : () -> ()
    %mul3A_1 = arith.constant 163840 : i32
    %mul3A_2 = arith.muli %arg0, %mul3A_1 : i32
    %mul3A_3 = arith.constant 10240 : i32
    %mul3A_4 = arith.muli %arg1, %mul3A_3 : i32
    %add3A = arith.addi %mul3A_2, %mul3A_4 : i32
    %mul3A_5 = arith.constant 1280 : i32
    %mul3A_6 = arith.muli %arg0, %mul3A_5 : i32
    %mul3A_7 = arith.constant 80 : i32
    %mul3A_8 = arith.muli %arg1, %mul3A_7 : i32
    %add3A_9 = arith.addi %mul3A_6, %mul3A_8 : i32
    "tpu.region"() ({
      %run_scoped3A = tpu.sem_alloc : memref<!tpu.dma_semaphore, #tpu.memory_space<semaphore_mem>>
      %dma_start3A = arith.constant 0 : i32
      %dma_start3A_16 = tpu.memref_slice %arg3[%add3A_9, %dma_start3A] : memref<2560x128xi32, #tpu.memory_space<hbm>> -> memref<80x128xi32, #tpu.memory_space<hbm>>
      %dma_start3A_17 = arith.constant 0 : i32
      %dma_start3A_18 = tpu.memref_slice %arg3[%add3A_9, %dma_start3A_17] : memref<2560x128xi32, #tpu.memory_space<hbm>> -> memref<80x128xi32, #tpu.memory_space<hbm>>
      tpu.enqueue_dma source(%dma_start3A_18 : memref<80x128xi32, #tpu.memory_space<hbm>>) target(%arg6 : memref<80x128xi32, #tpu.memory_space<vmem>>) target_semaphore(%run_scoped3A : memref<!tpu.dma_semaphore, #tpu.memory_space<semaphore_mem>>)
      %dma_wait3A = arith.constant 0 : i32
      %dma_wait3A_19 = tpu.memref_slice %arg3[%add3A_9, %dma_wait3A] : memref<2560x128xi32, #tpu.memory_space<hbm>> -> memref<80x128xi32, #tpu.memory_space<hbm>>
      %dma_wait3A_20 = arith.constant 0 : i32
      %dma_wait3A_21 = tpu.memref_slice %arg3[%add3A_9, %dma_wait3A_20] : memref<2560x128xi32, #tpu.memory_space<hbm>> -> memref<80x128xi32, #tpu.memory_space<hbm>>
      tpu.wait_dma2 semaphore(%run_scoped3A : memref<!tpu.dma_semaphore, #tpu.memory_space<semaphore_mem>>) src(%dma_wait3A_21 : memref<80x128xi32, #tpu.memory_space<hbm>>) dst(%arg6 : memref<80x128xi32, #tpu.memory_space<vmem>>)
      tpu.yield
    }) : () -> ()
    %barrier3A = arith.constant 0 : index
    tpu.barrier barrier_id(%barrier3A)
    %scan3A = arith.constant 0 : i32
    %scan3A_10 = arith.constant 0 : i32
    %scan3A_11 = arith.constant 40 : i32
    %scan3A_12 = arith.addi %scan3A_10, %scan3A_11 : i32
    %scan3A_13 = arith.constant 1 : i32
    scf.for %scan3A_16 = %scan3A_10 to %scan3A_12 step %scan3A_13  : i32 {
      %mul3A_17 = arith.constant 2 : i32
      %mul3A_18 = arith.muli %scan3A_16, %mul3A_17 : i32
      %add3A_19 = arith.constant 0 : i32
      %add3A_20 = arith.addi %mul3A_18, %add3A_19 : i32
      %mul3A_21 = arith.constant 128 : i32
      %mul3A_22 = arith.muli %add3A_20, %mul3A_21 : i32
      %add3A_23 = arith.addi %add3A, %mul3A_22 : i32
      %dma_start3A = arith.constant 0 : i32
      %dma_start3A_24 = arith.constant 0 : i32
      %dma_start3A_25 = arith.constant 0 : i32
      %dma_start3A_26 = tpu.memref_slice %arg7[%dma_start3A, %dma_start3A_24, %dma_start3A_25] : memref<2x128x128xf32, #tpu.memory_space<vmem>> -> memref<1x128x128xf32, #tpu.memory_space<vmem>>
      %dma_start3A_27 = tpu.memref_squeeze %dma_start3A_26 : memref<1x128x128xf32, #tpu.memory_space<vmem>> -> memref<128x128xf32, #tpu.memory_space<vmem>>
      %dma_start3A_28 = arith.constant 0 : i32
      %dma_start3A_29 = tpu.memref_slice %arg2[%add3A_23, %dma_start3A_28] : memref<327680x128xf32, #tpu.memory_space<hbm>> -> memref<128x128xf32, #tpu.memory_space<hbm>>
      %dma_start3A_30 = arith.constant 0 : i32
      %dma_start3A_31 = arith.constant 0 : i32
      %dma_start3A_32 = tpu.memref_slice %arg7[%dma_start3A, %dma_start3A_30, %dma_start3A_31] : memref<2x128x128xf32, #tpu.memory_space<vmem>> -> memref<1x128x128xf32, #tpu.memory_space<vmem>>
      %dma_start3A_33 = tpu.memref_squeeze %dma_start3A_32 : memref<1x128x128xf32, #tpu.memory_space<vmem>> -> memref<128x128xf32, #tpu.memory_space<vmem>>
      %dma_start3A_34 = arith.constant 0 : i32
      %dma_start3A_35 = tpu.memref_slice %arg2[%add3A_23, %dma_start3A_34] : memref<327680x128xf32, #tpu.memory_space<hbm>> -> memref<128x128xf32, #tpu.memory_space<hbm>>
      tpu.enqueue_dma source(%dma_start3A_35 : memref<128x128xf32, #tpu.memory_space<hbm>>) target(%dma_start3A_33 : memref<128x128xf32, #tpu.memory_space<vmem>>) target_semaphore(%arg9 : memref<!tpu.dma_semaphore, #tpu.memory_space<semaphore_mem>>)
      %add3A_36 = arith.constant 1 : i32
      %add3A_37 = arith.addi %mul3A_18, %add3A_36 : i32
      %mul3A_38 = arith.constant 128 : i32
      %mul3A_39 = arith.muli %add3A_37, %mul3A_38 : i32
      %add3A_40 = arith.addi %add3A, %mul3A_39 : i32
      %dma_start3A_41 = arith.constant 1 : i32
      %dma_start3A_42 = arith.constant 0 : i32
      %dma_start3A_43 = arith.constant 0 : i32
      %dma_start3A_44 = tpu.memref_slice %arg7[%dma_start3A_41, %dma_start3A_42, %dma_start3A_43] : memref<2x128x128xf32, #tpu.memory_space<vmem>> -> memref<1x128x128xf32, #tpu.memory_space<vmem>>
      %dma_start3A_45 = tpu.memref_squeeze %dma_start3A_44 : memref<1x128x128xf32, #tpu.memory_space<vmem>> -> memref<128x128xf32, #tpu.memory_space<vmem>>
      %dma_start3A_46 = arith.constant 0 : i32
      %dma_start3A_47 = tpu.memref_slice %arg2[%add3A_40, %dma_start3A_46] : memref<327680x128xf32, #tpu.memory_space<hbm>> -> memref<128x128xf32, #tpu.memory_space<hbm>>
      %dma_start3A_48 = arith.constant 0 : i32
      %dma_start3A_49 = arith.constant 0 : i32
      %dma_start3A_50 = tpu.memref_slice %arg7[%dma_start3A_41, %dma_start3A_48, %dma_start3A_49] : memref<2x128x128xf32, #tpu.memory_space<vmem>> -> memref<1x128x128xf32, #tpu.memory_space<vmem>>
      %dma_start3A_51 = tpu.memref_squeeze %dma_start3A_50 : memref<1x128x128xf32, #tpu.memory_space<vmem>> -> memref<128x128xf32, #tpu.memory_space<vmem>>
      %dma_start3A_52 = arith.constant 0 : i32
      %dma_start3A_53 = tpu.memref_slice %arg2[%add3A_40, %dma_start3A_52] : memref<327680x128xf32, #tpu.memory_space<hbm>> -> memref<128x128xf32, #tpu.memory_space<hbm>>
      tpu.enqueue_dma source(%dma_start3A_53 : memref<128x128xf32, #tpu.memory_space<hbm>>) target(%dma_start3A_51 : memref<128x128xf32, #tpu.memory_space<vmem>>) target_semaphore(%arg10 : memref<!tpu.dma_semaphore, #tpu.memory_space<semaphore_mem>>)
      %add3A_54 = arith.constant 0 : i32
      %add3A_55 = arith.addi %mul3A_18, %add3A_54 : i32
      %mul3A_56 = arith.constant 128 : i32
      %mul3A_57 = arith.muli %add3A_55, %mul3A_56 : i32
      %add3A_58 = arith.addi %add3A, %mul3A_57 : i32
      %dma_wait3A = arith.constant 0 : i32
      %dma_wait3A_59 = arith.constant 0 : i32
      %dma_wait3A_60 = arith.constant 0 : i32
      %dma_wait3A_61 = tpu.memref_slice %arg7[%dma_wait3A, %dma_wait3A_59, %dma_wait3A_60] : memref<2x128x128xf32, #tpu.memory_space<vmem>> -> memref<1x128x128xf32, #tpu.memory_space<vmem>>
      %dma_wait3A_62 = tpu.memref_squeeze %dma_wait3A_61 : memref<1x128x128xf32, #tpu.memory_space<vmem>> -> memref<128x128xf32, #tpu.memory_space<vmem>>
      %dma_wait3A_63 = arith.constant 0 : i32
      %dma_wait3A_64 = tpu.memref_slice %arg2[%add3A_58, %dma_wait3A_63] : memref<327680x128xf32, #tpu.memory_space<hbm>> -> memref<128x128xf32, #tpu.memory_space<hbm>>
      %dma_wait3A_65 = arith.constant 0 : i32
      %dma_wait3A_66 = arith.constant 0 : i32
      %dma_wait3A_67 = tpu.memref_slice %arg7[%dma_wait3A, %dma_wait3A_65, %dma_wait3A_66] : memref<2x128x128xf32, #tpu.memory_space<vmem>> -> memref<1x128x128xf32, #tpu.memory_space<vmem>>
      %dma_wait3A_68 = tpu.memref_squeeze %dma_wait3A_67 : memref<1x128x128xf32, #tpu.memory_space<vmem>> -> memref<128x128xf32, #tpu.memory_space<vmem>>
      %dma_wait3A_69 = arith.constant 0 : i32
      %dma_wait3A_70 = tpu.memref_slice %arg2[%add3A_58, %dma_wait3A_69] : memref<327680x128xf32, #tpu.memory_space<hbm>> -> memref<128x128xf32, #tpu.memory_space<hbm>>
      tpu.wait_dma2 semaphore(%arg9 : memref<!tpu.dma_semaphore, #tpu.memory_space<semaphore_mem>>) src(%dma_wait3A_70 : memref<128x128xf32, #tpu.memory_space<hbm>>) dst(%dma_wait3A_68 : memref<128x128xf32, #tpu.memory_space<vmem>>)
      %run_scoped3A = arith.constant 0 : i32
      "tpu.region"() ({
        %run_scoped3A_90 = tpu.sem_alloc : memref<!tpu.dma_semaphore, #tpu.memory_space<semaphore_mem>>
        %dma_start3A_91 = arith.constant 0 : i32
        %dma_start3A_92 = arith.constant 0 : i32
        %dma_start3A_93 = tpu.memref_slice %arg7[%run_scoped3A, %dma_start3A_91, %dma_start3A_92] : memref<2x128x128xf32, #tpu.memory_space<vmem>> -> memref<1x128x128xf32, #tpu.memory_space<vmem>>
        %dma_start3A_94 = tpu.memref_squeeze %dma_start3A_93 : memref<1x128x128xf32, #tpu.memory_space<vmem>> -> memref<128x128xf32, #tpu.memory_space<vmem>>
        %dma_start3A_95 = arith.constant 0 : i32
        %dma_start3A_96 = tpu.memref_slice %arg6[%add3A_55, %dma_start3A_95] : memref<80x128xi32, #tpu.memory_space<vmem>> -> memref<1x128xi32, #tpu.memory_space<vmem>>
        %dma_start3A_97 = tpu.memref_squeeze %dma_start3A_96 : memref<1x128xi32, #tpu.memory_space<vmem>> -> memref<128xi32, #tpu.memory_space<vmem>>
        %dma_start3A_98 = arith.constant 0 : i32
        %dma_start3A_99 = arith.constant 0 : i32
        %dma_start3A_100 = tpu.memref_slice %arg8[%dma_start3A_98, %dma_start3A_99] : memref<10112x128xf32, #tpu.memory_space<vmem_shared>> -> memref<10112x128xf32, #tpu.memory_space<vmem_shared>>
        tpu.enqueue_indirect_dma source(%dma_start3A_94 : memref<128x128xf32, #tpu.memory_space<vmem>>) target(%dma_start3A_100 : memref<10112x128xf32, #tpu.memory_space<vmem_shared>>) offsets(%dma_start3A_97 : memref<128xi32, #tpu.memory_space<vmem>>) semaphore(%run_scoped3A_90 : memref<!tpu.dma_semaphore, #tpu.memory_space<semaphore_mem>>) {add = true}
        %dma_wait3A_101 = arith.constant 0 : i32
        %dma_wait3A_102 = arith.constant 0 : i32
        %dma_wait3A_103 = tpu.memref_slice %arg7[%run_scoped3A, %dma_wait3A_101, %dma_wait3A_102] : memref<2x128x128xf32, #tpu.memory_space<vmem>> -> memref<1x128x128xf32, #tpu.memory_space<vmem>>
        %dma_wait3A_104 = tpu.memref_squeeze %dma_wait3A_103 : memref<1x128x128xf32, #tpu.memory_space<vmem>> -> memref<128x128xf32, #tpu.memory_space<vmem>>
        %dma_wait3A_105 = arith.constant 0 : i32
        %dma_wait3A_106 = tpu.memref_slice %arg6[%add3A_55, %dma_wait3A_105] : memref<80x128xi32, #tpu.memory_space<vmem>> -> memref<1x128xi32, #tpu.memory_space<vmem>>
        %dma_wait3A_107 = tpu.memref_squeeze %dma_wait3A_106 : memref<1x128xi32, #tpu.memory_space<vmem>> -> memref<128xi32, #tpu.memory_space<vmem>>
        %dma_wait3A_108 = arith.constant 0 : i32
        %dma_wait3A_109 = arith.constant 0 : i32
        %dma_wait3A_110 = tpu.memref_slice %arg8[%dma_wait3A_108, %dma_wait3A_109] : memref<10112x128xf32, #tpu.memory_space<vmem_shared>> -> memref<10112x128xf32, #tpu.memory_space<vmem_shared>>
        tpu.wait_indirect_dma semaphore(%run_scoped3A_90 : memref<!tpu.dma_semaphore, #tpu.memory_space<semaphore_mem>>) src(%dma_wait3A_104 : memref<128x128xf32, #tpu.memory_space<vmem>>) dst(%dma_wait3A_110 : memref<10112x128xf32, #tpu.memory_space<vmem_shared>>)
        tpu.yield
      }) : () -> ()
      %add3A_71 = arith.constant 1 : i32
      %add3A_72 = arith.addi %mul3A_18, %add3A_71 : i32
      %mul3A_73 = arith.constant 128 : i32
      %mul3A_74 = arith.muli %add3A_72, %mul3A_73 : i32
      %add3A_75 = arith.addi %add3A, %mul3A_74 : i32
      %dma_wait3A_76 = arith.constant 1 : i32
      %dma_wait3A_77 = arith.constant 0 : i32
      %dma_wait3A_78 = arith.constant 0 : i32
      %dma_wait3A_79 = tpu.memref_slice %arg7[%dma_wait3A_76, %dma_wait3A_77, %dma_wait3A_78] : memref<2x128x128xf32, #tpu.memory_space<vmem>> -> memref<1x128x128xf32, #tpu.memory_space<vmem>>
      %dma_wait3A_80 = tpu.memref_squeeze %dma_wait3A_79 : memref<1x128x128xf32, #tpu.memory_space<vmem>> -> memref<128x128xf32, #tpu.memory_space<vmem>>
      %dma_wait3A_81 = arith.constant 0 : i32
      %dma_wait3A_82 = tpu.memref_slice %arg2[%add3A_75, %dma_wait3A_81] : memref<327680x128xf32, #tpu.memory_space<hbm>> -> memref<128x128xf32, #tpu.memory_space<hbm>>
      %dma_wait3A_83 = arith.constant 0 : i32
      %dma_wait3A_84 = arith.constant 0 : i32
      %dma_wait3A_85 = tpu.memref_slice %arg7[%dma_wait3A_76, %dma_wait3A_83, %dma_wait3A_84] : memref<2x128x128xf32, #tpu.memory_space<vmem>> -> memref<1x128x128xf32, #tpu.memory_space<vmem>>
      %dma_wait3A_86 = tpu.memref_squeeze %dma_wait3A_85 : memref<1x128x128xf32, #tpu.memory_space<vmem>> -> memref<128x128xf32, #tpu.memory_space<vmem>>
      %dma_wait3A_87 = arith.constant 0 : i32
      %dma_wait3A_88 = tpu.memref_slice %arg2[%add3A_75, %dma_wait3A_87] : memref<327680x128xf32, #tpu.memory_space<hbm>> -> memref<128x128xf32, #tpu.memory_space<hbm>>
      tpu.wait_dma2 semaphore(%arg10 : memref<!tpu.dma_semaphore, #tpu.memory_space<semaphore_mem>>) src(%dma_wait3A_88 : memref<128x128xf32, #tpu.memory_space<hbm>>) dst(%dma_wait3A_86 : memref<128x128xf32, #tpu.memory_space<vmem>>)
      %run_scoped3A_89 = arith.constant 1 : i32
      "tpu.region"() ({
        %run_scoped3A_90 = tpu.sem_alloc : memref<!tpu.dma_semaphore, #tpu.memory_space<semaphore_mem>>
        %dma_start3A_91 = arith.constant 0 : i32
        %dma_start3A_92 = arith.constant 0 : i32
        %dma_start3A_93 = tpu.memref_slice %arg7[%run_scoped3A_89, %dma_start3A_91, %dma_start3A_92] : memref<2x128x128xf32, #tpu.memory_space<vmem>> -> memref<1x128x128xf32, #tpu.memory_space<vmem>>
        %dma_start3A_94 = tpu.memref_squeeze %dma_start3A_93 : memref<1x128x128xf32, #tpu.memory_space<vmem>> -> memref<128x128xf32, #tpu.memory_space<vmem>>
        %dma_start3A_95 = arith.constant 0 : i32
        %dma_start3A_96 = tpu.memref_slice %arg6[%add3A_72, %dma_start3A_95] : memref<80x128xi32, #tpu.memory_space<vmem>> -> memref<1x128xi32, #tpu.memory_space<vmem>>
        %dma_start3A_97 = tpu.memref_squeeze %dma_start3A_96 : memref<1x128xi32, #tpu.memory_space<vmem>> -> memref<128xi32, #tpu.memory_space<vmem>>
        %dma_start3A_98 = arith.constant 0 : i32
        %dma_start3A_99 = arith.constant 0 : i32
        %dma_start3A_100 = tpu.memref_slice %arg8[%dma_start3A_98, %dma_start3A_99] : memref<10112x128xf32, #tpu.memory_space<vmem_shared>> -> memref<10112x128xf32, #tpu.memory_space<vmem_shared>>
        tpu.enqueue_indirect_dma source(%dma_start3A_94 : memref<128x128xf32, #tpu.memory_space<vmem>>) target(%dma_start3A_100 : memref<10112x128xf32, #tpu.memory_space<vmem_shared>>) offsets(%dma_start3A_97 : memref<128xi32, #tpu.memory_space<vmem>>) semaphore(%run_scoped3A_90 : memref<!tpu.dma_semaphore, #tpu.memory_space<semaphore_mem>>) {add = true}
        %dma_wait3A_101 = arith.constant 0 : i32
        %dma_wait3A_102 = arith.constant 0 : i32
        %dma_wait3A_103 = tpu.memref_slice %arg7[%run_scoped3A_89, %dma_wait3A_101, %dma_wait3A_102] : memref<2x128x128xf32, #tpu.memory_space<vmem>> -> memref<1x128x128xf32, #tpu.memory_space<vmem>>
        %dma_wait3A_104 = tpu.memref_squeeze %dma_wait3A_103 : memref<1x128x128xf32, #tpu.memory_space<vmem>> -> memref<128x128xf32, #tpu.memory_space<vmem>>
        %dma_wait3A_105 = arith.constant 0 : i32
        %dma_wait3A_106 = tpu.memref_slice %arg6[%add3A_72, %dma_wait3A_105] : memref<80x128xi32, #tpu.memory_space<vmem>> -> memref<1x128xi32, #tpu.memory_space<vmem>>
        %dma_wait3A_107 = tpu.memref_squeeze %dma_wait3A_106 : memref<1x128xi32, #tpu.memory_space<vmem>> -> memref<128xi32, #tpu.memory_space<vmem>>
        %dma_wait3A_108 = arith.constant 0 : i32
        %dma_wait3A_109 = arith.constant 0 : i32
        %dma_wait3A_110 = tpu.memref_slice %arg8[%dma_wait3A_108, %dma_wait3A_109] : memref<10112x128xf32, #tpu.memory_space<vmem_shared>> -> memref<10112x128xf32, #tpu.memory_space<vmem_shared>>
        tpu.wait_indirect_dma semaphore(%run_scoped3A_90 : memref<!tpu.dma_semaphore, #tpu.memory_space<semaphore_mem>>) src(%dma_wait3A_104 : memref<128x128xf32, #tpu.memory_space<vmem>>) dst(%dma_wait3A_110 : memref<10112x128xf32, #tpu.memory_space<vmem_shared>>)
        tpu.yield
      }) : () -> ()
    }
    %scan3A_14 = arith.constant 40 : i32
    %barrier3A_15 = arith.constant 0 : index
    tpu.barrier barrier_id(%barrier3A_15)
    "tpu.region"() ({
      %run_scoped3A = tpu.sem_alloc : memref<!tpu.dma_semaphore, #tpu.memory_space<semaphore_mem>>
      %dma_start3A = arith.constant 0 : i32
      %dma_start3A_16 = tpu.memref_slice %arg5[%arg0, %mul3A_0, %dma_start3A] : memref<2x10112x128xf32, #tpu.memory_space<hbm>> -> memref<1x632x128xf32, #tpu.memory_space<hbm>>
      %dma_start3A_17 = tpu.memref_squeeze %dma_start3A_16 : memref<1x632x128xf32, #tpu.memory_space<hbm>> -> memref<632x128xf32, #tpu.memory_space<hbm>>
      %dma_start3A_18 = arith.constant 0 : i32
      %dma_start3A_19 = tpu.memref_slice %arg8[%mul3A_0, %dma_start3A_18] : memref<10112x128xf32, #tpu.memory_space<vmem_shared>> -> memref<632x128xf32, #tpu.memory_space<vmem_shared>>
      tpu.enqueue_dma source(%dma_start3A_19 : memref<632x128xf32, #tpu.memory_space<vmem_shared>>) target(%dma_start3A_17 : memref<632x128xf32, #tpu.memory_space<hbm>>) target_semaphore(%run_scoped3A : memref<!tpu.dma_semaphore, #tpu.memory_space<semaphore_mem>>)
      %dma_wait3A = arith.constant 0 : i32
      %dma_wait3A_20 = tpu.memref_slice %arg5[%arg0, %mul3A_0, %dma_wait3A] : memref<2x10112x128xf32, #tpu.memory_space<hbm>> -> memref<1x632x128xf32, #tpu.memory_space<hbm>>
      %dma_wait3A_21 = tpu.memref_squeeze %dma_wait3A_20 : memref<1x632x128xf32, #tpu.memory_space<hbm>> -> memref<632x128xf32, #tpu.memory_space<hbm>>
      %dma_wait3A_22 = arith.constant 0 : i32
      %dma_wait3A_23 = tpu.memref_slice %arg8[%mul3A_0, %dma_wait3A_22] : memref<10112x128xf32, #tpu.memory_space<vmem_shared>> -> memref<632x128xf32, #tpu.memory_space<vmem_shared>>
      tpu.wait_dma2 semaphore(%run_scoped3A : memref<!tpu.dma_semaphore, #tpu.memory_space<semaphore_mem>>) src(%dma_wait3A_23 : memref<632x128xf32, #tpu.memory_space<vmem_shared>>) dst(%dma_wait3A_21 : memref<632x128xf32, #tpu.memory_space<hbm>>)
      tpu.yield
    }) : () -> ()
    return
  }
}

#map = affine_map<(d0, d1) -> (0, 0)>
module attributes {stable_mosaic.version = 14 : i64} {
  func.func @k(%arg0: i32, %arg1: i32, %arg2: memref<10112x128xf32, #tpu.memory_space<hbm>>, %arg3: memref<10112x128xf32, #tpu.memory_space<hbm>>, %arg4: memref<2560x128xi32, #tpu.memory_space<hbm>>, %arg5: memref<2560x128xi32, #tpu.memory_space<hbm>>, %arg6: memref<327680x128xf32, #tpu.memory_space<hbm>>, %arg7: memref<327680x128xf32, #tpu.memory_space<hbm>>, %arg8: memref<80x128xi32, #tpu.memory_space<vmem>>, %arg9: memref<80x128xi32, #tpu.memory_space<vmem>>, %arg10: memref<3x128x128xf32, #tpu.memory_space<vmem>>, %arg11: memref<3x128x128xf32, #tpu.memory_space<vmem>>, %arg12: memref<!tpu.dma_semaphore, #tpu.memory_space<semaphore_mem>>, %arg13: memref<!tpu.dma_semaphore, #tpu.memory_space<semaphore_mem>>, %arg14: memref<!tpu.dma_semaphore, #tpu.memory_space<semaphore_mem>>, %arg15: memref<!tpu.dma_semaphore, #tpu.memory_space<semaphore_mem>>, %arg16: memref<!tpu.dma_semaphore, #tpu.memory_space<semaphore_mem>>, %arg17: memref<!tpu.dma_semaphore, #tpu.memory_space<semaphore_mem>>) attributes {dimension_semantics = [#tpu.dimension_semantics<core_parallel>, #tpu.dimension_semantics<subcore_parallel>], iteration_bounds = array<i64: 2, 16>, scalar_prefetch = 0 : i64, scratch_operands = 10 : i64, tpu.core_type = #tpu.core_type<sc_vector_subcore>, window_params = [{transform_indices = #map}, {transform_indices = #map}, {transform_indices = #map}, {transform_indices = #map}, {transform_indices = #map}, {transform_indices = #map}]} {
    %mul3A = arith.constant 2 : i32
    %mul3A_0 = arith.muli %arg1, %mul3A : i32
    %add3A = arith.addi %mul3A_0, %arg0 : i32
    %mul3A_1 = arith.constant 80 : i32
    %mul3A_2 = arith.muli %add3A, %mul3A_1 : i32
    %mul3A_3 = arith.constant 10240 : i32
    %mul3A_4 = arith.muli %add3A, %mul3A_3 : i32
    "tpu.region"() ({
      %run_scoped3A = tpu.sem_alloc : memref<!tpu.dma_semaphore, #tpu.memory_space<semaphore_mem>>
      %dma_start3A_250 = arith.constant 0 : i32
      %dma_start3A_251 = tpu.memref_slice %arg4[%mul3A_2, %dma_start3A_250] : memref<2560x128xi32, #tpu.memory_space<hbm>> -> memref<80x128xi32, #tpu.memory_space<hbm>>
      %dma_start3A_252 = arith.constant 0 : i32
      %dma_start3A_253 = tpu.memref_slice %arg4[%mul3A_2, %dma_start3A_252] : memref<2560x128xi32, #tpu.memory_space<hbm>> -> memref<80x128xi32, #tpu.memory_space<hbm>>
      tpu.enqueue_dma source(%dma_start3A_253 : memref<80x128xi32, #tpu.memory_space<hbm>>) target(%arg8 : memref<80x128xi32, #tpu.memory_space<vmem>>) target_semaphore(%run_scoped3A : memref<!tpu.dma_semaphore, #tpu.memory_space<semaphore_mem>>)
      %dma_wait3A_254 = arith.constant 0 : i32
      %dma_wait3A_255 = tpu.memref_slice %arg4[%mul3A_2, %dma_wait3A_254] : memref<2560x128xi32, #tpu.memory_space<hbm>> -> memref<80x128xi32, #tpu.memory_space<hbm>>
      %dma_wait3A_256 = arith.constant 0 : i32
      %dma_wait3A_257 = tpu.memref_slice %arg4[%mul3A_2, %dma_wait3A_256] : memref<2560x128xi32, #tpu.memory_space<hbm>> -> memref<80x128xi32, #tpu.memory_space<hbm>>
      tpu.wait_dma2 semaphore(%run_scoped3A : memref<!tpu.dma_semaphore, #tpu.memory_space<semaphore_mem>>) src(%dma_wait3A_257 : memref<80x128xi32, #tpu.memory_space<hbm>>) dst(%arg8 : memref<80x128xi32, #tpu.memory_space<vmem>>)
      tpu.yield
    }) : () -> ()
    "tpu.region"() ({
      %run_scoped3A = tpu.sem_alloc : memref<!tpu.dma_semaphore, #tpu.memory_space<semaphore_mem>>
      %dma_start3A_250 = arith.constant 0 : i32
      %dma_start3A_251 = tpu.memref_slice %arg5[%mul3A_2, %dma_start3A_250] : memref<2560x128xi32, #tpu.memory_space<hbm>> -> memref<80x128xi32, #tpu.memory_space<hbm>>
      %dma_start3A_252 = arith.constant 0 : i32
      %dma_start3A_253 = tpu.memref_slice %arg5[%mul3A_2, %dma_start3A_252] : memref<2560x128xi32, #tpu.memory_space<hbm>> -> memref<80x128xi32, #tpu.memory_space<hbm>>
      tpu.enqueue_dma source(%dma_start3A_253 : memref<80x128xi32, #tpu.memory_space<hbm>>) target(%arg9 : memref<80x128xi32, #tpu.memory_space<vmem>>) target_semaphore(%run_scoped3A : memref<!tpu.dma_semaphore, #tpu.memory_space<semaphore_mem>>)
      %dma_wait3A_254 = arith.constant 0 : i32
      %dma_wait3A_255 = tpu.memref_slice %arg5[%mul3A_2, %dma_wait3A_254] : memref<2560x128xi32, #tpu.memory_space<hbm>> -> memref<80x128xi32, #tpu.memory_space<hbm>>
      %dma_wait3A_256 = arith.constant 0 : i32
      %dma_wait3A_257 = tpu.memref_slice %arg5[%mul3A_2, %dma_wait3A_256] : memref<2560x128xi32, #tpu.memory_space<hbm>> -> memref<80x128xi32, #tpu.memory_space<hbm>>
      tpu.wait_dma2 semaphore(%run_scoped3A : memref<!tpu.dma_semaphore, #tpu.memory_space<semaphore_mem>>) src(%dma_wait3A_257 : memref<80x128xi32, #tpu.memory_space<hbm>>) dst(%arg9 : memref<80x128xi32, #tpu.memory_space<vmem>>)
      tpu.yield
    }) : () -> ()
    %dma_start3A = arith.constant 0 : i32
    %dma_start3A_5 = arith.constant 0 : i32
    %dma_start3A_6 = arith.constant 0 : i32
    %dma_start3A_7 = arith.constant 0 : i32
    %dma_start3A_8 = tpu.memref_slice %arg10[%dma_start3A_5, %dma_start3A_6, %dma_start3A_7] : memref<3x128x128xf32, #tpu.memory_space<vmem>> -> memref<1x128x128xf32, #tpu.memory_space<vmem>>
    %dma_start3A_9 = tpu.memref_squeeze %dma_start3A_8 : memref<1x128x128xf32, #tpu.memory_space<vmem>> -> memref<128x128xf32, #tpu.memory_space<vmem>>
    %dma_start3A_10 = arith.constant 0 : i32
    %dma_start3A_11 = tpu.memref_slice %arg8[%dma_start3A, %dma_start3A_10] : memref<80x128xi32, #tpu.memory_space<vmem>> -> memref<1x128xi32, #tpu.memory_space<vmem>>
    %dma_start3A_12 = tpu.memref_squeeze %dma_start3A_11 : memref<1x128xi32, #tpu.memory_space<vmem>> -> memref<128xi32, #tpu.memory_space<vmem>>
    %dma_start3A_13 = arith.constant 0 : i32
    %dma_start3A_14 = arith.constant 0 : i32
    %dma_start3A_15 = tpu.memref_slice %arg2[%dma_start3A_13, %dma_start3A_14] : memref<10112x128xf32, #tpu.memory_space<hbm>> -> memref<10112x128xf32, #tpu.memory_space<hbm>>
    tpu.enqueue_indirect_dma source(%dma_start3A_15 : memref<10112x128xf32, #tpu.memory_space<hbm>>) target(%dma_start3A_9 : memref<128x128xf32, #tpu.memory_space<vmem>>) offsets(%dma_start3A_12 : memref<128xi32, #tpu.memory_space<vmem>>) semaphore(%arg12 : memref<!tpu.dma_semaphore, #tpu.memory_space<semaphore_mem>>)
    %dma_start3A_16 = arith.constant 0 : i32
    %dma_start3A_17 = arith.constant 0 : i32
    %dma_start3A_18 = arith.constant 0 : i32
    %dma_start3A_19 = arith.constant 0 : i32
    %dma_start3A_20 = tpu.memref_slice %arg11[%dma_start3A_17, %dma_start3A_18, %dma_start3A_19] : memref<3x128x128xf32, #tpu.memory_space<vmem>> -> memref<1x128x128xf32, #tpu.memory_space<vmem>>
    %dma_start3A_21 = tpu.memref_squeeze %dma_start3A_20 : memref<1x128x128xf32, #tpu.memory_space<vmem>> -> memref<128x128xf32, #tpu.memory_space<vmem>>
    %dma_start3A_22 = arith.constant 0 : i32
    %dma_start3A_23 = tpu.memref_slice %arg9[%dma_start3A_16, %dma_start3A_22] : memref<80x128xi32, #tpu.memory_space<vmem>> -> memref<1x128xi32, #tpu.memory_space<vmem>>
    %dma_start3A_24 = tpu.memref_squeeze %dma_start3A_23 : memref<1x128xi32, #tpu.memory_space<vmem>> -> memref<128xi32, #tpu.memory_space<vmem>>
    %dma_start3A_25 = arith.constant 0 : i32
    %dma_start3A_26 = arith.constant 0 : i32
    %dma_start3A_27 = tpu.memref_slice %arg3[%dma_start3A_25, %dma_start3A_26] : memref<10112x128xf32, #tpu.memory_space<hbm>> -> memref<10112x128xf32, #tpu.memory_space<hbm>>
    tpu.enqueue_indirect_dma source(%dma_start3A_27 : memref<10112x128xf32, #tpu.memory_space<hbm>>) target(%dma_start3A_21 : memref<128x128xf32, #tpu.memory_space<vmem>>) offsets(%dma_start3A_24 : memref<128xi32, #tpu.memory_space<vmem>>) semaphore(%arg12 : memref<!tpu.dma_semaphore, #tpu.memory_space<semaphore_mem>>)
    %dma_start3A_28 = arith.constant 1 : i32
    %dma_start3A_29 = arith.constant 1 : i32
    %dma_start3A_30 = arith.constant 0 : i32
    %dma_start3A_31 = arith.constant 0 : i32
    %dma_start3A_32 = tpu.memref_slice %arg10[%dma_start3A_29, %dma_start3A_30, %dma_start3A_31] : memref<3x128x128xf32, #tpu.memory_space<vmem>> -> memref<1x128x128xf32, #tpu.memory_space<vmem>>
    %dma_start3A_33 = tpu.memref_squeeze %dma_start3A_32 : memref<1x128x128xf32, #tpu.memory_space<vmem>> -> memref<128x128xf32, #tpu.memory_space<vmem>>
    %dma_start3A_34 = arith.constant 0 : i32
    %dma_start3A_35 = tpu.memref_slice %arg8[%dma_start3A_28, %dma_start3A_34] : memref<80x128xi32, #tpu.memory_space<vmem>> -> memref<1x128xi32, #tpu.memory_space<vmem>>
    %dma_start3A_36 = tpu.memref_squeeze %dma_start3A_35 : memref<1x128xi32, #tpu.memory_space<vmem>> -> memref<128xi32, #tpu.memory_space<vmem>>
    %dma_start3A_37 = arith.constant 0 : i32
    %dma_start3A_38 = arith.constant 0 : i32
    %dma_start3A_39 = tpu.memref_slice %arg2[%dma_start3A_37, %dma_start3A_38] : memref<10112x128xf32, #tpu.memory_space<hbm>> -> memref<10112x128xf32, #tpu.memory_space<hbm>>
    tpu.enqueue_indirect_dma source(%dma_start3A_39 : memref<10112x128xf32, #tpu.memory_space<hbm>>) target(%dma_start3A_33 : memref<128x128xf32, #tpu.memory_space<vmem>>) offsets(%dma_start3A_36 : memref<128xi32, #tpu.memory_space<vmem>>) semaphore(%arg13 : memref<!tpu.dma_semaphore, #tpu.memory_space<semaphore_mem>>)
    %dma_start3A_40 = arith.constant 1 : i32
    %dma_start3A_41 = arith.constant 1 : i32
    %dma_start3A_42 = arith.constant 0 : i32
    %dma_start3A_43 = arith.constant 0 : i32
    %dma_start3A_44 = tpu.memref_slice %arg11[%dma_start3A_41, %dma_start3A_42, %dma_start3A_43] : memref<3x128x128xf32, #tpu.memory_space<vmem>> -> memref<1x128x128xf32, #tpu.memory_space<vmem>>
    %dma_start3A_45 = tpu.memref_squeeze %dma_start3A_44 : memref<1x128x128xf32, #tpu.memory_space<vmem>> -> memref<128x128xf32, #tpu.memory_space<vmem>>
    %dma_start3A_46 = arith.constant 0 : i32
    %dma_start3A_47 = tpu.memref_slice %arg9[%dma_start3A_40, %dma_start3A_46] : memref<80x128xi32, #tpu.memory_space<vmem>> -> memref<1x128xi32, #tpu.memory_space<vmem>>
    %dma_start3A_48 = tpu.memref_squeeze %dma_start3A_47 : memref<1x128xi32, #tpu.memory_space<vmem>> -> memref<128xi32, #tpu.memory_space<vmem>>
    %dma_start3A_49 = arith.constant 0 : i32
    %dma_start3A_50 = arith.constant 0 : i32
    %dma_start3A_51 = tpu.memref_slice %arg3[%dma_start3A_49, %dma_start3A_50] : memref<10112x128xf32, #tpu.memory_space<hbm>> -> memref<10112x128xf32, #tpu.memory_space<hbm>>
    tpu.enqueue_indirect_dma source(%dma_start3A_51 : memref<10112x128xf32, #tpu.memory_space<hbm>>) target(%dma_start3A_45 : memref<128x128xf32, #tpu.memory_space<vmem>>) offsets(%dma_start3A_48 : memref<128xi32, #tpu.memory_space<vmem>>) semaphore(%arg13 : memref<!tpu.dma_semaphore, #tpu.memory_space<semaphore_mem>>)
    %scan3A = arith.constant 0 : i32
    %scan3A_52 = arith.constant 0 : i32
    %scan3A_53 = arith.constant 26 : i32
    %scan3A_54 = arith.addi %scan3A_52, %scan3A_53 : i32
    %scan3A_55 = arith.constant 1 : i32
    scf.for %scan3A_250 = %scan3A_52 to %scan3A_54 step %scan3A_55  : i32 {
      %mul3A_251 = arith.constant 3 : i32
      %mul3A_252 = arith.muli %scan3A_250, %mul3A_251 : i32
      %add3A_253 = arith.constant 0 : i32
      %add3A_254 = arith.addi %mul3A_252, %add3A_253 : i32
      %gt3A = arith.constant 0 : i32
      %gt3A_255 = arith.cmpi sgt, %scan3A_250, %gt3A : i32
      %convert_element_type3A = arith.extui %gt3A_255 : i1 to i32
      %cond3A = arith.constant 0 : i32
      %cond3A_256 = arith.cmpi ne, %convert_element_type3A, %cond3A : i32
      scf.if %cond3A_256 {
        %dma_wait3A_530 = arith.constant 2 : i32
        %dma_wait3A_531 = arith.constant 0 : i32
        %dma_wait3A_532 = arith.constant 0 : i32
        %dma_wait3A_533 = tpu.memref_slice %arg10[%dma_wait3A_530, %dma_wait3A_531, %dma_wait3A_532] : memref<3x128x128xf32, #tpu.memory_space<vmem>> -> memref<1x128x128xf32, #tpu.memory_space<vmem>>
        %dma_wait3A_534 = tpu.memref_squeeze %dma_wait3A_533 : memref<1x128x128xf32, #tpu.memory_space<vmem>> -> memref<128x128xf32, #tpu.memory_space<vmem>>
        %dma_wait3A_535 = arith.constant 0 : i32
        %dma_wait3A_536 = arith.constant 0 : i32
        %dma_wait3A_537 = tpu.memref_slice %arg6[%dma_wait3A_535, %dma_wait3A_536] : memref<327680x128xf32, #tpu.memory_space<hbm>> -> memref<128x128xf32, #tpu.memory_space<hbm>>
        %dma_wait3A_538 = arith.constant 0 : i32
        %dma_wait3A_539 = arith.constant 0 : i32
        %dma_wait3A_540 = tpu.memref_slice %arg6[%dma_wait3A_538, %dma_wait3A_539] : memref<327680x128xf32, #tpu.memory_space<hbm>> -> memref<128x128xf32, #tpu.memory_space<hbm>>
        %dma_wait3A_541 = arith.constant 0 : i32
        %dma_wait3A_542 = arith.constant 0 : i32
        %dma_wait3A_543 = tpu.memref_slice %arg10[%dma_wait3A_530, %dma_wait3A_541, %dma_wait3A_542] : memref<3x128x128xf32, #tpu.memory_space<vmem>> -> memref<1x128x128xf32, #tpu.memory_space<vmem>>
        %dma_wait3A_544 = tpu.memref_squeeze %dma_wait3A_543 : memref<1x128x128xf32, #tpu.memory_space<vmem>> -> memref<128x128xf32, #tpu.memory_space<vmem>>
        tpu.wait_dma2 semaphore(%arg17 : memref<!tpu.dma_semaphore, #tpu.memory_space<semaphore_mem>>) src(%dma_wait3A_544 : memref<128x128xf32, #tpu.memory_space<vmem>>) dst(%dma_wait3A_540 : memref<128x128xf32, #tpu.memory_space<hbm>>)
        %dma_wait3A_545 = arith.constant 2 : i32
        %dma_wait3A_546 = arith.constant 0 : i32
        %dma_wait3A_547 = arith.constant 0 : i32
        %dma_wait3A_548 = tpu.memref_slice %arg11[%dma_wait3A_545, %dma_wait3A_546, %dma_wait3A_547] : memref<3x128x128xf32, #tpu.memory_space<vmem>> -> memref<1x128x128xf32, #tpu.memory_space<vmem>>
        %dma_wait3A_549 = tpu.memref_squeeze %dma_wait3A_548 : memref<1x128x128xf32, #tpu.memory_space<vmem>> -> memref<128x128xf32, #tpu.memory_space<vmem>>
        %dma_wait3A_550 = arith.constant 0 : i32
        %dma_wait3A_551 = arith.constant 0 : i32
        %dma_wait3A_552 = tpu.memref_slice %arg7[%dma_wait3A_550, %dma_wait3A_551] : memref<327680x128xf32, #tpu.memory_space<hbm>> -> memref<128x128xf32, #tpu.memory_space<hbm>>
        %dma_wait3A_553 = arith.constant 0 : i32
        %dma_wait3A_554 = arith.constant 0 : i32
        %dma_wait3A_555 = tpu.memref_slice %arg7[%dma_wait3A_553, %dma_wait3A_554] : memref<327680x128xf32, #tpu.memory_space<hbm>> -> memref<128x128xf32, #tpu.memory_space<hbm>>
        %dma_wait3A_556 = arith.constant 0 : i32
        %dma_wait3A_557 = arith.constant 0 : i32
        %dma_wait3A_558 = tpu.memref_slice %arg11[%dma_wait3A_545, %dma_wait3A_556, %dma_wait3A_557] : memref<3x128x128xf32, #tpu.memory_space<vmem>> -> memref<1x128x128xf32, #tpu.memory_space<vmem>>
        %dma_wait3A_559 = tpu.memref_squeeze %dma_wait3A_558 : memref<1x128x128xf32, #tpu.memory_space<vmem>> -> memref<128x128xf32, #tpu.memory_space<vmem>>
        tpu.wait_dma2 semaphore(%arg17 : memref<!tpu.dma_semaphore, #tpu.memory_space<semaphore_mem>>) src(%dma_wait3A_559 : memref<128x128xf32, #tpu.memory_space<vmem>>) dst(%dma_wait3A_555 : memref<128x128xf32, #tpu.memory_space<hbm>>)
        %add3A_560 = arith.constant 2 : i32
        %add3A_561 = arith.addi %add3A_254, %add3A_560 : i32
        %dma_start3A_562 = arith.constant 2 : i32
        %dma_start3A_563 = arith.constant 0 : i32
        %dma_start3A_564 = arith.constant 0 : i32
        %dma_start3A_565 = tpu.memref_slice %arg10[%dma_start3A_562, %dma_start3A_563, %dma_start3A_564] : memref<3x128x128xf32, #tpu.memory_space<vmem>> -> memref<1x128x128xf32, #tpu.memory_space<vmem>>
        %dma_start3A_566 = tpu.memref_squeeze %dma_start3A_565 : memref<1x128x128xf32, #tpu.memory_space<vmem>> -> memref<128x128xf32, #tpu.memory_space<vmem>>
        %dma_start3A_567 = arith.constant 0 : i32
        %dma_start3A_568 = tpu.memref_slice %arg8[%add3A_561, %dma_start3A_567] : memref<80x128xi32, #tpu.memory_space<vmem>> -> memref<1x128xi32, #tpu.memory_space<vmem>>
        %dma_start3A_569 = tpu.memref_squeeze %dma_start3A_568 : memref<1x128xi32, #tpu.memory_space<vmem>> -> memref<128xi32, #tpu.memory_space<vmem>>
        %dma_start3A_570 = arith.constant 0 : i32
        %dma_start3A_571 = arith.constant 0 : i32
        %dma_start3A_572 = tpu.memref_slice %arg2[%dma_start3A_570, %dma_start3A_571] : memref<10112x128xf32, #tpu.memory_space<hbm>> -> memref<10112x128xf32, #tpu.memory_space<hbm>>
        tpu.enqueue_indirect_dma source(%dma_start3A_572 : memref<10112x128xf32, #tpu.memory_space<hbm>>) target(%dma_start3A_566 : memref<128x128xf32, #tpu.memory_space<vmem>>) offsets(%dma_start3A_569 : memref<128xi32, #tpu.memory_space<vmem>>) semaphore(%arg14 : memref<!tpu.dma_semaphore, #tpu.memory_space<semaphore_mem>>)
        %dma_start3A_573 = arith.constant 2 : i32
        %dma_start3A_574 = arith.constant 0 : i32
        %dma_start3A_575 = arith.constant 0 : i32
        %dma_start3A_576 = tpu.memref_slice %arg11[%dma_start3A_573, %dma_start3A_574, %dma_start3A_575] : memref<3x128x128xf32, #tpu.memory_space<vmem>> -> memref<1x128x128xf32, #tpu.memory_space<vmem>>
        %dma_start3A_577 = tpu.memref_squeeze %dma_start3A_576 : memref<1x128x128xf32, #tpu.memory_space<vmem>> -> memref<128x128xf32, #tpu.memory_space<vmem>>
        %dma_start3A_578 = arith.constant 0 : i32
        %dma_start3A_579 = tpu.memref_slice %arg9[%add3A_561, %dma_start3A_578] : memref<80x128xi32, #tpu.memory_space<vmem>> -> memref<1x128xi32, #tpu.memory_space<vmem>>
        %dma_start3A_580 = tpu.memref_squeeze %dma_start3A_579 : memref<1x128xi32, #tpu.memory_space<vmem>> -> memref<128xi32, #tpu.memory_space<vmem>>
        %dma_start3A_581 = arith.constant 0 : i32
        %dma_start3A_582 = arith.constant 0 : i32
        %dma_start3A_583 = tpu.memref_slice %arg3[%dma_start3A_581, %dma_start3A_582] : memref<10112x128xf32, #tpu.memory_space<hbm>> -> memref<10112x128xf32, #tpu.memory_space<hbm>>
        tpu.enqueue_indirect_dma source(%dma_start3A_583 : memref<10112x128xf32, #tpu.memory_space<hbm>>) target(%dma_start3A_577 : memref<128x128xf32, #tpu.memory_space<vmem>>) offsets(%dma_start3A_580 : memref<128xi32, #tpu.memory_space<vmem>>) semaphore(%arg14 : memref<!tpu.dma_semaphore, #tpu.memory_space<semaphore_mem>>)
      } else {
      }
      %eq3A = arith.constant 0 : i32
      %eq3A_257 = arith.cmpi eq, %scan3A_250, %eq3A : i32
      %convert_element_type3A_258 = arith.extui %eq3A_257 : i1 to i32
      %cond3A_259 = arith.constant 0 : i32
      %cond3A_260 = arith.cmpi ne, %convert_element_type3A_258, %cond3A_259 : i32
      scf.if %cond3A_260 {
        %add3A_530 = arith.constant 2 : i32
        %add3A_531 = arith.addi %add3A_254, %add3A_530 : i32
        %dma_start3A_532 = arith.constant 2 : i32
        %dma_start3A_533 = arith.constant 0 : i32
        %dma_start3A_534 = arith.constant 0 : i32
        %dma_start3A_535 = tpu.memref_slice %arg10[%dma_start3A_532, %dma_start3A_533, %dma_start3A_534] : memref<3x128x128xf32, #tpu.memory_space<vmem>> -> memref<1x128x128xf32, #tpu.memory_space<vmem>>
        %dma_start3A_536 = tpu.memref_squeeze %dma_start3A_535 : memref<1x128x128xf32, #tpu.memory_space<vmem>> -> memref<128x128xf32, #tpu.memory_space<vmem>>
        %dma_start3A_537 = arith.constant 0 : i32
        %dma_start3A_538 = tpu.memref_slice %arg8[%add3A_531, %dma_start3A_537] : memref<80x128xi32, #tpu.memory_space<vmem>> -> memref<1x128xi32, #tpu.memory_space<vmem>>
        %dma_start3A_539 = tpu.memref_squeeze %dma_start3A_538 : memref<1x128xi32, #tpu.memory_space<vmem>> -> memref<128xi32, #tpu.memory_space<vmem>>
        %dma_start3A_540 = arith.constant 0 : i32
        %dma_start3A_541 = arith.constant 0 : i32
        %dma_start3A_542 = tpu.memref_slice %arg2[%dma_start3A_540, %dma_start3A_541] : memref<10112x128xf32, #tpu.memory_space<hbm>> -> memref<10112x128xf32, #tpu.memory_space<hbm>>
        tpu.enqueue_indirect_dma source(%dma_start3A_542 : memref<10112x128xf32, #tpu.memory_space<hbm>>) target(%dma_start3A_536 : memref<128x128xf32, #tpu.memory_space<vmem>>) offsets(%dma_start3A_539 : memref<128xi32, #tpu.memory_space<vmem>>) semaphore(%arg14 : memref<!tpu.dma_semaphore, #tpu.memory_space<semaphore_mem>>)
        %dma_start3A_543 = arith.constant 2 : i32
        %dma_start3A_544 = arith.constant 0 : i32
        %dma_start3A_545 = arith.constant 0 : i32
        %dma_start3A_546 = tpu.memref_slice %arg11[%dma_start3A_543, %dma_start3A_544, %dma_start3A_545] : memref<3x128x128xf32, #tpu.memory_space<vmem>> -> memref<1x128x128xf32, #tpu.memory_space<vmem>>
        %dma_start3A_547 = tpu.memref_squeeze %dma_start3A_546 : memref<1x128x128xf32, #tpu.memory_space<vmem>> -> memref<128x128xf32, #tpu.memory_space<vmem>>
        %dma_start3A_548 = arith.constant 0 : i32
        %dma_start3A_549 = tpu.memref_slice %arg9[%add3A_531, %dma_start3A_548] : memref<80x128xi32, #tpu.memory_space<vmem>> -> memref<1x128xi32, #tpu.memory_space<vmem>>
        %dma_start3A_550 = tpu.memref_squeeze %dma_start3A_549 : memref<1x128xi32, #tpu.memory_space<vmem>> -> memref<128xi32, #tpu.memory_space<vmem>>
        %dma_start3A_551 = arith.constant 0 : i32
        %dma_start3A_552 = arith.constant 0 : i32
        %dma_start3A_553 = tpu.memref_slice %arg3[%dma_start3A_551, %dma_start3A_552] : memref<10112x128xf32, #tpu.memory_space<hbm>> -> memref<10112x128xf32, #tpu.memory_space<hbm>>
        tpu.enqueue_indirect_dma source(%dma_start3A_553 : memref<10112x128xf32, #tpu.memory_space<hbm>>) target(%dma_start3A_547 : memref<128x128xf32, #tpu.memory_space<vmem>>) offsets(%dma_start3A_550 : memref<128xi32, #tpu.memory_space<vmem>>) semaphore(%arg14 : memref<!tpu.dma_semaphore, #tpu.memory_space<semaphore_mem>>)
      } else {
      }
      %dma_wait3A_261 = arith.constant 0 : i32
      %dma_wait3A_262 = arith.constant 0 : i32
      %dma_wait3A_263 = arith.constant 0 : i32
      %dma_wait3A_264 = tpu.memref_slice %arg10[%dma_wait3A_261, %dma_wait3A_262, %dma_wait3A_263] : memref<3x128x128xf32, #tpu.memory_space<vmem>> -> memref<1x128x128xf32, #tpu.memory_space<vmem>>
      %dma_wait3A_265 = tpu.memref_squeeze %dma_wait3A_264 : memref<1x128x128xf32, #tpu.memory_space<vmem>> -> memref<128x128xf32, #tpu.memory_space<vmem>>
      %dma_wait3A_266 = arith.constant 0 : i32
      %dma_wait3A_267 = tpu.memref_slice %arg8[%add3A_254, %dma_wait3A_266] : memref<80x128xi32, #tpu.memory_space<vmem>> -> memref<1x128xi32, #tpu.memory_space<vmem>>
      %dma_wait3A_268 = tpu.memref_squeeze %dma_wait3A_267 : memref<1x128xi32, #tpu.memory_space<vmem>> -> memref<128xi32, #tpu.memory_space<vmem>>
      %dma_wait3A_269 = arith.constant 0 : i32
      %dma_wait3A_270 = arith.constant 0 : i32
      %dma_wait3A_271 = tpu.memref_slice %arg2[%dma_wait3A_269, %dma_wait3A_270] : memref<10112x128xf32, #tpu.memory_space<hbm>> -> memref<10112x128xf32, #tpu.memory_space<hbm>>
      tpu.wait_indirect_dma semaphore(%arg12 : memref<!tpu.dma_semaphore, #tpu.memory_space<semaphore_mem>>) src(%dma_wait3A_271 : memref<10112x128xf32, #tpu.memory_space<hbm>>) dst(%dma_wait3A_265 : memref<128x128xf32, #tpu.memory_space<vmem>>)
      %dma_wait3A_272 = arith.constant 0 : i32
      %dma_wait3A_273 = arith.constant 0 : i32
      %dma_wait3A_274 = arith.constant 0 : i32
      %dma_wait3A_275 = tpu.memref_slice %arg11[%dma_wait3A_272, %dma_wait3A_273, %dma_wait3A_274] : memref<3x128x128xf32, #tpu.memory_space<vmem>> -> memref<1x128x128xf32, #tpu.memory_space<vmem>>
      %dma_wait3A_276 = tpu.memref_squeeze %dma_wait3A_275 : memref<1x128x128xf32, #tpu.memory_space<vmem>> -> memref<128x128xf32, #tpu.memory_space<vmem>>
      %dma_wait3A_277 = arith.constant 0 : i32
      %dma_wait3A_278 = tpu.memref_slice %arg9[%add3A_254, %dma_wait3A_277] : memref<80x128xi32, #tpu.memory_space<vmem>> -> memref<1x128xi32, #tpu.memory_space<vmem>>
      %dma_wait3A_279 = tpu.memref_squeeze %dma_wait3A_278 : memref<1x128xi32, #tpu.memory_space<vmem>> -> memref<128xi32, #tpu.memory_space<vmem>>
      %dma_wait3A_280 = arith.constant 0 : i32
      %dma_wait3A_281 = arith.constant 0 : i32
      %dma_wait3A_282 = tpu.memref_slice %arg3[%dma_wait3A_280, %dma_wait3A_281] : memref<10112x128xf32, #tpu.memory_space<hbm>> -> memref<10112x128xf32, #tpu.memory_space<hbm>>
      tpu.wait_indirect_dma semaphore(%arg12 : memref<!tpu.dma_semaphore, #tpu.memory_space<semaphore_mem>>) src(%dma_wait3A_282 : memref<10112x128xf32, #tpu.memory_space<hbm>>) dst(%dma_wait3A_276 : memref<128x128xf32, #tpu.memory_space<vmem>>)
      %mul3A_283 = arith.constant 128 : i32
      %mul3A_284 = arith.muli %add3A_254, %mul3A_283 : i32
      %add3A_285 = arith.addi %mul3A_4, %mul3A_284 : i32
      %dma_start3A_286 = arith.constant 0 : i32
      %dma_start3A_287 = arith.constant 0 : i32
      %dma_start3A_288 = arith.constant 0 : i32
      %dma_start3A_289 = tpu.memref_slice %arg10[%dma_start3A_286, %dma_start3A_287, %dma_start3A_288] : memref<3x128x128xf32, #tpu.memory_space<vmem>> -> memref<1x128x128xf32, #tpu.memory_space<vmem>>
      %dma_start3A_290 = tpu.memref_squeeze %dma_start3A_289 : memref<1x128x128xf32, #tpu.memory_space<vmem>> -> memref<128x128xf32, #tpu.memory_space<vmem>>
      %dma_start3A_291 = arith.constant 0 : i32
      %dma_start3A_292 = tpu.memref_slice %arg6[%add3A_285, %dma_start3A_291] : memref<327680x128xf32, #tpu.memory_space<hbm>> -> memref<128x128xf32, #tpu.memory_space<hbm>>
      %dma_start3A_293 = arith.constant 0 : i32
      %dma_start3A_294 = tpu.memref_slice %arg6[%add3A_285, %dma_start3A_293] : memref<327680x128xf32, #tpu.memory_space<hbm>> -> memref<128x128xf32, #tpu.memory_space<hbm>>
      %dma_start3A_295 = arith.constant 0 : i32
      %dma_start3A_296 = arith.constant 0 : i32
      %dma_start3A_297 = tpu.memref_slice %arg10[%dma_start3A_286, %dma_start3A_295, %dma_start3A_296] : memref<3x128x128xf32, #tpu.memory_space<vmem>> -> memref<1x128x128xf32, #tpu.memory_space<vmem>>
      %dma_start3A_298 = tpu.memref_squeeze %dma_start3A_297 : memref<1x128x128xf32, #tpu.memory_space<vmem>> -> memref<128x128xf32, #tpu.memory_space<vmem>>
      tpu.enqueue_dma source(%dma_start3A_298 : memref<128x128xf32, #tpu.memory_space<vmem>>) target(%dma_start3A_294 : memref<128x128xf32, #tpu.memory_space<hbm>>) target_semaphore(%arg15 : memref<!tpu.dma_semaphore, #tpu.memory_space<semaphore_mem>>)
      %dma_start3A_299 = arith.constant 0 : i32
      %dma_start3A_300 = arith.constant 0 : i32
      %dma_start3A_301 = arith.constant 0 : i32
      %dma_start3A_302 = tpu.memref_slice %arg11[%dma_start3A_299, %dma_start3A_300, %dma_start3A_301] : memref<3x128x128xf32, #tpu.memory_space<vmem>> -> memref<1x128x128xf32, #tpu.memory_space<vmem>>
      %dma_start3A_303 = tpu.memref_squeeze %dma_start3A_302 : memref<1x128x128xf32, #tpu.memory_space<vmem>> -> memref<128x128xf32, #tpu.memory_space<vmem>>
      %dma_start3A_304 = arith.constant 0 : i32
      %dma_start3A_305 = tpu.memref_slice %arg7[%add3A_285, %dma_start3A_304] : memref<327680x128xf32, #tpu.memory_space<hbm>> -> memref<128x128xf32, #tpu.memory_space<hbm>>
      %dma_start3A_306 = arith.constant 0 : i32
      %dma_start3A_307 = tpu.memref_slice %arg7[%add3A_285, %dma_start3A_306] : memref<327680x128xf32, #tpu.memory_space<hbm>> -> memref<128x128xf32, #tpu.memory_space<hbm>>
      %dma_start3A_308 = arith.constant 0 : i32
      %dma_start3A_309 = arith.constant 0 : i32
      %dma_start3A_310 = tpu.memref_slice %arg11[%dma_start3A_299, %dma_start3A_308, %dma_start3A_309] : memref<3x128x128xf32, #tpu.memory_space<vmem>> -> memref<1x128x128xf32, #tpu.memory_space<vmem>>
      %dma_start3A_311 = tpu.memref_squeeze %dma_start3A_310 : memref<1x128x128xf32, #tpu.memory_space<vmem>> -> memref<128x128xf32, #tpu.memory_space<vmem>>
      tpu.enqueue_dma source(%dma_start3A_311 : memref<128x128xf32, #tpu.memory_space<vmem>>) target(%dma_start3A_307 : memref<128x128xf32, #tpu.memory_space<hbm>>) target_semaphore(%arg15 : memref<!tpu.dma_semaphore, #tpu.memory_space<semaphore_mem>>)
      %mul3A_312 = arith.constant 3 : i32
      %mul3A_313 = arith.muli %scan3A_250, %mul3A_312 : i32
      %add3A_314 = arith.constant 1 : i32
      %add3A_315 = arith.addi %mul3A_313, %add3A_314 : i32
      %dma_wait3A_316 = arith.constant 0 : i32
      %dma_wait3A_317 = arith.constant 0 : i32
      %dma_wait3A_318 = arith.constant 0 : i32
      %dma_wait3A_319 = tpu.memref_slice %arg10[%dma_wait3A_316, %dma_wait3A_317, %dma_wait3A_318] : memref<3x128x128xf32, #tpu.memory_space<vmem>> -> memref<1x128x128xf32, #tpu.memory_space<vmem>>
      %dma_wait3A_320 = tpu.memref_squeeze %dma_wait3A_319 : memref<1x128x128xf32, #tpu.memory_space<vmem>> -> memref<128x128xf32, #tpu.memory_space<vmem>>
      %dma_wait3A_321 = arith.constant 0 : i32
      %dma_wait3A_322 = arith.constant 0 : i32
      %dma_wait3A_323 = tpu.memref_slice %arg6[%dma_wait3A_321, %dma_wait3A_322] : memref<327680x128xf32, #tpu.memory_space<hbm>> -> memref<128x128xf32, #tpu.memory_space<hbm>>
      %dma_wait3A_324 = arith.constant 0 : i32
      %dma_wait3A_325 = arith.constant 0 : i32
      %dma_wait3A_326 = tpu.memref_slice %arg6[%dma_wait3A_324, %dma_wait3A_325] : memref<327680x128xf32, #tpu.memory_space<hbm>> -> memref<128x128xf32, #tpu.memory_space<hbm>>
      %dma_wait3A_327 = arith.constant 0 : i32
      %dma_wait3A_328 = arith.constant 0 : i32
      %dma_wait3A_329 = tpu.memref_slice %arg10[%dma_wait3A_316, %dma_wait3A_327, %dma_wait3A_328] : memref<3x128x128xf32, #tpu.memory_space<vmem>> -> memref<1x128x128xf32, #tpu.memory_space<vmem>>
      %dma_wait3A_330 = tpu.memref_squeeze %dma_wait3A_329 : memref<1x128x128xf32, #tpu.memory_space<vmem>> -> memref<128x128xf32, #tpu.memory_space<vmem>>
      tpu.wait_dma2 semaphore(%arg15 : memref<!tpu.dma_semaphore, #tpu.memory_space<semaphore_mem>>) src(%dma_wait3A_330 : memref<128x128xf32, #tpu.memory_space<vmem>>) dst(%dma_wait3A_326 : memref<128x128xf32, #tpu.memory_space<hbm>>)
      %dma_wait3A_331 = arith.constant 0 : i32
      %dma_wait3A_332 = arith.constant 0 : i32
      %dma_wait3A_333 = arith.constant 0 : i32
      %dma_wait3A_334 = tpu.memref_slice %arg11[%dma_wait3A_331, %dma_wait3A_332, %dma_wait3A_333] : memref<3x128x128xf32, #tpu.memory_space<vmem>> -> memref<1x128x128xf32, #tpu.memory_space<vmem>>
      %dma_wait3A_335 = tpu.memref_squeeze %dma_wait3A_334 : memref<1x128x128xf32, #tpu.memory_space<vmem>> -> memref<128x128xf32, #tpu.memory_space<vmem>>
      %dma_wait3A_336 = arith.constant 0 : i32
      %dma_wait3A_337 = arith.constant 0 : i32
      %dma_wait3A_338 = tpu.memref_slice %arg7[%dma_wait3A_336, %dma_wait3A_337] : memref<327680x128xf32, #tpu.memory_space<hbm>> -> memref<128x128xf32, #tpu.memory_space<hbm>>
      %dma_wait3A_339 = arith.constant 0 : i32
      %dma_wait3A_340 = arith.constant 0 : i32
      %dma_wait3A_341 = tpu.memref_slice %arg7[%dma_wait3A_339, %dma_wait3A_340] : memref<327680x128xf32, #tpu.memory_space<hbm>> -> memref<128x128xf32, #tpu.memory_space<hbm>>
      %dma_wait3A_342 = arith.constant 0 : i32
      %dma_wait3A_343 = arith.constant 0 : i32
      %dma_wait3A_344 = tpu.memref_slice %arg11[%dma_wait3A_331, %dma_wait3A_342, %dma_wait3A_343] : memref<3x128x128xf32, #tpu.memory_space<vmem>> -> memref<1x128x128xf32, #tpu.memory_space<vmem>>
      %dma_wait3A_345 = tpu.memref_squeeze %dma_wait3A_344 : memref<1x128x128xf32, #tpu.memory_space<vmem>> -> memref<128x128xf32, #tpu.memory_space<vmem>>
      tpu.wait_dma2 semaphore(%arg15 : memref<!tpu.dma_semaphore, #tpu.memory_space<semaphore_mem>>) src(%dma_wait3A_345 : memref<128x128xf32, #tpu.memory_space<vmem>>) dst(%dma_wait3A_341 : memref<128x128xf32, #tpu.memory_space<hbm>>)
      %add3A_346 = arith.constant 2 : i32
      %add3A_347 = arith.addi %add3A_315, %add3A_346 : i32
      %dma_start3A_348 = arith.constant 0 : i32
      %dma_start3A_349 = arith.constant 0 : i32
      %dma_start3A_350 = arith.constant 0 : i32
      %dma_start3A_351 = tpu.memref_slice %arg10[%dma_start3A_348, %dma_start3A_349, %dma_start3A_350] : memref<3x128x128xf32, #tpu.memory_space<vmem>> -> memref<1x128x128xf32, #tpu.memory_space<vmem>>
      %dma_start3A_352 = tpu.memref_squeeze %dma_start3A_351 : memref<1x128x128xf32, #tpu.memory_space<vmem>> -> memref<128x128xf32, #tpu.memory_space<vmem>>
      %dma_start3A_353 = arith.constant 0 : i32
      %dma_start3A_354 = tpu.memref_slice %arg8[%add3A_347, %dma_start3A_353] : memref<80x128xi32, #tpu.memory_space<vmem>> -> memref<1x128xi32, #tpu.memory_space<vmem>>
      %dma_start3A_355 = tpu.memref_squeeze %dma_start3A_354 : memref<1x128xi32, #tpu.memory_space<vmem>> -> memref<128xi32, #tpu.memory_space<vmem>>
      %dma_start3A_356 = arith.constant 0 : i32
      %dma_start3A_357 = arith.constant 0 : i32
      %dma_start3A_358 = tpu.memref_slice %arg2[%dma_start3A_356, %dma_start3A_357] : memref<10112x128xf32, #tpu.memory_space<hbm>> -> memref<10112x128xf32, #tpu.memory_space<hbm>>
      tpu.enqueue_indirect_dma source(%dma_start3A_358 : memref<10112x128xf32, #tpu.memory_space<hbm>>) target(%dma_start3A_352 : memref<128x128xf32, #tpu.memory_space<vmem>>) offsets(%dma_start3A_355 : memref<128xi32, #tpu.memory_space<vmem>>) semaphore(%arg12 : memref<!tpu.dma_semaphore, #tpu.memory_space<semaphore_mem>>)
      %dma_start3A_359 = arith.constant 0 : i32
      %dma_start3A_360 = arith.constant 0 : i32
      %dma_start3A_361 = arith.constant 0 : i32
      %dma_start3A_362 = tpu.memref_slice %arg11[%dma_start3A_359, %dma_start3A_360, %dma_start3A_361] : memref<3x128x128xf32, #tpu.memory_space<vmem>> -> memref<1x128x128xf32, #tpu.memory_space<vmem>>
      %dma_start3A_363 = tpu.memref_squeeze %dma_start3A_362 : memref<1x128x128xf32, #tpu.memory_space<vmem>> -> memref<128x128xf32, #tpu.memory_space<vmem>>
      %dma_start3A_364 = arith.constant 0 : i32
      %dma_start3A_365 = tpu.memref_slice %arg9[%add3A_347, %dma_start3A_364] : memref<80x128xi32, #tpu.memory_space<vmem>> -> memref<1x128xi32, #tpu.memory_space<vmem>>
      %dma_start3A_366 = tpu.memref_squeeze %dma_start3A_365 : memref<1x128xi32, #tpu.memory_space<vmem>> -> memref<128xi32, #tpu.memory_space<vmem>>
      %dma_start3A_367 = arith.constant 0 : i32
      %dma_start3A_368 = arith.constant 0 : i32
      %dma_start3A_369 = tpu.memref_slice %arg3[%dma_start3A_367, %dma_start3A_368] : memref<10112x128xf32, #tpu.memory_space<hbm>> -> memref<10112x128xf32, #tpu.memory_space<hbm>>
      tpu.enqueue_indirect_dma source(%dma_start3A_369 : memref<10112x128xf32, #tpu.memory_space<hbm>>) target(%dma_start3A_363 : memref<128x128xf32, #tpu.memory_space<vmem>>) offsets(%dma_start3A_366 : memref<128xi32, #tpu.memory_space<vmem>>) semaphore(%arg12 : memref<!tpu.dma_semaphore, #tpu.memory_space<semaphore_mem>>)
      %dma_wait3A_370 = arith.constant 1 : i32
      %dma_wait3A_371 = arith.constant 0 : i32
      %dma_wait3A_372 = arith.constant 0 : i32
      %dma_wait3A_373 = tpu.memref_slice %arg10[%dma_wait3A_370, %dma_wait3A_371, %dma_wait3A_372] : memref<3x128x128xf32, #tpu.memory_space<vmem>> -> memref<1x128x128xf32, #tpu.memory_space<vmem>>
      %dma_wait3A_374 = tpu.memref_squeeze %dma_wait3A_373 : memref<1x128x128xf32, #tpu.memory_space<vmem>> -> memref<128x128xf32, #tpu.memory_space<vmem>>
      %dma_wait3A_375 = arith.constant 0 : i32
      %dma_wait3A_376 = tpu.memref_slice %arg8[%add3A_315, %dma_wait3A_375] : memref<80x128xi32, #tpu.memory_space<vmem>> -> memref<1x128xi32, #tpu.memory_space<vmem>>
      %dma_wait3A_377 = tpu.memref_squeeze %dma_wait3A_376 : memref<1x128xi32, #tpu.memory_space<vmem>> -> memref<128xi32, #tpu.memory_space<vmem>>
      %dma_wait3A_378 = arith.constant 0 : i32
      %dma_wait3A_379 = arith.constant 0 : i32
      %dma_wait3A_380 = tpu.memref_slice %arg2[%dma_wait3A_378, %dma_wait3A_379] : memref<10112x128xf32, #tpu.memory_space<hbm>> -> memref<10112x128xf32, #tpu.memory_space<hbm>>
      tpu.wait_indirect_dma semaphore(%arg13 : memref<!tpu.dma_semaphore, #tpu.memory_space<semaphore_mem>>) src(%dma_wait3A_380 : memref<10112x128xf32, #tpu.memory_space<hbm>>) dst(%dma_wait3A_374 : memref<128x128xf32, #tpu.memory_space<vmem>>)
      %dma_wait3A_381 = arith.constant 1 : i32
      %dma_wait3A_382 = arith.constant 0 : i32
      %dma_wait3A_383 = arith.constant 0 : i32
      %dma_wait3A_384 = tpu.memref_slice %arg11[%dma_wait3A_381, %dma_wait3A_382, %dma_wait3A_383] : memref<3x128x128xf32, #tpu.memory_space<vmem>> -> memref<1x128x128xf32, #tpu.memory_space<vmem>>
      %dma_wait3A_385 = tpu.memref_squeeze %dma_wait3A_384 : memref<1x128x128xf32, #tpu.memory_space<vmem>> -> memref<128x128xf32, #tpu.memory_space<vmem>>
      %dma_wait3A_386 = arith.constant 0 : i32
      %dma_wait3A_387 = tpu.memref_slice %arg9[%add3A_315, %dma_wait3A_386] : memref<80x128xi32, #tpu.memory_space<vmem>> -> memref<1x128xi32, #tpu.memory_space<vmem>>
      %dma_wait3A_388 = tpu.memref_squeeze %dma_wait3A_387 : memref<1x128xi32, #tpu.memory_space<vmem>> -> memref<128xi32, #tpu.memory_space<vmem>>
      %dma_wait3A_389 = arith.constant 0 : i32
      %dma_wait3A_390 = arith.constant 0 : i32
      %dma_wait3A_391 = tpu.memref_slice %arg3[%dma_wait3A_389, %dma_wait3A_390] : memref<10112x128xf32, #tpu.memory_space<hbm>> -> memref<10112x128xf32, #tpu.memory_space<hbm>>
      tpu.wait_indirect_dma semaphore(%arg13 : memref<!tpu.dma_semaphore, #tpu.memory_space<semaphore_mem>>) src(%dma_wait3A_391 : memref<10112x128xf32, #tpu.memory_space<hbm>>) dst(%dma_wait3A_385 : memref<128x128xf32, #tpu.memory_space<vmem>>)
      %mul3A_392 = arith.constant 128 : i32
      %mul3A_393 = arith.muli %add3A_315, %mul3A_392 : i32
      %add3A_394 = arith.addi %mul3A_4, %mul3A_393 : i32
      %dma_start3A_395 = arith.constant 1 : i32
      %dma_start3A_396 = arith.constant 0 : i32
      %dma_start3A_397 = arith.constant 0 : i32
      %dma_start3A_398 = tpu.memref_slice %arg10[%dma_start3A_395, %dma_start3A_396, %dma_start3A_397] : memref<3x128x128xf32, #tpu.memory_space<vmem>> -> memref<1x128x128xf32, #tpu.memory_space<vmem>>
      %dma_start3A_399 = tpu.memref_squeeze %dma_start3A_398 : memref<1x128x128xf32, #tpu.memory_space<vmem>> -> memref<128x128xf32, #tpu.memory_space<vmem>>
      %dma_start3A_400 = arith.constant 0 : i32
      %dma_start3A_401 = tpu.memref_slice %arg6[%add3A_394, %dma_start3A_400] : memref<327680x128xf32, #tpu.memory_space<hbm>> -> memref<128x128xf32, #tpu.memory_space<hbm>>
      %dma_start3A_402 = arith.constant 0 : i32
      %dma_start3A_403 = tpu.memref_slice %arg6[%add3A_394, %dma_start3A_402] : memref<327680x128xf32, #tpu.memory_space<hbm>> -> memref<128x128xf32, #tpu.memory_space<hbm>>
      %dma_start3A_404 = arith.constant 0 : i32
      %dma_start3A_405 = arith.constant 0 : i32
      %dma_start3A_406 = tpu.memref_slice %arg10[%dma_start3A_395, %dma_start3A_404, %dma_start3A_405] : memref<3x128x128xf32, #tpu.memory_space<vmem>> -> memref<1x128x128xf32, #tpu.memory_space<vmem>>
      %dma_start3A_407 = tpu.memref_squeeze %dma_start3A_406 : memref<1x128x128xf32, #tpu.memory_space<vmem>> -> memref<128x128xf32, #tpu.memory_space<vmem>>
      tpu.enqueue_dma source(%dma_start3A_407 : memref<128x128xf32, #tpu.memory_space<vmem>>) target(%dma_start3A_403 : memref<128x128xf32, #tpu.memory_space<hbm>>) target_semaphore(%arg16 : memref<!tpu.dma_semaphore, #tpu.memory_space<semaphore_mem>>)
      %dma_start3A_408 = arith.constant 1 : i32
      %dma_start3A_409 = arith.constant 0 : i32
      %dma_start3A_410 = arith.constant 0 : i32
      %dma_start3A_411 = tpu.memref_slice %arg11[%dma_start3A_408, %dma_start3A_409, %dma_start3A_410] : memref<3x128x128xf32, #tpu.memory_space<vmem>> -> memref<1x128x128xf32, #tpu.memory_space<vmem>>
      %dma_start3A_412 = tpu.memref_squeeze %dma_start3A_411 : memref<1x128x128xf32, #tpu.memory_space<vmem>> -> memref<128x128xf32, #tpu.memory_space<vmem>>
      %dma_start3A_413 = arith.constant 0 : i32
      %dma_start3A_414 = tpu.memref_slice %arg7[%add3A_394, %dma_start3A_413] : memref<327680x128xf32, #tpu.memory_space<hbm>> -> memref<128x128xf32, #tpu.memory_space<hbm>>
      %dma_start3A_415 = arith.constant 0 : i32
      %dma_start3A_416 = tpu.memref_slice %arg7[%add3A_394, %dma_start3A_415] : memref<327680x128xf32, #tpu.memory_space<hbm>> -> memref<128x128xf32, #tpu.memory_space<hbm>>
      %dma_start3A_417 = arith.constant 0 : i32
      %dma_start3A_418 = arith.constant 0 : i32
      %dma_start3A_419 = tpu.memref_slice %arg11[%dma_start3A_408, %dma_start3A_417, %dma_start3A_418] : memref<3x128x128xf32, #tpu.memory_space<vmem>> -> memref<1x128x128xf32, #tpu.memory_space<vmem>>
      %dma_start3A_420 = tpu.memref_squeeze %dma_start3A_419 : memref<1x128x128xf32, #tpu.memory_space<vmem>> -> memref<128x128xf32, #tpu.memory_space<vmem>>
      tpu.enqueue_dma source(%dma_start3A_420 : memref<128x128xf32, #tpu.memory_space<vmem>>) target(%dma_start3A_416 : memref<128x128xf32, #tpu.memory_space<hbm>>) target_semaphore(%arg16 : memref<!tpu.dma_semaphore, #tpu.memory_space<semaphore_mem>>)
      %mul3A_421 = arith.constant 3 : i32
      %mul3A_422 = arith.muli %scan3A_250, %mul3A_421 : i32
      %add3A_423 = arith.constant 2 : i32
      %add3A_424 = arith.addi %mul3A_422, %add3A_423 : i32
      %dma_wait3A_425 = arith.constant 1 : i32
      %dma_wait3A_426 = arith.constant 0 : i32
      %dma_wait3A_427 = arith.constant 0 : i32
      %dma_wait3A_428 = tpu.memref_slice %arg10[%dma_wait3A_425, %dma_wait3A_426, %dma_wait3A_427] : memref<3x128x128xf32, #tpu.memory_space<vmem>> -> memref<1x128x128xf32, #tpu.memory_space<vmem>>
      %dma_wait3A_429 = tpu.memref_squeeze %dma_wait3A_428 : memref<1x128x128xf32, #tpu.memory_space<vmem>> -> memref<128x128xf32, #tpu.memory_space<vmem>>
      %dma_wait3A_430 = arith.constant 0 : i32
      %dma_wait3A_431 = arith.constant 0 : i32
      %dma_wait3A_432 = tpu.memref_slice %arg6[%dma_wait3A_430, %dma_wait3A_431] : memref<327680x128xf32, #tpu.memory_space<hbm>> -> memref<128x128xf32, #tpu.memory_space<hbm>>
      %dma_wait3A_433 = arith.constant 0 : i32
      %dma_wait3A_434 = arith.constant 0 : i32
      %dma_wait3A_435 = tpu.memref_slice %arg6[%dma_wait3A_433, %dma_wait3A_434] : memref<327680x128xf32, #tpu.memory_space<hbm>> -> memref<128x128xf32, #tpu.memory_space<hbm>>
      %dma_wait3A_436 = arith.constant 0 : i32
      %dma_wait3A_437 = arith.constant 0 : i32
      %dma_wait3A_438 = tpu.memref_slice %arg10[%dma_wait3A_425, %dma_wait3A_436, %dma_wait3A_437] : memref<3x128x128xf32, #tpu.memory_space<vmem>> -> memref<1x128x128xf32, #tpu.memory_space<vmem>>
      %dma_wait3A_439 = tpu.memref_squeeze %dma_wait3A_438 : memref<1x128x128xf32, #tpu.memory_space<vmem>> -> memref<128x128xf32, #tpu.memory_space<vmem>>
      tpu.wait_dma2 semaphore(%arg16 : memref<!tpu.dma_semaphore, #tpu.memory_space<semaphore_mem>>) src(%dma_wait3A_439 : memref<128x128xf32, #tpu.memory_space<vmem>>) dst(%dma_wait3A_435 : memref<128x128xf32, #tpu.memory_space<hbm>>)
      %dma_wait3A_440 = arith.constant 1 : i32
      %dma_wait3A_441 = arith.constant 0 : i32
      %dma_wait3A_442 = arith.constant 0 : i32
      %dma_wait3A_443 = tpu.memref_slice %arg11[%dma_wait3A_440, %dma_wait3A_441, %dma_wait3A_442] : memref<3x128x128xf32, #tpu.memory_space<vmem>> -> memref<1x128x128xf32, #tpu.memory_space<vmem>>
      %dma_wait3A_444 = tpu.memref_squeeze %dma_wait3A_443 : memref<1x128x128xf32, #tpu.memory_space<vmem>> -> memref<128x128xf32, #tpu.memory_space<vmem>>
      %dma_wait3A_445 = arith.constant 0 : i32
      %dma_wait3A_446 = arith.constant 0 : i32
      %dma_wait3A_447 = tpu.memref_slice %arg7[%dma_wait3A_445, %dma_wait3A_446] : memref<327680x128xf32, #tpu.memory_space<hbm>> -> memref<128x128xf32, #tpu.memory_space<hbm>>
      %dma_wait3A_448 = arith.constant 0 : i32
      %dma_wait3A_449 = arith.constant 0 : i32
      %dma_wait3A_450 = tpu.memref_slice %arg7[%dma_wait3A_448, %dma_wait3A_449] : memref<327680x128xf32, #tpu.memory_space<hbm>> -> memref<128x128xf32, #tpu.memory_space<hbm>>
      %dma_wait3A_451 = arith.constant 0 : i32
      %dma_wait3A_452 = arith.constant 0 : i32
      %dma_wait3A_453 = tpu.memref_slice %arg11[%dma_wait3A_440, %dma_wait3A_451, %dma_wait3A_452] : memref<3x128x128xf32, #tpu.memory_space<vmem>> -> memref<1x128x128xf32, #tpu.memory_space<vmem>>
      %dma_wait3A_454 = tpu.memref_squeeze %dma_wait3A_453 : memref<1x128x128xf32, #tpu.memory_space<vmem>> -> memref<128x128xf32, #tpu.memory_space<vmem>>
      tpu.wait_dma2 semaphore(%arg16 : memref<!tpu.dma_semaphore, #tpu.memory_space<semaphore_mem>>) src(%dma_wait3A_454 : memref<128x128xf32, #tpu.memory_space<vmem>>) dst(%dma_wait3A_450 : memref<128x128xf32, #tpu.memory_space<hbm>>)
      %add3A_455 = arith.constant 2 : i32
      %add3A_456 = arith.addi %add3A_424, %add3A_455 : i32
      %dma_start3A_457 = arith.constant 1 : i32
      %dma_start3A_458 = arith.constant 0 : i32
      %dma_start3A_459 = arith.constant 0 : i32
      %dma_start3A_460 = tpu.memref_slice %arg10[%dma_start3A_457, %dma_start3A_458, %dma_start3A_459] : memref<3x128x128xf32, #tpu.memory_space<vmem>> -> memref<1x128x128xf32, #tpu.memory_space<vmem>>
      %dma_start3A_461 = tpu.memref_squeeze %dma_start3A_460 : memref<1x128x128xf32, #tpu.memory_space<vmem>> -> memref<128x128xf32, #tpu.memory_space<vmem>>
      %dma_start3A_462 = arith.constant 0 : i32
      %dma_start3A_463 = tpu.memref_slice %arg8[%add3A_456, %dma_start3A_462] : memref<80x128xi32, #tpu.memory_space<vmem>> -> memref<1x128xi32, #tpu.memory_space<vmem>>
      %dma_start3A_464 = tpu.memref_squeeze %dma_start3A_463 : memref<1x128xi32, #tpu.memory_space<vmem>> -> memref<128xi32, #tpu.memory_space<vmem>>
      %dma_start3A_465 = arith.constant 0 : i32
      %dma_start3A_466 = arith.constant 0 : i32
      %dma_start3A_467 = tpu.memref_slice %arg2[%dma_start3A_465, %dma_start3A_466] : memref<10112x128xf32, #tpu.memory_space<hbm>> -> memref<10112x128xf32, #tpu.memory_space<hbm>>
      tpu.enqueue_indirect_dma source(%dma_start3A_467 : memref<10112x128xf32, #tpu.memory_space<hbm>>) target(%dma_start3A_461 : memref<128x128xf32, #tpu.memory_space<vmem>>) offsets(%dma_start3A_464 : memref<128xi32, #tpu.memory_space<vmem>>) semaphore(%arg13 : memref<!tpu.dma_semaphore, #tpu.memory_space<semaphore_mem>>)
      %dma_start3A_468 = arith.constant 1 : i32
      %dma_start3A_469 = arith.constant 0 : i32
      %dma_start3A_470 = arith.constant 0 : i32
      %dma_start3A_471 = tpu.memref_slice %arg11[%dma_start3A_468, %dma_start3A_469, %dma_start3A_470] : memref<3x128x128xf32, #tpu.memory_space<vmem>> -> memref<1x128x128xf32, #tpu.memory_space<vmem>>
      %dma_start3A_472 = tpu.memref_squeeze %dma_start3A_471 : memref<1x128x128xf32, #tpu.memory_space<vmem>> -> memref<128x128xf32, #tpu.memory_space<vmem>>
      %dma_start3A_473 = arith.constant 0 : i32
      %dma_start3A_474 = tpu.memref_slice %arg9[%add3A_456, %dma_start3A_473] : memref<80x128xi32, #tpu.memory_space<vmem>> -> memref<1x128xi32, #tpu.memory_space<vmem>>
      %dma_start3A_475 = tpu.memref_squeeze %dma_start3A_474 : memref<1x128xi32, #tpu.memory_space<vmem>> -> memref<128xi32, #tpu.memory_space<vmem>>
      %dma_start3A_476 = arith.constant 0 : i32
      %dma_start3A_477 = arith.constant 0 : i32
      %dma_start3A_478 = tpu.memref_slice %arg3[%dma_start3A_476, %dma_start3A_477] : memref<10112x128xf32, #tpu.memory_space<hbm>> -> memref<10112x128xf32, #tpu.memory_space<hbm>>
      tpu.enqueue_indirect_dma source(%dma_start3A_478 : memref<10112x128xf32, #tpu.memory_space<hbm>>) target(%dma_start3A_472 : memref<128x128xf32, #tpu.memory_space<vmem>>) offsets(%dma_start3A_475 : memref<128xi32, #tpu.memory_space<vmem>>) semaphore(%arg13 : memref<!tpu.dma_semaphore, #tpu.memory_space<semaphore_mem>>)
      %dma_wait3A_479 = arith.constant 2 : i32
      %dma_wait3A_480 = arith.constant 0 : i32
      %dma_wait3A_481 = arith.constant 0 : i32
      %dma_wait3A_482 = tpu.memref_slice %arg10[%dma_wait3A_479, %dma_wait3A_480, %dma_wait3A_481] : memref<3x128x128xf32, #tpu.memory_space<vmem>> -> memref<1x128x128xf32, #tpu.memory_space<vmem>>
      %dma_wait3A_483 = tpu.memref_squeeze %dma_wait3A_482 : memref<1x128x128xf32, #tpu.memory_space<vmem>> -> memref<128x128xf32, #tpu.memory_space<vmem>>
      %dma_wait3A_484 = arith.constant 0 : i32
      %dma_wait3A_485 = tpu.memref_slice %arg8[%add3A_424, %dma_wait3A_484] : memref<80x128xi32, #tpu.memory_space<vmem>> -> memref<1x128xi32, #tpu.memory_space<vmem>>
      %dma_wait3A_486 = tpu.memref_squeeze %dma_wait3A_485 : memref<1x128xi32, #tpu.memory_space<vmem>> -> memref<128xi32, #tpu.memory_space<vmem>>
      %dma_wait3A_487 = arith.constant 0 : i32
      %dma_wait3A_488 = arith.constant 0 : i32
      %dma_wait3A_489 = tpu.memref_slice %arg2[%dma_wait3A_487, %dma_wait3A_488] : memref<10112x128xf32, #tpu.memory_space<hbm>> -> memref<10112x128xf32, #tpu.memory_space<hbm>>
      tpu.wait_indirect_dma semaphore(%arg14 : memref<!tpu.dma_semaphore, #tpu.memory_space<semaphore_mem>>) src(%dma_wait3A_489 : memref<10112x128xf32, #tpu.memory_space<hbm>>) dst(%dma_wait3A_483 : memref<128x128xf32, #tpu.memory_space<vmem>>)
      %dma_wait3A_490 = arith.constant 2 : i32
      %dma_wait3A_491 = arith.constant 0 : i32
      %dma_wait3A_492 = arith.constant 0 : i32
      %dma_wait3A_493 = tpu.memref_slice %arg11[%dma_wait3A_490, %dma_wait3A_491, %dma_wait3A_492] : memref<3x128x128xf32, #tpu.memory_space<vmem>> -> memref<1x128x128xf32, #tpu.memory_space<vmem>>
      %dma_wait3A_494 = tpu.memref_squeeze %dma_wait3A_493 : memref<1x128x128xf32, #tpu.memory_space<vmem>> -> memref<128x128xf32, #tpu.memory_space<vmem>>
      %dma_wait3A_495 = arith.constant 0 : i32
      %dma_wait3A_496 = tpu.memref_slice %arg9[%add3A_424, %dma_wait3A_495] : memref<80x128xi32, #tpu.memory_space<vmem>> -> memref<1x128xi32, #tpu.memory_space<vmem>>
      %dma_wait3A_497 = tpu.memref_squeeze %dma_wait3A_496 : memref<1x128xi32, #tpu.memory_space<vmem>> -> memref<128xi32, #tpu.memory_space<vmem>>
      %dma_wait3A_498 = arith.constant 0 : i32
      %dma_wait3A_499 = arith.constant 0 : i32
      %dma_wait3A_500 = tpu.memref_slice %arg3[%dma_wait3A_498, %dma_wait3A_499] : memref<10112x128xf32, #tpu.memory_space<hbm>> -> memref<10112x128xf32, #tpu.memory_space<hbm>>
      tpu.wait_indirect_dma semaphore(%arg14 : memref<!tpu.dma_semaphore, #tpu.memory_space<semaphore_mem>>) src(%dma_wait3A_500 : memref<10112x128xf32, #tpu.memory_space<hbm>>) dst(%dma_wait3A_494 : memref<128x128xf32, #tpu.memory_space<vmem>>)
      %mul3A_501 = arith.constant 128 : i32
      %mul3A_502 = arith.muli %add3A_424, %mul3A_501 : i32
      %add3A_503 = arith.addi %mul3A_4, %mul3A_502 : i32
      %dma_start3A_504 = arith.constant 2 : i32
      %dma_start3A_505 = arith.constant 0 : i32
      %dma_start3A_506 = arith.constant 0 : i32
      %dma_start3A_507 = tpu.memref_slice %arg10[%dma_start3A_504, %dma_start3A_505, %dma_start3A_506] : memref<3x128x128xf32, #tpu.memory_space<vmem>> -> memref<1x128x128xf32, #tpu.memory_space<vmem>>
      %dma_start3A_508 = tpu.memref_squeeze %dma_start3A_507 : memref<1x128x128xf32, #tpu.memory_space<vmem>> -> memref<128x128xf32, #tpu.memory_space<vmem>>
      %dma_start3A_509 = arith.constant 0 : i32
      %dma_start3A_510 = tpu.memref_slice %arg6[%add3A_503, %dma_start3A_509] : memref<327680x128xf32, #tpu.memory_space<hbm>> -> memref<128x128xf32, #tpu.memory_space<hbm>>
      %dma_start3A_511 = arith.constant 0 : i32
      %dma_start3A_512 = tpu.memref_slice %arg6[%add3A_503, %dma_start3A_511] : memref<327680x128xf32, #tpu.memory_space<hbm>> -> memref<128x128xf32, #tpu.memory_space<hbm>>
      %dma_start3A_513 = arith.constant 0 : i32
      %dma_start3A_514 = arith.constant 0 : i32
      %dma_start3A_515 = tpu.memref_slice %arg10[%dma_start3A_504, %dma_start3A_513, %dma_start3A_514] : memref<3x128x128xf32, #tpu.memory_space<vmem>> -> memref<1x128x128xf32, #tpu.memory_space<vmem>>
      %dma_start3A_516 = tpu.memref_squeeze %dma_start3A_515 : memref<1x128x128xf32, #tpu.memory_space<vmem>> -> memref<128x128xf32, #tpu.memory_space<vmem>>
      tpu.enqueue_dma source(%dma_start3A_516 : memref<128x128xf32, #tpu.memory_space<vmem>>) target(%dma_start3A_512 : memref<128x128xf32, #tpu.memory_space<hbm>>) target_semaphore(%arg17 : memref<!tpu.dma_semaphore, #tpu.memory_space<semaphore_mem>>)
      %dma_start3A_517 = arith.constant 2 : i32
      %dma_start3A_518 = arith.constant 0 : i32
      %dma_start3A_519 = arith.constant 0 : i32
      %dma_start3A_520 = tpu.memref_slice %arg11[%dma_start3A_517, %dma_start3A_518, %dma_start3A_519] : memref<3x128x128xf32, #tpu.memory_space<vmem>> -> memref<1x128x128xf32, #tpu.memory_space<vmem>>
      %dma_start3A_521 = tpu.memref_squeeze %dma_start3A_520 : memref<1x128x128xf32, #tpu.memory_space<vmem>> -> memref<128x128xf32, #tpu.memory_space<vmem>>
      %dma_start3A_522 = arith.constant 0 : i32
      %dma_start3A_523 = tpu.memref_slice %arg7[%add3A_503, %dma_start3A_522] : memref<327680x128xf32, #tpu.memory_space<hbm>> -> memref<128x128xf32, #tpu.memory_space<hbm>>
      %dma_start3A_524 = arith.constant 0 : i32
      %dma_start3A_525 = tpu.memref_slice %arg7[%add3A_503, %dma_start3A_524] : memref<327680x128xf32, #tpu.memory_space<hbm>> -> memref<128x128xf32, #tpu.memory_space<hbm>>
      %dma_start3A_526 = arith.constant 0 : i32
      %dma_start3A_527 = arith.constant 0 : i32
      %dma_start3A_528 = tpu.memref_slice %arg11[%dma_start3A_517, %dma_start3A_526, %dma_start3A_527] : memref<3x128x128xf32, #tpu.memory_space<vmem>> -> memref<1x128x128xf32, #tpu.memory_space<vmem>>
      %dma_start3A_529 = tpu.memref_squeeze %dma_start3A_528 : memref<1x128x128xf32, #tpu.memory_space<vmem>> -> memref<128x128xf32, #tpu.memory_space<vmem>>
      tpu.enqueue_dma source(%dma_start3A_529 : memref<128x128xf32, #tpu.memory_space<vmem>>) target(%dma_start3A_525 : memref<128x128xf32, #tpu.memory_space<hbm>>) target_semaphore(%arg17 : memref<!tpu.dma_semaphore, #tpu.memory_space<semaphore_mem>>)
    }
    %scan3A_56 = arith.constant 26 : i32
    %dma_wait3A = arith.constant 2 : i32
    %dma_wait3A_57 = arith.constant 0 : i32
    %dma_wait3A_58 = arith.constant 0 : i32
    %dma_wait3A_59 = tpu.memref_slice %arg10[%dma_wait3A, %dma_wait3A_57, %dma_wait3A_58] : memref<3x128x128xf32, #tpu.memory_space<vmem>> -> memref<1x128x128xf32, #tpu.memory_space<vmem>>
    %dma_wait3A_60 = tpu.memref_squeeze %dma_wait3A_59 : memref<1x128x128xf32, #tpu.memory_space<vmem>> -> memref<128x128xf32, #tpu.memory_space<vmem>>
    %dma_wait3A_61 = arith.constant 0 : i32
    %dma_wait3A_62 = arith.constant 0 : i32
    %dma_wait3A_63 = tpu.memref_slice %arg6[%dma_wait3A_61, %dma_wait3A_62] : memref<327680x128xf32, #tpu.memory_space<hbm>> -> memref<128x128xf32, #tpu.memory_space<hbm>>
    %dma_wait3A_64 = arith.constant 0 : i32
    %dma_wait3A_65 = arith.constant 0 : i32
    %dma_wait3A_66 = tpu.memref_slice %arg6[%dma_wait3A_64, %dma_wait3A_65] : memref<327680x128xf32, #tpu.memory_space<hbm>> -> memref<128x128xf32, #tpu.memory_space<hbm>>
    %dma_wait3A_67 = arith.constant 0 : i32
    %dma_wait3A_68 = arith.constant 0 : i32
    %dma_wait3A_69 = tpu.memref_slice %arg10[%dma_wait3A, %dma_wait3A_67, %dma_wait3A_68] : memref<3x128x128xf32, #tpu.memory_space<vmem>> -> memref<1x128x128xf32, #tpu.memory_space<vmem>>
    %dma_wait3A_70 = tpu.memref_squeeze %dma_wait3A_69 : memref<1x128x128xf32, #tpu.memory_space<vmem>> -> memref<128x128xf32, #tpu.memory_space<vmem>>
    tpu.wait_dma2 semaphore(%arg17 : memref<!tpu.dma_semaphore, #tpu.memory_space<semaphore_mem>>) src(%dma_wait3A_70 : memref<128x128xf32, #tpu.memory_space<vmem>>) dst(%dma_wait3A_66 : memref<128x128xf32, #tpu.memory_space<hbm>>)
    %dma_wait3A_71 = arith.constant 2 : i32
    %dma_wait3A_72 = arith.constant 0 : i32
    %dma_wait3A_73 = arith.constant 0 : i32
    %dma_wait3A_74 = tpu.memref_slice %arg11[%dma_wait3A_71, %dma_wait3A_72, %dma_wait3A_73] : memref<3x128x128xf32, #tpu.memory_space<vmem>> -> memref<1x128x128xf32, #tpu.memory_space<vmem>>
    %dma_wait3A_75 = tpu.memref_squeeze %dma_wait3A_74 : memref<1x128x128xf32, #tpu.memory_space<vmem>> -> memref<128x128xf32, #tpu.memory_space<vmem>>
    %dma_wait3A_76 = arith.constant 0 : i32
    %dma_wait3A_77 = arith.constant 0 : i32
    %dma_wait3A_78 = tpu.memref_slice %arg7[%dma_wait3A_76, %dma_wait3A_77] : memref<327680x128xf32, #tpu.memory_space<hbm>> -> memref<128x128xf32, #tpu.memory_space<hbm>>
    %dma_wait3A_79 = arith.constant 0 : i32
    %dma_wait3A_80 = arith.constant 0 : i32
    %dma_wait3A_81 = tpu.memref_slice %arg7[%dma_wait3A_79, %dma_wait3A_80] : memref<327680x128xf32, #tpu.memory_space<hbm>> -> memref<128x128xf32, #tpu.memory_space<hbm>>
    %dma_wait3A_82 = arith.constant 0 : i32
    %dma_wait3A_83 = arith.constant 0 : i32
    %dma_wait3A_84 = tpu.memref_slice %arg11[%dma_wait3A_71, %dma_wait3A_82, %dma_wait3A_83] : memref<3x128x128xf32, #tpu.memory_space<vmem>> -> memref<1x128x128xf32, #tpu.memory_space<vmem>>
    %dma_wait3A_85 = tpu.memref_squeeze %dma_wait3A_84 : memref<1x128x128xf32, #tpu.memory_space<vmem>> -> memref<128x128xf32, #tpu.memory_space<vmem>>
    tpu.wait_dma2 semaphore(%arg17 : memref<!tpu.dma_semaphore, #tpu.memory_space<semaphore_mem>>) src(%dma_wait3A_85 : memref<128x128xf32, #tpu.memory_space<vmem>>) dst(%dma_wait3A_81 : memref<128x128xf32, #tpu.memory_space<hbm>>)
    %dma_wait3A_86 = arith.constant 78 : i32
    %dma_wait3A_87 = arith.constant 0 : i32
    %dma_wait3A_88 = arith.constant 0 : i32
    %dma_wait3A_89 = arith.constant 0 : i32
    %dma_wait3A_90 = tpu.memref_slice %arg10[%dma_wait3A_87, %dma_wait3A_88, %dma_wait3A_89] : memref<3x128x128xf32, #tpu.memory_space<vmem>> -> memref<1x128x128xf32, #tpu.memory_space<vmem>>
    %dma_wait3A_91 = tpu.memref_squeeze %dma_wait3A_90 : memref<1x128x128xf32, #tpu.memory_space<vmem>> -> memref<128x128xf32, #tpu.memory_space<vmem>>
    %dma_wait3A_92 = arith.constant 0 : i32
    %dma_wait3A_93 = tpu.memref_slice %arg8[%dma_wait3A_86, %dma_wait3A_92] : memref<80x128xi32, #tpu.memory_space<vmem>> -> memref<1x128xi32, #tpu.memory_space<vmem>>
    %dma_wait3A_94 = tpu.memref_squeeze %dma_wait3A_93 : memref<1x128xi32, #tpu.memory_space<vmem>> -> memref<128xi32, #tpu.memory_space<vmem>>
    %dma_wait3A_95 = arith.constant 0 : i32
    %dma_wait3A_96 = arith.constant 0 : i32
    %dma_wait3A_97 = tpu.memref_slice %arg2[%dma_wait3A_95, %dma_wait3A_96] : memref<10112x128xf32, #tpu.memory_space<hbm>> -> memref<10112x128xf32, #tpu.memory_space<hbm>>
    tpu.wait_indirect_dma semaphore(%arg12 : memref<!tpu.dma_semaphore, #tpu.memory_space<semaphore_mem>>) src(%dma_wait3A_97 : memref<10112x128xf32, #tpu.memory_space<hbm>>) dst(%dma_wait3A_91 : memref<128x128xf32, #tpu.memory_space<vmem>>)
    %dma_wait3A_98 = arith.constant 78 : i32
    %dma_wait3A_99 = arith.constant 0 : i32
    %dma_wait3A_100 = arith.constant 0 : i32
    %dma_wait3A_101 = arith.constant 0 : i32
    %dma_wait3A_102 = tpu.memref_slice %arg11[%dma_wait3A_99, %dma_wait3A_100, %dma_wait3A_101] : memref<3x128x128xf32, #tpu.memory_space<vmem>> -> memref<1x128x128xf32, #tpu.memory_space<vmem>>
    %dma_wait3A_103 = tpu.memref_squeeze %dma_wait3A_102 : memref<1x128x128xf32, #tpu.memory_space<vmem>> -> memref<128x128xf32, #tpu.memory_space<vmem>>
    %dma_wait3A_104 = arith.constant 0 : i32
    %dma_wait3A_105 = tpu.memref_slice %arg9[%dma_wait3A_98, %dma_wait3A_104] : memref<80x128xi32, #tpu.memory_space<vmem>> -> memref<1x128xi32, #tpu.memory_space<vmem>>
    %dma_wait3A_106 = tpu.memref_squeeze %dma_wait3A_105 : memref<1x128xi32, #tpu.memory_space<vmem>> -> memref<128xi32, #tpu.memory_space<vmem>>
    %dma_wait3A_107 = arith.constant 0 : i32
    %dma_wait3A_108 = arith.constant 0 : i32
    %dma_wait3A_109 = tpu.memref_slice %arg3[%dma_wait3A_107, %dma_wait3A_108] : memref<10112x128xf32, #tpu.memory_space<hbm>> -> memref<10112x128xf32, #tpu.memory_space<hbm>>
    tpu.wait_indirect_dma semaphore(%arg12 : memref<!tpu.dma_semaphore, #tpu.memory_space<semaphore_mem>>) src(%dma_wait3A_109 : memref<10112x128xf32, #tpu.memory_space<hbm>>) dst(%dma_wait3A_103 : memref<128x128xf32, #tpu.memory_space<vmem>>)
    %add3A_110 = arith.constant 9984 : i32
    %add3A_111 = arith.addi %mul3A_4, %add3A_110 : i32
    %dma_start3A_112 = arith.constant 0 : i32
    %dma_start3A_113 = arith.constant 0 : i32
    %dma_start3A_114 = arith.constant 0 : i32
    %dma_start3A_115 = tpu.memref_slice %arg10[%dma_start3A_112, %dma_start3A_113, %dma_start3A_114] : memref<3x128x128xf32, #tpu.memory_space<vmem>> -> memref<1x128x128xf32, #tpu.memory_space<vmem>>
    %dma_start3A_116 = tpu.memref_squeeze %dma_start3A_115 : memref<1x128x128xf32, #tpu.memory_space<vmem>> -> memref<128x128xf32, #tpu.memory_space<vmem>>
    %dma_start3A_117 = arith.constant 0 : i32
    %dma_start3A_118 = tpu.memref_slice %arg6[%add3A_111, %dma_start3A_117] : memref<327680x128xf32, #tpu.memory_space<hbm>> -> memref<128x128xf32, #tpu.memory_space<hbm>>
    %dma_start3A_119 = arith.constant 0 : i32
    %dma_start3A_120 = tpu.memref_slice %arg6[%add3A_111, %dma_start3A_119] : memref<327680x128xf32, #tpu.memory_space<hbm>> -> memref<128x128xf32, #tpu.memory_space<hbm>>
    %dma_start3A_121 = arith.constant 0 : i32
    %dma_start3A_122 = arith.constant 0 : i32
    %dma_start3A_123 = tpu.memref_slice %arg10[%dma_start3A_112, %dma_start3A_121, %dma_start3A_122] : memref<3x128x128xf32, #tpu.memory_space<vmem>> -> memref<1x128x128xf32, #tpu.memory_space<vmem>>
    %dma_start3A_124 = tpu.memref_squeeze %dma_start3A_123 : memref<1x128x128xf32, #tpu.memory_space<vmem>> -> memref<128x128xf32, #tpu.memory_space<vmem>>
    tpu.enqueue_dma source(%dma_start3A_124 : memref<128x128xf32, #tpu.memory_space<vmem>>) target(%dma_start3A_120 : memref<128x128xf32, #tpu.memory_space<hbm>>) target_semaphore(%arg15 : memref<!tpu.dma_semaphore, #tpu.memory_space<semaphore_mem>>)
    %dma_start3A_125 = arith.constant 0 : i32
    %dma_start3A_126 = arith.constant 0 : i32
    %dma_start3A_127 = arith.constant 0 : i32
    %dma_start3A_128 = tpu.memref_slice %arg11[%dma_start3A_125, %dma_start3A_126, %dma_start3A_127] : memref<3x128x128xf32, #tpu.memory_space<vmem>> -> memref<1x128x128xf32, #tpu.memory_space<vmem>>
    %dma_start3A_129 = tpu.memref_squeeze %dma_start3A_128 : memref<1x128x128xf32, #tpu.memory_space<vmem>> -> memref<128x128xf32, #tpu.memory_space<vmem>>
    %dma_start3A_130 = arith.constant 0 : i32
    %dma_start3A_131 = tpu.memref_slice %arg7[%add3A_111, %dma_start3A_130] : memref<327680x128xf32, #tpu.memory_space<hbm>> -> memref<128x128xf32, #tpu.memory_space<hbm>>
    %dma_start3A_132 = arith.constant 0 : i32
    %dma_start3A_133 = tpu.memref_slice %arg7[%add3A_111, %dma_start3A_132] : memref<327680x128xf32, #tpu.memory_space<hbm>> -> memref<128x128xf32, #tpu.memory_space<hbm>>
    %dma_start3A_134 = arith.constant 0 : i32
    %dma_start3A_135 = arith.constant 0 : i32
    %dma_start3A_136 = tpu.memref_slice %arg11[%dma_start3A_125, %dma_start3A_134, %dma_start3A_135] : memref<3x128x128xf32, #tpu.memory_space<vmem>> -> memref<1x128x128xf32, #tpu.memory_space<vmem>>
    %dma_start3A_137 = tpu.memref_squeeze %dma_start3A_136 : memref<1x128x128xf32, #tpu.memory_space<vmem>> -> memref<128x128xf32, #tpu.memory_space<vmem>>
    tpu.enqueue_dma source(%dma_start3A_137 : memref<128x128xf32, #tpu.memory_space<vmem>>) target(%dma_start3A_133 : memref<128x128xf32, #tpu.memory_space<hbm>>) target_semaphore(%arg15 : memref<!tpu.dma_semaphore, #tpu.memory_space<semaphore_mem>>)
    %dma_wait3A_138 = arith.constant 0 : i32
    %dma_wait3A_139 = arith.constant 0 : i32
    %dma_wait3A_140 = arith.constant 0 : i32
    %dma_wait3A_141 = tpu.memref_slice %arg10[%dma_wait3A_138, %dma_wait3A_139, %dma_wait3A_140] : memref<3x128x128xf32, #tpu.memory_space<vmem>> -> memref<1x128x128xf32, #tpu.memory_space<vmem>>
    %dma_wait3A_142 = tpu.memref_squeeze %dma_wait3A_141 : memref<1x128x128xf32, #tpu.memory_space<vmem>> -> memref<128x128xf32, #tpu.memory_space<vmem>>
    %dma_wait3A_143 = arith.constant 0 : i32
    %dma_wait3A_144 = arith.constant 0 : i32
    %dma_wait3A_145 = tpu.memref_slice %arg6[%dma_wait3A_143, %dma_wait3A_144] : memref<327680x128xf32, #tpu.memory_space<hbm>> -> memref<128x128xf32, #tpu.memory_space<hbm>>
    %dma_wait3A_146 = arith.constant 0 : i32
    %dma_wait3A_147 = arith.constant 0 : i32
    %dma_wait3A_148 = tpu.memref_slice %arg6[%dma_wait3A_146, %dma_wait3A_147] : memref<327680x128xf32, #tpu.memory_space<hbm>> -> memref<128x128xf32, #tpu.memory_space<hbm>>
    %dma_wait3A_149 = arith.constant 0 : i32
    %dma_wait3A_150 = arith.constant 0 : i32
    %dma_wait3A_151 = tpu.memref_slice %arg10[%dma_wait3A_138, %dma_wait3A_149, %dma_wait3A_150] : memref<3x128x128xf32, #tpu.memory_space<vmem>> -> memref<1x128x128xf32, #tpu.memory_space<vmem>>
    %dma_wait3A_152 = tpu.memref_squeeze %dma_wait3A_151 : memref<1x128x128xf32, #tpu.memory_space<vmem>> -> memref<128x128xf32, #tpu.memory_space<vmem>>
    tpu.wait_dma2 semaphore(%arg15 : memref<!tpu.dma_semaphore, #tpu.memory_space<semaphore_mem>>) src(%dma_wait3A_152 : memref<128x128xf32, #tpu.memory_space<vmem>>) dst(%dma_wait3A_148 : memref<128x128xf32, #tpu.memory_space<hbm>>)
    %dma_wait3A_153 = arith.constant 0 : i32
    %dma_wait3A_154 = arith.constant 0 : i32
    %dma_wait3A_155 = arith.constant 0 : i32
    %dma_wait3A_156 = tpu.memref_slice %arg11[%dma_wait3A_153, %dma_wait3A_154, %dma_wait3A_155] : memref<3x128x128xf32, #tpu.memory_space<vmem>> -> memref<1x128x128xf32, #tpu.memory_space<vmem>>
    %dma_wait3A_157 = tpu.memref_squeeze %dma_wait3A_156 : memref<1x128x128xf32, #tpu.memory_space<vmem>> -> memref<128x128xf32, #tpu.memory_space<vmem>>
    %dma_wait3A_158 = arith.constant 0 : i32
    %dma_wait3A_159 = arith.constant 0 : i32
    %dma_wait3A_160 = tpu.memref_slice %arg7[%dma_wait3A_158, %dma_wait3A_159] : memref<327680x128xf32, #tpu.memory_space<hbm>> -> memref<128x128xf32, #tpu.memory_space<hbm>>
    %dma_wait3A_161 = arith.constant 0 : i32
    %dma_wait3A_162 = arith.constant 0 : i32
    %dma_wait3A_163 = tpu.memref_slice %arg7[%dma_wait3A_161, %dma_wait3A_162] : memref<327680x128xf32, #tpu.memory_space<hbm>> -> memref<128x128xf32, #tpu.memory_space<hbm>>
    %dma_wait3A_164 = arith.constant 0 : i32
    %dma_wait3A_165 = arith.constant 0 : i32
    %dma_wait3A_166 = tpu.memref_slice %arg11[%dma_wait3A_153, %dma_wait3A_164, %dma_wait3A_165] : memref<3x128x128xf32, #tpu.memory_space<vmem>> -> memref<1x128x128xf32, #tpu.memory_space<vmem>>
    %dma_wait3A_167 = tpu.memref_squeeze %dma_wait3A_166 : memref<1x128x128xf32, #tpu.memory_space<vmem>> -> memref<128x128xf32, #tpu.memory_space<vmem>>
    tpu.wait_dma2 semaphore(%arg15 : memref<!tpu.dma_semaphore, #tpu.memory_space<semaphore_mem>>) src(%dma_wait3A_167 : memref<128x128xf32, #tpu.memory_space<vmem>>) dst(%dma_wait3A_163 : memref<128x128xf32, #tpu.memory_space<hbm>>)
    %dma_wait3A_168 = arith.constant 79 : i32
    %dma_wait3A_169 = arith.constant 1 : i32
    %dma_wait3A_170 = arith.constant 0 : i32
    %dma_wait3A_171 = arith.constant 0 : i32
    %dma_wait3A_172 = tpu.memref_slice %arg10[%dma_wait3A_169, %dma_wait3A_170, %dma_wait3A_171] : memref<3x128x128xf32, #tpu.memory_space<vmem>> -> memref<1x128x128xf32, #tpu.memory_space<vmem>>
    %dma_wait3A_173 = tpu.memref_squeeze %dma_wait3A_172 : memref<1x128x128xf32, #tpu.memory_space<vmem>> -> memref<128x128xf32, #tpu.memory_space<vmem>>
    %dma_wait3A_174 = arith.constant 0 : i32
    %dma_wait3A_175 = tpu.memref_slice %arg8[%dma_wait3A_168, %dma_wait3A_174] : memref<80x128xi32, #tpu.memory_space<vmem>> -> memref<1x128xi32, #tpu.memory_space<vmem>>
    %dma_wait3A_176 = tpu.memref_squeeze %dma_wait3A_175 : memref<1x128xi32, #tpu.memory_space<vmem>> -> memref<128xi32, #tpu.memory_space<vmem>>
    %dma_wait3A_177 = arith.constant 0 : i32
    %dma_wait3A_178 = arith.constant 0 : i32
    %dma_wait3A_179 = tpu.memref_slice %arg2[%dma_wait3A_177, %dma_wait3A_178] : memref<10112x128xf32, #tpu.memory_space<hbm>> -> memref<10112x128xf32, #tpu.memory_space<hbm>>
    tpu.wait_indirect_dma semaphore(%arg13 : memref<!tpu.dma_semaphore, #tpu.memory_space<semaphore_mem>>) src(%dma_wait3A_179 : memref<10112x128xf32, #tpu.memory_space<hbm>>) dst(%dma_wait3A_173 : memref<128x128xf32, #tpu.memory_space<vmem>>)
    %dma_wait3A_180 = arith.constant 79 : i32
    %dma_wait3A_181 = arith.constant 1 : i32
    %dma_wait3A_182 = arith.constant 0 : i32
    %dma_wait3A_183 = arith.constant 0 : i32
    %dma_wait3A_184 = tpu.memref_slice %arg11[%dma_wait3A_181, %dma_wait3A_182, %dma_wait3A_183] : memref<3x128x128xf32, #tpu.memory_space<vmem>> -> memref<1x128x128xf32, #tpu.memory_space<vmem>>
    %dma_wait3A_185 = tpu.memref_squeeze %dma_wait3A_184 : memref<1x128x128xf32, #tpu.memory_space<vmem>> -> memref<128x128xf32, #tpu.memory_space<vmem>>
    %dma_wait3A_186 = arith.constant 0 : i32
    %dma_wait3A_187 = tpu.memref_slice %arg9[%dma_wait3A_180, %dma_wait3A_186] : memref<80x128xi32, #tpu.memory_space<vmem>> -> memref<1x128xi32, #tpu.memory_space<vmem>>
    %dma_wait3A_188 = tpu.memref_squeeze %dma_wait3A_187 : memref<1x128xi32, #tpu.memory_space<vmem>> -> memref<128xi32, #tpu.memory_space<vmem>>
    %dma_wait3A_189 = arith.constant 0 : i32
    %dma_wait3A_190 = arith.constant 0 : i32
    %dma_wait3A_191 = tpu.memref_slice %arg3[%dma_wait3A_189, %dma_wait3A_190] : memref<10112x128xf32, #tpu.memory_space<hbm>> -> memref<10112x128xf32, #tpu.memory_space<hbm>>
    tpu.wait_indirect_dma semaphore(%arg13 : memref<!tpu.dma_semaphore, #tpu.memory_space<semaphore_mem>>) src(%dma_wait3A_191 : memref<10112x128xf32, #tpu.memory_space<hbm>>) dst(%dma_wait3A_185 : memref<128x128xf32, #tpu.memory_space<vmem>>)
    %add3A_192 = arith.constant 10112 : i32
    %add3A_193 = arith.addi %mul3A_4, %add3A_192 : i32
    %dma_start3A_194 = arith.constant 1 : i32
    %dma_start3A_195 = arith.constant 0 : i32
    %dma_start3A_196 = arith.constant 0 : i32
    %dma_start3A_197 = tpu.memref_slice %arg10[%dma_start3A_194, %dma_start3A_195, %dma_start3A_196] : memref<3x128x128xf32, #tpu.memory_space<vmem>> -> memref<1x128x128xf32, #tpu.memory_space<vmem>>
    %dma_start3A_198 = tpu.memref_squeeze %dma_start3A_197 : memref<1x128x128xf32, #tpu.memory_space<vmem>> -> memref<128x128xf32, #tpu.memory_space<vmem>>
    %dma_start3A_199 = arith.constant 0 : i32
    %dma_start3A_200 = tpu.memref_slice %arg6[%add3A_193, %dma_start3A_199] : memref<327680x128xf32, #tpu.memory_space<hbm>> -> memref<128x128xf32, #tpu.memory_space<hbm>>
    %dma_start3A_201 = arith.constant 0 : i32
    %dma_start3A_202 = tpu.memref_slice %arg6[%add3A_193, %dma_start3A_201] : memref<327680x128xf32, #tpu.memory_space<hbm>> -> memref<128x128xf32, #tpu.memory_space<hbm>>
    %dma_start3A_203 = arith.constant 0 : i32
    %dma_start3A_204 = arith.constant 0 : i32
    %dma_start3A_205 = tpu.memref_slice %arg10[%dma_start3A_194, %dma_start3A_203, %dma_start3A_204] : memref<3x128x128xf32, #tpu.memory_space<vmem>> -> memref<1x128x128xf32, #tpu.memory_space<vmem>>
    %dma_start3A_206 = tpu.memref_squeeze %dma_start3A_205 : memref<1x128x128xf32, #tpu.memory_space<vmem>> -> memref<128x128xf32, #tpu.memory_space<vmem>>
    tpu.enqueue_dma source(%dma_start3A_206 : memref<128x128xf32, #tpu.memory_space<vmem>>) target(%dma_start3A_202 : memref<128x128xf32, #tpu.memory_space<hbm>>) target_semaphore(%arg16 : memref<!tpu.dma_semaphore, #tpu.memory_space<semaphore_mem>>)
    %dma_start3A_207 = arith.constant 1 : i32
    %dma_start3A_208 = arith.constant 0 : i32
    %dma_start3A_209 = arith.constant 0 : i32
    %dma_start3A_210 = tpu.memref_slice %arg11[%dma_start3A_207, %dma_start3A_208, %dma_start3A_209] : memref<3x128x128xf32, #tpu.memory_space<vmem>> -> memref<1x128x128xf32, #tpu.memory_space<vmem>>
    %dma_start3A_211 = tpu.memref_squeeze %dma_start3A_210 : memref<1x128x128xf32, #tpu.memory_space<vmem>> -> memref<128x128xf32, #tpu.memory_space<vmem>>
    %dma_start3A_212 = arith.constant 0 : i32
    %dma_start3A_213 = tpu.memref_slice %arg7[%add3A_193, %dma_start3A_212] : memref<327680x128xf32, #tpu.memory_space<hbm>> -> memref<128x128xf32, #tpu.memory_space<hbm>>
    %dma_start3A_214 = arith.constant 0 : i32
    %dma_start3A_215 = tpu.memref_slice %arg7[%add3A_193, %dma_start3A_214] : memref<327680x128xf32, #tpu.memory_space<hbm>> -> memref<128x128xf32, #tpu.memory_space<hbm>>
    %dma_start3A_216 = arith.constant 0 : i32
    %dma_start3A_217 = arith.constant 0 : i32
    %dma_start3A_218 = tpu.memref_slice %arg11[%dma_start3A_207, %dma_start3A_216, %dma_start3A_217] : memref<3x128x128xf32, #tpu.memory_space<vmem>> -> memref<1x128x128xf32, #tpu.memory_space<vmem>>
    %dma_start3A_219 = tpu.memref_squeeze %dma_start3A_218 : memref<1x128x128xf32, #tpu.memory_space<vmem>> -> memref<128x128xf32, #tpu.memory_space<vmem>>
    tpu.enqueue_dma source(%dma_start3A_219 : memref<128x128xf32, #tpu.memory_space<vmem>>) target(%dma_start3A_215 : memref<128x128xf32, #tpu.memory_space<hbm>>) target_semaphore(%arg16 : memref<!tpu.dma_semaphore, #tpu.memory_space<semaphore_mem>>)
    %dma_wait3A_220 = arith.constant 1 : i32
    %dma_wait3A_221 = arith.constant 0 : i32
    %dma_wait3A_222 = arith.constant 0 : i32
    %dma_wait3A_223 = tpu.memref_slice %arg10[%dma_wait3A_220, %dma_wait3A_221, %dma_wait3A_222] : memref<3x128x128xf32, #tpu.memory_space<vmem>> -> memref<1x128x128xf32, #tpu.memory_space<vmem>>
    %dma_wait3A_224 = tpu.memref_squeeze %dma_wait3A_223 : memref<1x128x128xf32, #tpu.memory_space<vmem>> -> memref<128x128xf32, #tpu.memory_space<vmem>>
    %dma_wait3A_225 = arith.constant 0 : i32
    %dma_wait3A_226 = arith.constant 0 : i32
    %dma_wait3A_227 = tpu.memref_slice %arg6[%dma_wait3A_225, %dma_wait3A_226] : memref<327680x128xf32, #tpu.memory_space<hbm>> -> memref<128x128xf32, #tpu.memory_space<hbm>>
    %dma_wait3A_228 = arith.constant 0 : i32
    %dma_wait3A_229 = arith.constant 0 : i32
    %dma_wait3A_230 = tpu.memref_slice %arg6[%dma_wait3A_228, %dma_wait3A_229] : memref<327680x128xf32, #tpu.memory_space<hbm>> -> memref<128x128xf32, #tpu.memory_space<hbm>>
    %dma_wait3A_231 = arith.constant 0 : i32
    %dma_wait3A_232 = arith.constant 0 : i32
    %dma_wait3A_233 = tpu.memref_slice %arg10[%dma_wait3A_220, %dma_wait3A_231, %dma_wait3A_232] : memref<3x128x128xf32, #tpu.memory_space<vmem>> -> memref<1x128x128xf32, #tpu.memory_space<vmem>>
    %dma_wait3A_234 = tpu.memref_squeeze %dma_wait3A_233 : memref<1x128x128xf32, #tpu.memory_space<vmem>> -> memref<128x128xf32, #tpu.memory_space<vmem>>
    tpu.wait_dma2 semaphore(%arg16 : memref<!tpu.dma_semaphore, #tpu.memory_space<semaphore_mem>>) src(%dma_wait3A_234 : memref<128x128xf32, #tpu.memory_space<vmem>>) dst(%dma_wait3A_230 : memref<128x128xf32, #tpu.memory_space<hbm>>)
    %dma_wait3A_235 = arith.constant 1 : i32
    %dma_wait3A_236 = arith.constant 0 : i32
    %dma_wait3A_237 = arith.constant 0 : i32
    %dma_wait3A_238 = tpu.memref_slice %arg11[%dma_wait3A_235, %dma_wait3A_236, %dma_wait3A_237] : memref<3x128x128xf32, #tpu.memory_space<vmem>> -> memref<1x128x128xf32, #tpu.memory_space<vmem>>
    %dma_wait3A_239 = tpu.memref_squeeze %dma_wait3A_238 : memref<1x128x128xf32, #tpu.memory_space<vmem>> -> memref<128x128xf32, #tpu.memory_space<vmem>>
    %dma_wait3A_240 = arith.constant 0 : i32
    %dma_wait3A_241 = arith.constant 0 : i32
    %dma_wait3A_242 = tpu.memref_slice %arg7[%dma_wait3A_240, %dma_wait3A_241] : memref<327680x128xf32, #tpu.memory_space<hbm>> -> memref<128x128xf32, #tpu.memory_space<hbm>>
    %dma_wait3A_243 = arith.constant 0 : i32
    %dma_wait3A_244 = arith.constant 0 : i32
    %dma_wait3A_245 = tpu.memref_slice %arg7[%dma_wait3A_243, %dma_wait3A_244] : memref<327680x128xf32, #tpu.memory_space<hbm>> -> memref<128x128xf32, #tpu.memory_space<hbm>>
    %dma_wait3A_246 = arith.constant 0 : i32
    %dma_wait3A_247 = arith.constant 0 : i32
    %dma_wait3A_248 = tpu.memref_slice %arg11[%dma_wait3A_235, %dma_wait3A_246, %dma_wait3A_247] : memref<3x128x128xf32, #tpu.memory_space<vmem>> -> memref<1x128x128xf32, #tpu.memory_space<vmem>>
    %dma_wait3A_249 = tpu.memref_squeeze %dma_wait3A_248 : memref<1x128x128xf32, #tpu.memory_space<vmem>> -> memref<128x128xf32, #tpu.memory_space<vmem>>
    tpu.wait_dma2 semaphore(%arg16 : memref<!tpu.dma_semaphore, #tpu.memory_space<semaphore_mem>>) src(%dma_wait3A_249 : memref<128x128xf32, #tpu.memory_space<vmem>>) dst(%dma_wait3A_245 : memref<128x128xf32, #tpu.memory_space<hbm>>)
    return
  }
}

module attributes {stable_mosaic.version = 14 : i64} {
  func.func @_node_msg_body(%arg0: i32, %arg1: memref<1264x128xf32, #tpu.memory_space<vmem>>, %arg2: memref<1264x128xf32, #tpu.memory_space<vmem>>, %arg3: memref<128x128xf32, #tpu.memory_space<vmem>>, %arg4: memref<128x128xf32, #tpu.memory_space<vmem>>, %arg5: memref<1x128xf32, #tpu.memory_space<vmem>>, %arg6: memref<1264x128xf32, #tpu.memory_space<vmem>>, %arg7: memref<1264x128xf32, #tpu.memory_space<vmem>>) attributes {dimension_semantics = [#tpu.dimension_semantics<arbitrary>], iteration_bounds = array<i64: 8>, scalar_prefetch = 0 : i64, scratch_operands = 0 : i64, tpu.core_type = #tpu.core_type<tc>, window_params = [{transform_indices = @transform_0, window_bounds = array<i64: 1264, 128>}, {transform_indices = @transform_1, window_bounds = array<i64: 1264, 128>}, {pipeline_mode = #tpu.pipeline_mode<synchronous>, transform_indices = @transform_2, window_bounds = array<i64: 128, 128>}, {pipeline_mode = #tpu.pipeline_mode<synchronous>, transform_indices = @transform_3, window_bounds = array<i64: 128, 128>}, {pipeline_mode = #tpu.pipeline_mode<synchronous>, transform_indices = @transform_4, window_bounds = array<i64: 1, 128>}, {transform_indices = @transform_5, window_bounds = array<i64: 1264, 128>}, {transform_indices = @transform_6, window_bounds = array<i64: 1264, 128>}]} {
    %get3A = arith.constant 0 : index
    %get3A_0 = arith.constant 0 : index
    %get3A_1 = vector.load %arg1[%get3A, %get3A_0] : memref<1264x128xf32, #tpu.memory_space<vmem>>, vector<1264x128xf32>
    %get3A_2 = arith.constant 0 : index
    %get3A_3 = arith.constant 0 : index
    %get3A_4 = vector.load %arg3[%get3A_2, %get3A_3] : memref<128x128xf32, #tpu.memory_space<vmem>>, vector<128x128xf32>
    %dot_general3A = arith.constant dense<0.000000e+00> : vector<1264x128xf32>
    %dot_general3A_5 = tpu.matmul %get3A_1, %get3A_4, %dot_general3A {dimension_numbers = #tpu.dot_dimension_numbers<[1], [0], [0], [1], [0, 0, 1, 1], [], []>, transpose_lhs_hint = false} : vector<1264x128xf32>, vector<128x128xf32>, vector<1264x128xf32> -> vector<1264x128xf32>
    %swap3A = arith.constant 0 : index
    %swap3A_6 = arith.constant 0 : index
    %swap3A_7 = vector.load %arg6[%swap3A, %swap3A_6] : memref<1264x128xf32, #tpu.memory_space<vmem>>, vector<1264x128xf32>
    tpu.vector_store %arg6[%swap3A, %swap3A_6], %dot_general3A_5 {strides = array<i32>} : memref<1264x128xf32, #tpu.memory_space<vmem>>, vector<1264x128xf32>,
    %get3A_8 = arith.constant 0 : index
    %get3A_9 = arith.constant 0 : index
    %get3A_10 = vector.load %arg2[%get3A_8, %get3A_9] : memref<1264x128xf32, #tpu.memory_space<vmem>>, vector<1264x128xf32>
    %get3A_11 = arith.constant 0 : index
    %get3A_12 = arith.constant 0 : index
    %get3A_13 = vector.load %arg4[%get3A_11, %get3A_12] : memref<128x128xf32, #tpu.memory_space<vmem>>, vector<128x128xf32>
    %dot_general3A_14 = arith.constant dense<0.000000e+00> : vector<1264x128xf32>
    %dot_general3A_15 = tpu.matmul %get3A_10, %get3A_13, %dot_general3A_14 {dimension_numbers = #tpu.dot_dimension_numbers<[1], [0], [0], [1], [0, 0, 1, 1], [], []>, transpose_lhs_hint = false} : vector<1264x128xf32>, vector<128x128xf32>, vector<1264x128xf32> -> vector<1264x128xf32>
    %get3A_16 = arith.constant 0 : index
    %get3A_17 = arith.constant 0 : index
    %get3A_18 = vector.load %arg5[%get3A_16, %get3A_17] : memref<1x128xf32, #tpu.memory_space<vmem>>, vector<1x128xf32>
    %add3A = vector.broadcast %get3A_18 : vector<1x128xf32> to vector<1264x128xf32>
    %add3A_19 = arith.addf %dot_general3A_15, %add3A : vector<1264x128xf32>
    %swap3A_20 = arith.constant 0 : index
    %swap3A_21 = arith.constant 0 : index
    %swap3A_22 = vector.load %arg7[%swap3A_20, %swap3A_21] : memref<1264x128xf32, #tpu.memory_space<vmem>>, vector<1264x128xf32>
    tpu.vector_store %arg7[%swap3A_20, %swap3A_21], %add3A_19 {strides = array<i32>} : memref<1264x128xf32, #tpu.memory_space<vmem>>, vector<1264x128xf32>,
    return
  }
  func.func @transform_0(%arg0: i32) -> (i32, i32) {
    %c0_i32 = arith.constant 0 : i32
    %c0_i32_0 = arith.constant 0 : i32
    return %arg0, %c0_i32 : i32, i32
  }
  func.func @transform_1(%arg0: i32) -> (i32, i32) {
    %c0_i32 = arith.constant 0 : i32
    %c0_i32_0 = arith.constant 0 : i32
    return %arg0, %c0_i32 : i32, i32
  }
  func.func @transform_2(%arg0: i32) -> (i32, i32) {
    %c0_i32 = arith.constant 0 : i32
    %c0_i32_0 = arith.constant 0 : i32
    %c0_i32_1 = arith.constant 0 : i32
    return %c0_i32, %c0_i32_0 : i32, i32
  }
  func.func @transform_3(%arg0: i32) -> (i32, i32) {
    %c0_i32 = arith.constant 0 : i32
    %c0_i32_0 = arith.constant 0 : i32
    %c0_i32_1 = arith.constant 0 : i32
    return %c0_i32, %c0_i32_0 : i32, i32
  }
  func.func @transform_4(%arg0: i32) -> (i32, i32) {
    %c0_i32 = arith.constant 0 : i32
    %c0_i32_0 = arith.constant 0 : i32
    %c0_i32_1 = arith.constant 0 : i32
    return %c0_i32, %c0_i32_0 : i32, i32
  }
  func.func @transform_5(%arg0: i32) -> (i32, i32) {
    %c0_i32 = arith.constant 0 : i32
    %c0_i32_0 = arith.constant 0 : i32
    return %arg0, %c0_i32 : i32, i32
  }
  func.func @transform_6(%arg0: i32) -> (i32, i32) {
    %c0_i32 = arith.constant 0 : i32
    %c0_i32_0 = arith.constant 0 : i32
    return %arg0, %c0_i32 : i32, i32
  }
}

module attributes {stable_mosaic.version = 14 : i64} {
  func.func @_edge_body(%arg0: i32, %arg1: memref<512x128xf32, #tpu.memory_space<vmem>>, %arg2: memref<512x128xf32, #tpu.memory_space<vmem>>, %arg3: memref<512x64xf32, #tpu.memory_space<vmem>>, %arg4: memref<512x16xf32, #tpu.memory_space<vmem>>, %arg5: memref<64x64xf32, #tpu.memory_space<vmem>>, %arg6: memref<1x64xf32, #tpu.memory_space<vmem>>, %arg7: memref<64x128xf32, #tpu.memory_space<vmem>>, %arg8: memref<1x128xf32, #tpu.memory_space<vmem>>, %arg9: memref<16x128xf32, #tpu.memory_space<vmem>>, %arg10: memref<128x16xf32, #tpu.memory_space<vmem>>, %arg11: memref<16x128xf32, #tpu.memory_space<vmem>>, %arg12: memref<128x128xf32, #tpu.memory_space<vmem>>, %arg13: memref<512x128xf32, #tpu.memory_space<vmem>>, %arg14: memref<512x128xf32, #tpu.memory_space<vmem>>) attributes {dimension_semantics = [#tpu.dimension_semantics<arbitrary>], iteration_bounds = array<i64: 640>, scalar_prefetch = 0 : i64, scratch_operands = 0 : i64, tpu.core_type = #tpu.core_type<tc>, window_params = [{transform_indices = @transform_0, window_bounds = array<i64: 512, 128>}, {transform_indices = @transform_1, window_bounds = array<i64: 512, 128>}, {transform_indices = @transform_2, window_bounds = array<i64: 512, 64>}, {transform_indices = @transform_3, window_bounds = array<i64: 512, 16>}, {pipeline_mode = #tpu.pipeline_mode<synchronous>, transform_indices = @transform_4, window_bounds = array<i64: 64, 64>}, {pipeline_mode = #tpu.pipeline_mode<synchronous>, transform_indices = @transform_5, window_bounds = array<i64: 1, 64>}, {pipeline_mode = #tpu.pipeline_mode<synchronous>, transform_indices = @transform_6, window_bounds = array<i64: 64, 128>}, {pipeline_mode = #tpu.pipeline_mode<synchronous>, transform_indices = @transform_7, window_bounds = array<i64: 1, 128>}, {pipeline_mode = #tpu.pipeline_mode<synchronous>, transform_indices = @transform_8, window_bounds = array<i64: 16, 128>}, {pipeline_mode = #tpu.pipeline_mode<synchronous>, transform_indices = @transform_9, window_bounds = array<i64: 128, 16>}, {pipeline_mode = #tpu.pipeline_mode<synchronous>, transform_indices = @transform_10, window_bounds = array<i64: 16, 128>}, {pipeline_mode = #tpu.pipeline_mode<synchronous>, transform_indices = @transform_11, window_bounds = array<i64: 128, 128>}, {transform_indices = @transform_12, window_bounds = array<i64: 512, 128>}, {transform_indices = @transform_13, window_bounds = array<i64: 512, 128>}]} {
    %get3A = arith.constant 0 : index
    %get3A_0 = arith.constant 0 : index
    %get3A_1 = vector.load %arg1[%get3A, %get3A_0] : memref<512x128xf32, #tpu.memory_space<vmem>>, vector<512x128xf32>
    %get3A_2 = arith.constant 0 : index
    %get3A_3 = arith.constant 0 : index
    %get3A_4 = vector.load %arg2[%get3A_2, %get3A_3] : memref<512x128xf32, #tpu.memory_space<vmem>>, vector<512x128xf32>
    %add3A = arith.addf %get3A_1, %get3A_4 : vector<512x128xf32>
    %get3A_5 = arith.constant 0 : index
    %get3A_6 = arith.constant 0 : index
    %get3A_7 = vector.load %arg3[%get3A_5, %get3A_6] : memref<512x64xf32, #tpu.memory_space<vmem>>, vector<512x64xf32>
    %get3A_8 = arith.constant 0 : index
    %get3A_9 = arith.constant 0 : index
    %get3A_10 = vector.load %arg5[%get3A_8, %get3A_9] : memref<64x64xf32, #tpu.memory_space<vmem>>, vector<64x64xf32>
    %dot_general3A = arith.constant dense<0.000000e+00> : vector<512x64xf32>
    %dot_general3A_11 = tpu.matmul %get3A_7, %get3A_10, %dot_general3A {dimension_numbers = #tpu.dot_dimension_numbers<[1], [0], [0], [1], [0, 0, 1, 1], [], []>, transpose_lhs_hint = false} : vector<512x64xf32>, vector<64x64xf32>, vector<512x64xf32> -> vector<512x64xf32>
    %get3A_12 = arith.constant 0 : index
    %get3A_13 = arith.constant 0 : index
    %get3A_14 = vector.load %arg6[%get3A_12, %get3A_13] : memref<1x64xf32, #tpu.memory_space<vmem>>, vector<1x64xf32>
    %add3A_15 = vector.broadcast %get3A_14 : vector<1x64xf32> to vector<512x64xf32>
    %add3A_16 = arith.addf %dot_general3A_11, %add3A_15 : vector<512x64xf32>
    %logistic3A = arith.negf %add3A_16 : vector<512x64xf32>
    %logistic3A_17 = math.exp %logistic3A : vector<512x64xf32>
    %logistic3A_18 = arith.constant 1.000000e+00 : f32
    %logistic3A_19 = vector.broadcast %logistic3A_18 : f32 to vector<512x64xf32>
    %logistic3A_20 = arith.addf %logistic3A_19, %logistic3A_17 : vector<512x64xf32>
    %logistic3A_21 = arith.divf %logistic3A_19, %logistic3A_20 : vector<512x64xf32>
    %mul3A = arith.mulf %add3A_16, %logistic3A_21 : vector<512x64xf32>
    %get3A_22 = arith.constant 0 : index
    %get3A_23 = arith.constant 0 : index
    %get3A_24 = vector.load %arg7[%get3A_22, %get3A_23] : memref<64x128xf32, #tpu.memory_space<vmem>>, vector<64x128xf32>
    %dot_general3A_25 = arith.constant dense<0.000000e+00> : vector<512x128xf32>
    %dot_general3A_26 = tpu.matmul %mul3A, %get3A_24, %dot_general3A_25 {dimension_numbers = #tpu.dot_dimension_numbers<[1], [0], [0], [1], [0, 0, 1, 1], [], []>, transpose_lhs_hint = false} : vector<512x64xf32>, vector<64x128xf32>, vector<512x128xf32> -> vector<512x128xf32>
    %get3A_27 = arith.constant 0 : index
    %get3A_28 = arith.constant 0 : index
    %get3A_29 = vector.load %arg8[%get3A_27, %get3A_28] : memref<1x128xf32, #tpu.memory_space<vmem>>, vector<1x128xf32>
    %add3A_30 = vector.broadcast %get3A_29 : vector<1x128xf32> to vector<512x128xf32>
    %add3A_31 = arith.addf %dot_general3A_26, %add3A_30 : vector<512x128xf32>
    %mul3A_32 = arith.mulf %add3A, %add3A_31 : vector<512x128xf32>
    %get3A_33 = arith.constant 0 : index
    %get3A_34 = arith.constant 0 : index
    %get3A_35 = vector.load %arg4[%get3A_33, %get3A_34] : memref<512x16xf32, #tpu.memory_space<vmem>>, vector<512x16xf32>
    %get3A_36 = arith.constant 0 : index
    %get3A_37 = arith.constant 0 : index
    %get3A_38 = vector.load %arg9[%get3A_36, %get3A_37] : memref<16x128xf32, #tpu.memory_space<vmem>>, vector<16x128xf32>
    %dot_general3A_39 = arith.constant dense<0.000000e+00> : vector<512x128xf32>
    %dot_general3A_40 = tpu.matmul %get3A_35, %get3A_38, %dot_general3A_39 {dimension_numbers = #tpu.dot_dimension_numbers<[1], [0], [0], [1], [0, 0, 1, 1], [], []>, transpose_lhs_hint = false} : vector<512x16xf32>, vector<16x128xf32>, vector<512x128xf32> -> vector<512x128xf32>
    %add3A_41 = arith.addf %mul3A_32, %dot_general3A_40 : vector<512x128xf32>
    %ge3A = arith.constant 0.000000e+00 : f32
    %ge3A_42 = vector.broadcast %ge3A : f32 to vector<512x128xf32>
    %ge3A_43 = arith.cmpf oge, %add3A_41, %ge3A_42 : vector<512x128xf32>
    %mul3A_44 = arith.constant 2.000000e-01 : f32
    %mul3A_45 = vector.broadcast %mul3A_44 : f32 to vector<512x128xf32>
    %mul3A_46 = arith.mulf %mul3A_45, %add3A_41 : vector<512x128xf32>
    %select_n3A = arith.select %ge3A_43, %add3A_41, %mul3A_46 : vector<512x128xi1>, vector<512x128xf32>
    %get3A_47 = arith.constant 0 : index
    %get3A_48 = arith.constant 0 : index
    %get3A_49 = vector.load %arg10[%get3A_47, %get3A_48] : memref<128x16xf32, #tpu.memory_space<vmem>>, vector<128x16xf32>
    %dot_general3A_50 = arith.constant dense<0.000000e+00> : vector<512x16xf32>
    %dot_general3A_51 = tpu.matmul %select_n3A, %get3A_49, %dot_general3A_50 {dimension_numbers = #tpu.dot_dimension_numbers<[1], [0], [0], [1], [0, 0, 1, 1], [], []>, transpose_lhs_hint = false} : vector<512x128xf32>, vector<128x16xf32>, vector<512x16xf32> -> vector<512x16xf32>
    %exp3A = math.exp %dot_general3A_51 : vector<512x16xf32>
    %get3A_52 = arith.constant 0 : index
    %get3A_53 = arith.constant 0 : index
    %get3A_54 = vector.load %arg12[%get3A_52, %get3A_53] : memref<128x128xf32, #tpu.memory_space<vmem>>, vector<128x128xf32>
    %dot_general3A_55 = arith.constant dense<0.000000e+00> : vector<512x128xf32>
    %dot_general3A_56 = tpu.matmul %add3A_41, %get3A_54, %dot_general3A_55 {dimension_numbers = #tpu.dot_dimension_numbers<[1], [0], [0], [1], [0, 0, 1, 1], [], []>, transpose_lhs_hint = false} : vector<512x128xf32>, vector<128x128xf32>, vector<512x128xf32> -> vector<512x128xf32>
    %get3A_57 = arith.constant 0 : index
    %get3A_58 = arith.constant 0 : index
    %get3A_59 = vector.load %arg11[%get3A_57, %get3A_58] : memref<16x128xf32, #tpu.memory_space<vmem>>, vector<16x128xf32>
    %dot_general3A_60 = arith.constant dense<0.000000e+00> : vector<512x128xf32>
    %dot_general3A_61 = tpu.matmul %exp3A, %get3A_59, %dot_general3A_60 {dimension_numbers = #tpu.dot_dimension_numbers<[1], [0], [0], [1], [0, 0, 1, 1], [], []>, transpose_lhs_hint = false} : vector<512x16xf32>, vector<16x128xf32>, vector<512x128xf32> -> vector<512x128xf32>
    %mul3A_62 = arith.mulf %dot_general3A_56, %dot_general3A_61 : vector<512x128xf32>
    %swap3A = arith.constant 0 : index
    %swap3A_63 = arith.constant 0 : index
    %swap3A_64 = vector.load %arg13[%swap3A, %swap3A_63] : memref<512x128xf32, #tpu.memory_space<vmem>>, vector<512x128xf32>
    tpu.vector_store %arg13[%swap3A, %swap3A_63], %mul3A_62 {strides = array<i32>} : memref<512x128xf32, #tpu.memory_space<vmem>>, vector<512x128xf32>,
    %swap3A_65 = arith.constant 0 : index
    %swap3A_66 = arith.constant 0 : index
    %swap3A_67 = vector.load %arg14[%swap3A_65, %swap3A_66] : memref<512x128xf32, #tpu.memory_space<vmem>>, vector<512x128xf32>
    tpu.vector_store %arg14[%swap3A_65, %swap3A_66], %dot_general3A_61 {strides = array<i32>} : memref<512x128xf32, #tpu.memory_space<vmem>>, vector<512x128xf32>,
    return
  }
  func.func @transform_0(%arg0: i32) -> (i32, i32) {
    %c0_i32 = arith.constant 0 : i32
    %c0_i32_0 = arith.constant 0 : i32
    return %arg0, %c0_i32 : i32, i32
  }
  func.func @transform_1(%arg0: i32) -> (i32, i32) {
    %c0_i32 = arith.constant 0 : i32
    %c0_i32_0 = arith.constant 0 : i32
    return %arg0, %c0_i32 : i32, i32
  }
  func.func @transform_2(%arg0: i32) -> (i32, i32) {
    %c0_i32 = arith.constant 0 : i32
    %c0_i32_0 = arith.constant 0 : i32
    return %arg0, %c0_i32 : i32, i32
  }
  func.func @transform_3(%arg0: i32) -> (i32, i32) {
    %c0_i32 = arith.constant 0 : i32
    %c0_i32_0 = arith.constant 0 : i32
    return %arg0, %c0_i32 : i32, i32
  }
  func.func @transform_4(%arg0: i32) -> (i32, i32) {
    %c0_i32 = arith.constant 0 : i32
    %c0_i32_0 = arith.constant 0 : i32
    %c0_i32_1 = arith.constant 0 : i32
    return %c0_i32, %c0_i32_0 : i32, i32
  }
  func.func @transform_5(%arg0: i32) -> (i32, i32) {
    %c0_i32 = arith.constant 0 : i32
    %c0_i32_0 = arith.constant 0 : i32
    %c0_i32_1 = arith.constant 0 : i32
    return %c0_i32, %c0_i32_0 : i32, i32
  }
  func.func @transform_6(%arg0: i32) -> (i32, i32) {
    %c0_i32 = arith.constant 0 : i32
    %c0_i32_0 = arith.constant 0 : i32
    %c0_i32_1 = arith.constant 0 : i32
    return %c0_i32, %c0_i32_0 : i32, i32
  }
  func.func @transform_7(%arg0: i32) -> (i32, i32) {
    %c0_i32 = arith.constant 0 : i32
    %c0_i32_0 = arith.constant 0 : i32
    %c0_i32_1 = arith.constant 0 : i32
    return %c0_i32, %c0_i32_0 : i32, i32
  }
  func.func @transform_8(%arg0: i32) -> (i32, i32) {
    %c0_i32 = arith.constant 0 : i32
    %c0_i32_0 = arith.constant 0 : i32
    %c0_i32_1 = arith.constant 0 : i32
    return %c0_i32, %c0_i32_0 : i32, i32
  }
  func.func @transform_9(%arg0: i32) -> (i32, i32) {
    %c0_i32 = arith.constant 0 : i32
    %c0_i32_0 = arith.constant 0 : i32
    %c0_i32_1 = arith.constant 0 : i32
    return %c0_i32, %c0_i32_0 : i32, i32
  }
  func.func @transform_10(%arg0: i32) -> (i32, i32) {
    %c0_i32 = arith.constant 0 : i32
    %c0_i32_0 = arith.constant 0 : i32
    %c0_i32_1 = arith.constant 0 : i32
    return %c0_i32, %c0_i32_0 : i32, i32
  }
  func.func @transform_11(%arg0: i32) -> (i32, i32) {
    %c0_i32 = arith.constant 0 : i32
    %c0_i32_0 = arith.constant 0 : i32
    %c0_i32_1 = arith.constant 0 : i32
    return %c0_i32, %c0_i32_0 : i32, i32
  }
  func.func @transform_12(%arg0: i32) -> (i32, i32) {
    %c0_i32 = arith.constant 0 : i32
    %c0_i32_0 = arith.constant 0 : i32
    return %arg0, %c0_i32 : i32, i32
  }
  func.func @transform_13(%arg0: i32) -> (i32, i32) {
    %c0_i32 = arith.constant 0 : i32
    %c0_i32_0 = arith.constant 0 : i32
    return %arg0, %c0_i32 : i32, i32
  }
}

module attributes {stable_mosaic.version = 14 : i64} {
  func.func @_final_body(%arg0: i32, %arg1: memref<2x1000x128xf32, #tpu.memory_space<vmem>>, %arg2: memref<2x1000x128xf32, #tpu.memory_space<vmem>>, %arg3: memref<1000x128xf32, #tpu.memory_space<vmem>>, %arg4: memref<128x128xf32, #tpu.memory_space<vmem>>, %arg5: memref<1x128xf32, #tpu.memory_space<vmem>>, %arg6: memref<1x128xf32, #tpu.memory_space<vmem>>, %arg7: memref<1x128xf32, #tpu.memory_space<vmem>>, %arg8: memref<128x384xf32, #tpu.memory_space<vmem>>, %arg9: memref<1x384xf32, #tpu.memory_space<vmem>>, %arg10: memref<384x128xf32, #tpu.memory_space<vmem>>, %arg11: memref<1x128xf32, #tpu.memory_space<vmem>>, %arg12: memref<1000x128xf32, #tpu.memory_space<vmem>>) attributes {dimension_semantics = [#tpu.dimension_semantics<arbitrary>], iteration_bounds = array<i64: 10>, scalar_prefetch = 0 : i64, scratch_operands = 0 : i64, tpu.core_type = #tpu.core_type<tc>, window_params = [{transform_indices = @transform_0, window_bounds = array<i64: 2, 1000, 128>}, {transform_indices = @transform_1, window_bounds = array<i64: 2, 1000, 128>}, {transform_indices = @transform_2, window_bounds = array<i64: 1000, 128>}, {pipeline_mode = #tpu.pipeline_mode<synchronous>, transform_indices = @transform_3, window_bounds = array<i64: 128, 128>}, {pipeline_mode = #tpu.pipeline_mode<synchronous>, transform_indices = @transform_4, window_bounds = array<i64: 1, 128>}, {pipeline_mode = #tpu.pipeline_mode<synchronous>, transform_indices = @transform_5, window_bounds = array<i64: 1, 128>}, {pipeline_mode = #tpu.pipeline_mode<synchronous>, transform_indices = @transform_6, window_bounds = array<i64: 1, 128>}, {pipeline_mode = #tpu.pipeline_mode<synchronous>, transform_indices = @transform_7, window_bounds = array<i64: 128, 384>}, {pipeline_mode = #tpu.pipeline_mode<synchronous>, transform_indices = @transform_8, window_bounds = array<i64: 1, 384>}, {pipeline_mode = #tpu.pipeline_mode<synchronous>, transform_indices = @transform_9, window_bounds = array<i64: 384, 128>}, {pipeline_mode = #tpu.pipeline_mode<synchronous>, transform_indices = @transform_10, window_bounds = array<i64: 1, 128>}, {transform_indices = @transform_11, window_bounds = array<i64: 1000, 128>}]} {
    %get3A = arith.constant 0 : index
    %get3A_0 = arith.constant 0 : index
    %get3A_1 = arith.constant 0 : index
    %get3A_2 = vector.load %arg1[%get3A, %get3A_0, %get3A_1] : memref<2x1000x128xf32, #tpu.memory_space<vmem>>, vector<1x1000x128xf32>
    %get3A_3 = vector.shape_cast %get3A_2 : vector<1x1000x128xf32> to vector<1000x128xf32>
    %get3A_4 = arith.constant 1 : index
    %get3A_5 = arith.constant 0 : index
    %get3A_6 = arith.constant 0 : index
    %get3A_7 = vector.load %arg1[%get3A_4, %get3A_5, %get3A_6] : memref<2x1000x128xf32, #tpu.memory_space<vmem>>, vector<1x1000x128xf32>
    %get3A_8 = vector.shape_cast %get3A_7 : vector<1x1000x128xf32> to vector<1000x128xf32>
    %add3A = arith.addf %get3A_3, %get3A_8 : vector<1000x128xf32>
    %get3A_9 = arith.constant 0 : index
    %get3A_10 = arith.constant 0 : index
    %get3A_11 = arith.constant 0 : index
    %get3A_12 = vector.load %arg2[%get3A_9, %get3A_10, %get3A_11] : memref<2x1000x128xf32, #tpu.memory_space<vmem>>, vector<1x1000x128xf32>
    %get3A_13 = vector.shape_cast %get3A_12 : vector<1x1000x128xf32> to vector<1000x128xf32>
    %get3A_14 = arith.constant 1 : index
    %get3A_15 = arith.constant 0 : index
    %get3A_16 = arith.constant 0 : index
    %get3A_17 = vector.load %arg2[%get3A_14, %get3A_15, %get3A_16] : memref<2x1000x128xf32, #tpu.memory_space<vmem>>, vector<1x1000x128xf32>
    %get3A_18 = vector.shape_cast %get3A_17 : vector<1x1000x128xf32> to vector<1000x128xf32>
    %add3A_19 = arith.addf %get3A_13, %get3A_18 : vector<1000x128xf32>
    %add3A_20 = arith.constant 9.99999971E-10 : f32
    %add3A_21 = vector.broadcast %add3A_20 : f32 to vector<1000x128xf32>
    %add3A_22 = arith.addf %add3A_19, %add3A_21 : vector<1000x128xf32>
    %div3A = arith.divf %add3A, %add3A_22 : vector<1000x128xf32>
    %get3A_23 = arith.constant 0 : index
    %get3A_24 = arith.constant 0 : index
    %get3A_25 = vector.load %arg4[%get3A_23, %get3A_24] : memref<128x128xf32, #tpu.memory_space<vmem>>, vector<128x128xf32>
    %dot_general3A = arith.constant dense<0.000000e+00> : vector<1000x128xf32>
    %dot_general3A_26 = tpu.matmul %div3A, %get3A_25, %dot_general3A {dimension_numbers = #tpu.dot_dimension_numbers<[1], [0], [0], [1], [0, 0, 1, 1], [], []>, transpose_lhs_hint = false} : vector<1000x128xf32>, vector<128x128xf32>, vector<1000x128xf32> -> vector<1000x128xf32>
    %get3A_27 = arith.constant 0 : index
    %get3A_28 = arith.constant 0 : index
    %get3A_29 = vector.load %arg5[%get3A_27, %get3A_28] : memref<1x128xf32, #tpu.memory_space<vmem>>, vector<1x128xf32>
    %add3A_30 = vector.broadcast %get3A_29 : vector<1x128xf32> to vector<1000x128xf32>
    %add3A_31 = arith.addf %dot_general3A_26, %add3A_30 : vector<1000x128xf32>
    %get3A_32 = arith.constant 0 : index
    %get3A_33 = arith.constant 0 : index
    %get3A_34 = vector.load %arg3[%get3A_32, %get3A_33] : memref<1000x128xf32, #tpu.memory_space<vmem>>, vector<1000x128xf32>
    %add3A_35 = arith.addf %get3A_34, %add3A_31 : vector<1000x128xf32>
    %reduce_sum3A = arith.constant dense<0.000000e+00> : vector<1000xf32>
    %reduce_sum3A_36 = vector.multi_reduction <add>, %add3A_35, %reduce_sum3A [1] : vector<1000x128xf32> to vector<1000xf32>
    %broadcast_in_dim3A = vector.shape_cast %reduce_sum3A_36 : vector<1000xf32> to vector<1000x1xf32>
    %div3A_37 = arith.constant 1.280000e+02 : f32
    %div3A_38 = vector.broadcast %div3A_37 : f32 to vector<1000x1xf32>
    %div3A_39 = arith.divf %broadcast_in_dim3A, %div3A_38 : vector<1000x1xf32>
    %sub3A = vector.broadcast %div3A_39 : vector<1000x1xf32> to vector<1000x128xf32>
    %sub3A_40 = arith.subf %add3A_35, %sub3A : vector<1000x128xf32>
    %mul3A = arith.mulf %sub3A_40, %sub3A_40 : vector<1000x128xf32>
    %reduce_sum3A_41 = arith.constant dense<0.000000e+00> : vector<1000xf32>
    %reduce_sum3A_42 = vector.multi_reduction <add>, %mul3A, %reduce_sum3A_41 [1] : vector<1000x128xf32> to vector<1000xf32>
    %broadcast_in_dim3A_43 = vector.shape_cast %reduce_sum3A_42 : vector<1000xf32> to vector<1000x1xf32>
    %div3A_44 = arith.constant 1.280000e+02 : f32
    %div3A_45 = vector.broadcast %div3A_44 : f32 to vector<1000x1xf32>
    %div3A_46 = arith.divf %broadcast_in_dim3A_43, %div3A_45 : vector<1000x1xf32>
    %add3A_47 = arith.constant 9.99999974E-6 : f32
    %add3A_48 = vector.broadcast %add3A_47 : f32 to vector<1000x1xf32>
    %add3A_49 = arith.addf %div3A_46, %add3A_48 : vector<1000x1xf32>
    %sqrt3A = math.sqrt %add3A_49 : vector<1000x1xf32>
    %div3A_50 = vector.broadcast %sqrt3A : vector<1000x1xf32> to vector<1000x128xf32>
    %div3A_51 = arith.divf %sub3A_40, %div3A_50 : vector<1000x128xf32>
    %get3A_52 = arith.constant 0 : index
    %get3A_53 = arith.constant 0 : index
    %get3A_54 = vector.load %arg6[%get3A_52, %get3A_53] : memref<1x128xf32, #tpu.memory_space<vmem>>, vector<1x128xf32>
    %mul3A_55 = vector.broadcast %get3A_54 : vector<1x128xf32> to vector<1000x128xf32>
    %mul3A_56 = arith.mulf %div3A_51, %mul3A_55 : vector<1000x128xf32>
    %get3A_57 = arith.constant 0 : index
    %get3A_58 = arith.constant 0 : index
    %get3A_59 = vector.load %arg7[%get3A_57, %get3A_58] : memref<1x128xf32, #tpu.memory_space<vmem>>, vector<1x128xf32>
    %add3A_60 = vector.broadcast %get3A_59 : vector<1x128xf32> to vector<1000x128xf32>
    %add3A_61 = arith.addf %mul3A_56, %add3A_60 : vector<1000x128xf32>
    %get3A_62 = arith.constant 0 : index
    %get3A_63 = arith.constant 0 : index
    %get3A_64 = vector.load %arg8[%get3A_62, %get3A_63] : memref<128x384xf32, #tpu.memory_space<vmem>>, vector<128x384xf32>
    %dot_general3A_65 = arith.constant dense<0.000000e+00> : vector<1000x384xf32>
    %dot_general3A_66 = tpu.matmul %add3A_61, %get3A_64, %dot_general3A_65 {dimension_numbers = #tpu.dot_dimension_numbers<[1], [0], [0], [1], [0, 0, 1, 1], [], []>, transpose_lhs_hint = false} : vector<1000x128xf32>, vector<128x384xf32>, vector<1000x384xf32> -> vector<1000x384xf32>
    %get3A_67 = arith.constant 0 : index
    %get3A_68 = arith.constant 0 : index
    %get3A_69 = vector.load %arg9[%get3A_67, %get3A_68] : memref<1x384xf32, #tpu.memory_space<vmem>>, vector<1x384xf32>
    %add3A_70 = vector.broadcast %get3A_69 : vector<1x384xf32> to vector<1000x384xf32>
    %add3A_71 = arith.addf %dot_general3A_66, %add3A_70 : vector<1000x384xf32>
    %logistic3A = arith.negf %add3A_71 : vector<1000x384xf32>
    %logistic3A_72 = math.exp %logistic3A : vector<1000x384xf32>
    %logistic3A_73 = arith.constant 1.000000e+00 : f32
    %logistic3A_74 = vector.broadcast %logistic3A_73 : f32 to vector<1000x384xf32>
    %logistic3A_75 = arith.addf %logistic3A_74, %logistic3A_72 : vector<1000x384xf32>
    %logistic3A_76 = arith.divf %logistic3A_74, %logistic3A_75 : vector<1000x384xf32>
    %mul3A_77 = arith.mulf %add3A_71, %logistic3A_76 : vector<1000x384xf32>
    %get3A_78 = arith.constant 0 : index
    %get3A_79 = arith.constant 0 : index
    %get3A_80 = vector.load %arg10[%get3A_78, %get3A_79] : memref<384x128xf32, #tpu.memory_space<vmem>>, vector<384x128xf32>
    %dot_general3A_81 = arith.constant dense<0.000000e+00> : vector<1000x128xf32>
    %dot_general3A_82 = tpu.matmul %mul3A_77, %get3A_80, %dot_general3A_81 {dimension_numbers = #tpu.dot_dimension_numbers<[1], [0], [0], [1], [0, 0, 1, 1], [], []>, transpose_lhs_hint = false} : vector<1000x384xf32>, vector<384x128xf32>, vector<1000x128xf32> -> vector<1000x128xf32>
    %get3A_83 = arith.constant 0 : index
    %get3A_84 = arith.constant 0 : index
    %get3A_85 = vector.load %arg11[%get3A_83, %get3A_84] : memref<1x128xf32, #tpu.memory_space<vmem>>, vector<1x128xf32>
    %add3A_86 = vector.broadcast %get3A_85 : vector<1x128xf32> to vector<1000x128xf32>
    %add3A_87 = arith.addf %dot_general3A_82, %add3A_86 : vector<1000x128xf32>
    %add3A_88 = arith.addf %add3A_35, %add3A_87 : vector<1000x128xf32>
    %swap3A = arith.constant 0 : index
    %swap3A_89 = arith.constant 0 : index
    %swap3A_90 = vector.load %arg12[%swap3A, %swap3A_89] : memref<1000x128xf32, #tpu.memory_space<vmem>>, vector<1000x128xf32>
    tpu.vector_store %arg12[%swap3A, %swap3A_89], %add3A_88 {strides = array<i32>} : memref<1000x128xf32, #tpu.memory_space<vmem>>, vector<1000x128xf32>,
    return
  }
  func.func @transform_0(%arg0: i32) -> (i32, i32, i32) {
    %c0_i32 = arith.constant 0 : i32
    %c0_i32_0 = arith.constant 0 : i32
    %c0_i32_1 = arith.constant 0 : i32
    return %c0_i32, %arg0, %c0_i32_0 : i32, i32, i32
  }
  func.func @transform_1(%arg0: i32) -> (i32, i32, i32) {
    %c0_i32 = arith.constant 0 : i32
    %c0_i32_0 = arith.constant 0 : i32
    %c0_i32_1 = arith.constant 0 : i32
    return %c0_i32, %arg0, %c0_i32_0 : i32, i32, i32
  }
  func.func @transform_2(%arg0: i32) -> (i32, i32) {
    %c0_i32 = arith.constant 0 : i32
    %c0_i32_0 = arith.constant 0 : i32
    return %arg0, %c0_i32 : i32, i32
  }
  func.func @transform_3(%arg0: i32) -> (i32, i32) {
    %c0_i32 = arith.constant 0 : i32
    %c0_i32_0 = arith.constant 0 : i32
    %c0_i32_1 = arith.constant 0 : i32
    return %c0_i32, %c0_i32_0 : i32, i32
  }
  func.func @transform_4(%arg0: i32) -> (i32, i32) {
    %c0_i32 = arith.constant 0 : i32
    %c0_i32_0 = arith.constant 0 : i32
    %c0_i32_1 = arith.constant 0 : i32
    return %c0_i32, %c0_i32_0 : i32, i32
  }
  func.func @transform_5(%arg0: i32) -> (i32, i32) {
    %c0_i32 = arith.constant 0 : i32
    %c0_i32_0 = arith.constant 0 : i32
    %c0_i32_1 = arith.constant 0 : i32
    return %c0_i32, %c0_i32_0 : i32, i32
  }
  func.func @transform_6(%arg0: i32) -> (i32, i32) {
    %c0_i32 = arith.constant 0 : i32
    %c0_i32_0 = arith.constant 0 : i32
    %c0_i32_1 = arith.constant 0 : i32
    return %c0_i32, %c0_i32_0 : i32, i32
  }
  func.func @transform_7(%arg0: i32) -> (i32, i32) {
    %c0_i32 = arith.constant 0 : i32
    %c0_i32_0 = arith.constant 0 : i32
    %c0_i32_1 = arith.constant 0 : i32
    return %c0_i32, %c0_i32_0 : i32, i32
  }
  func.func @transform_8(%arg0: i32) -> (i32, i32) {
    %c0_i32 = arith.constant 0 : i32
    %c0_i32_0 = arith.constant 0 : i32
    %c0_i32_1 = arith.constant 0 : i32
    return %c0_i32, %c0_i32_0 : i32, i32
  }
  func.func @transform_9(%arg0: i32) -> (i32, i32) {
    %c0_i32 = arith.constant 0 : i32
    %c0_i32_0 = arith.constant 0 : i32
    %c0_i32_1 = arith.constant 0 : i32
    return %c0_i32, %c0_i32_0 : i32, i32
  }
  func.func @transform_10(%arg0: i32) -> (i32, i32) {
    %c0_i32 = arith.constant 0 : i32
    %c0_i32_0 = arith.constant 0 : i32
    %c0_i32_1 = arith.constant 0 : i32
    return %c0_i32, %c0_i32_0 : i32, i32
  }
  func.func @transform_11(%arg0: i32) -> (i32, i32) {
    %c0_i32 = arith.constant 0 : i32
    %c0_i32_0 = arith.constant 0 : i32
    return %arg0, %c0_i32 : i32, i32
  }
}

</mosaic_0001>

<sc_bundles>
// kernel: kernel.11.cloned.1.call-start
scs
__scs_entry_jumppad:
0x0: {  	(pc) =	sbr.rel $0x88, $3  }
0x1: {  	(tag) =	ssettag $0x0;
	lr =	simm.s32 $0x1  }
0x2: {  	[smem:$0x3F89] =	sst lr;
	_ =	strace $0xD0000000  }
0x3: {  	_ = 	snop  }
0x4: {  	_ = 	snop  }
0x5: {  	_ = 	snop  }
0x6: {  	_ = 	snop  }
0x7: {  	_ = 	snop  }
__scs_overlays_trampoline_lowered:
0x8: {  	[smem:$0x3F98] =	sst s0  }
0x9: {  	[smem:$0x3F99] =	sst s1  }
0xa: {  	[smem:$0x3F9A] =	sst s2  }
0xb: {  	[smem:$0x3F9B] =	sst s3  }
0xc: {  	[smem:$0x3F9C] =	sst s4  }
0xd: {  	[smem:$0x3F9D] =	sst s5  }
0xe: {  	[smem:$0x3F9E] =	sst s6  }
0xf: {  	[smem:$0x3F9F] =	sst s7  }
0x10: {  	[smem:$0x3FA0] =	sst s8  }
0x11: {  	[smem:$0x3FA1] =	sst s9;
	s0 =	simm.s32 @!p0 $0x0  }
0x12: {  	s1 =	sld [smem:$0x3F87];
	s0 =	simm.s32 @p0 $0x1  }
0x13: {  	[smem:$0x3FA2] =	sst s0;
	s0 =	simm.s32 @!p1 $0x0  }
0x14: {  	s2 =	sld [smem:$0x3F86];
	s0 =	simm.s32 @p1 $0x1  }
0x15: {  	[smem:$0x3FA3] =	sst s0;
	s0 =	simm.s32 @!p2 $0x0  }
0x16: {  	s3 =	sld [smem:$0x3FDB];
	s0 =	simm.s32 @p2 $0x1  }
0x17: {  	s4 =	simm.s32 $0x1BF5;
	[smem:$0x3FA5] =	sst s0  }
0x18: {  	s0 =	sld [smem:$0x3F88];
	_ =	swait.ge [sflag:s4], $0x0  }
0x19: {  	s7 =	sld [smem:$0x3F89]  }
0x1a: {  	s8 =	sadd.s32 $0xFFFFE003, lr  }
0x1b: {  	s9 =	sadd.s32 $0xFFFFFEF7, lr;
	s5 =	simm.s32 $0xFFFFFFFF;
	p2 =	slt.u32 s8, $0xFFFFF086  }
0x1c: {  	p1 =	slt.u32 s9, $0xF7A;
	s5 =	simm.s32 @!p2 $0x0  }
0x1d: {  	s5 =	simm.s32 @p1 $0x1;
	p0 =	seq.s32 s7, s2  }
0x1e: {  	s7 =	smul.u32 @!p0 $0xF7A, s2;
	p2 =	seq.s32 @!p0 s5, $0x0  }
0x1f: {  	s9 =	smul.u32 $0xF7A, s1;
	s8 =	simm.s32 @!p0 $0x1BF5;
	p2 =	por !p2, p0  }
0x20: {  	[sflag:s8] =	ssyncset.s32 @!p0 $0xFFFFF086;
	s6 =	sadd.s32 @!p0 s3, s7;
	s7 =	simm.s32 @!p0 $0x108  }
0x21: {  	s3 =	sadd.s32 s3, s9;
	s6 =	sadd.s32 @!p0 $0x88, s6;
	s7 =	simm.s32 @p2 $0x1082  }
0x22: {  	[simem:s7], [sflag:s8] =	dma.local @!p0 [hbm:s6], $0xF7A  }
0x23: {  	s9 =	sor.u32 $0xD0000000, s2;
	s6 =	simm.s32 $0x108;
	_ =	swait.ge @!p0 [sflag:s8], $0x0  }
0x24: {  	s3 =	sadd.s32 $0x88, s3;
	s6 =	simm.s32 @!p1 $0x1082;
	[sflag:s4] =	ssyncset.s32 $0xFFFFF086  }
0x25: {  	[simem:s6], [sflag:s4] =	dma.local [hbm:s3], $0xF7A  }
0x26: {  	[smem:$0x3F89] =	sst s1;
	(tag) =	ssettag s2;
	_ =	strace s9  }
0x27: {  	s1 =	sld [smem:$0x3F99]  }
0x28: {  	s2 =	sld [smem:$0x3F9A]  }
0x29: {  	s4 =	sld [smem:$0x3F9C]  }
0x2a: {  	p0 =	seq.s32 s5, $0x0;
	s5 =	sld [smem:$0x3F9D]  }
0x2b: {  	s6 =	sld [smem:$0x3F9E]  }
0x2c: {  	s7 =	sld [smem:$0x3F9F]  }
0x2d: {  	s3 =	simm.s32 $0x108;
	s8 =	sld [smem:$0x3FA0]  }
0x2e: {  	s3 =	simm.s32 @!p0 $0x1082;
	s9 =	sld [smem:$0x3FA1]  }
0x2f: {  	lr =	sadd.s32 s0, s3;
	s0 =	sld [smem:$0x3F98]  }
0x30: {  	s3 =	sld [smem:$0x3F9B]  }
0x31: {  	[smem:$0x3FA4] =	sst s10  }
0x32: {  	s10 =	sld [smem:$0x3FA2];
	_ =	sdelay $0x3  }
0x33: {  	p0 =	seq.s32 s10, $0x1;
	s10 =	sld [smem:$0x3FA4];
	_ =	sdelay $0x3  }
0x34: {  	[smem:$0x3FA4] =	sst s10  }
0x35: {  	s10 =	sld [smem:$0x3FA3];
	_ =	sdelay $0x3  }
0x36: {  	p1 =	seq.s32 s10, $0x1;
	s10 =	sld [smem:$0x3FA4];
	_ =	sdelay $0x3  }
0x37: {  	[smem:$0x3FA4] =	sst s10  }
0x38: {  	s10 =	sld [smem:$0x3FA5]  }
0x39: {  	_ = 	snop;
	(pc) =	sbr.ind lr, $3  }
0x3a: {  	_ = 	snop  }
0x3b: {  	_ = 	snop  }
0x3c: {  	p2 =	seq.s32 s10, $0x1;
	s10 =	sld [smem:$0x3FA4]  }
0x3d: {  	_ =	shalt  }
0x3e: {  	_ =	shalt  }
0x3f: {  	_ =	shalt  }
0x40: {  	_ =	shalt  }
0x41: {  	_ =	shalt  }
0x42: {  	_ =	shalt  }
0x43: {  	_ =	shalt  }
0x44: {  	_ =	shalt  }
0x45: {  	_ =	shalt  }
0x46: {  	_ =	shalt  }
0x47: {  	_ =	shalt  }
0x48: {  	_ =	shalt  }
0x49: {  	_ =	shalt  }
0x4a: {  	_ =	shalt  }
0x4b: {  	_ =	shalt  }
0x4c: {  	_ =	shalt  }
0x4d: {  	_ =	shalt  }
0x4e: {  	_ =	shalt  }
0x4f: {  	_ =	shalt  }
0x50: {  	_ =	shalt  }
0x51: {  	_ =	shalt  }
0x52: {  	_ =	shalt  }
0x53: {  	_ =	shalt  }
0x54: {  	_ =	shalt  }
0x55: {  	_ =	shalt  }
0x56: {  	_ =	shalt  }
0x57: {  	_ =	shalt  }
0x58: {  	_ =	shalt  }
0x59: {  	_ =	shalt  }
0x5a: {  	_ =	shalt  }
0x5b: {  	_ =	shalt  }
0x5c: {  	_ =	shalt  }
0x5d: {  	_ =	shalt  }
0x5e: {  	_ =	shalt  }
0x5f: {  	_ =	shalt  }
0x60: {  	_ =	shalt  }
0x61: {  	_ =	shalt  }
0x62: {  	_ =	shalt  }
0x63: {  	_ =	shalt  }
0x64: {  	_ =	shalt  }
0x65: {  	_ =	shalt  }
0x66: {  	_ =	shalt  }
0x67: {  	_ =	shalt  }
0x68: {  	_ =	shalt  }
0x69: {  	_ =	shalt  }
0x6a: {  	_ =	shalt  }
0x6b: {  	_ =	shalt  }
0x6c: {  	_ =	shalt  }
0x6d: {  	_ =	shalt  }
0x6e: {  	_ =	shalt  }
0x6f: {  	_ =	shalt  }
0x70: {  	_ =	shalt  }
0x71: {  	_ =	shalt  }
0x72: {  	_ =	shalt  }
0x73: {  	_ =	shalt  }
0x74: {  	_ =	shalt  }
0x75: {  	_ =	shalt  }
0x76: {  	_ =	shalt  }
0x77: {  	_ =	shalt  }
0x78: {  	_ =	shalt  }
0x79: {  	_ =	shalt  }
0x7a: {  	_ =	shalt  }
0x7b: {  	_ =	shalt  }
0x7c: {  	_ =	shalt  }
0x7d: {  	_ =	shalt  }
0x7e: {  	_ =	shalt  }
0x7f: {  	_ =	shalt  }
0x80: {  	_ =	shalt  }
0x81: {  	_ =	shalt  }
0x82: {  	_ =	shalt  }
0x83: {  	_ =	shalt  }
0x84: {  	_ =	shalt  }
0x85: {  	_ =	shalt  }
0x86: {  	_ =	shalt  }
0x87: {  	_ =	shalt  }
.Lfunc_end0:
.L_simem_size_0:
called_computation.1_lowered:
.L_overlay_start_0:
0x88: {  	s2 =	sld [smem:$0x3FD9]  }
0x89: {  	s3 =	sld [smem:$0x3FFE];
	_ =	sdelay $0x1  }
0x8a: {  	s1 =	srdreg.scid  }
0x8b: {  	s0 =	sand.u32 $0x1, s1  }
0x8c: {  	s17 =	sshll.u32 s0, $0xA;
	s2 =	sadd.s32 s3, s2  }
0x8d: {  	s2 =	sadd.s32 s2, s17  }
0x8e: {  	[smem:$0x3FB0] =	sst s2  }
0x8f: {  	_ = 	snop  }
0x90: {  	s18 =	sld [smem:$0x3FD0];
	(tm) =	ssettm $0x1  }
0x91: {  	s19 =	sld [smem:$0x3FFB];
	_ =	sdelay $0x3  }
0x92: {  	_ =	strace s19  }
0x93: {  	s2 =	sld [smem:$0x3FFC];
	_ =	sdelay $0x3  }
0x94: {  	_ =	strace s2  }
0x95: {  	s2 =	sld [smem:$0x3FFD];
	_ =	sdelay $0x3  }
0x96: {  	_ =	strace s2  }
0x97: {  	_ =	strace $0x8FFFFFFF  }
0x98: {  	s20 =	sld [smem:$0x3FDB];
	_ =	sdelay $0x1  }
0x99: {  	s4 =	simm.s32 $_scs_section_size  }
0x9a: {  	s5 =	simm.s32 $_size__tile_overlayer_lowered;
	s6 =	simm.s32 $_tile_overlayer_lowered  }
0x9b: {  	s7 =	simm.s32 $0x1BFF;
	s21 =	sshll.u32 s6, $0x1;
	s4 =	sadd.s32 s4, s20  }
0x9c: {  	s22 =	simm.s32 $0x0;
	s5 =	sshll.u32 s5, $0x1;
	s6 =	sadd.s32 s21, s4  }
0x9d: {  	[timem:s22], [sflag:s7] =	dma.local [hbm:s6], s5  }
0x9e: {  	_ =	swait.ge [sflag:s7], s5  }
0x9f: {  	s5 =	ssub.s32 $0x0, s5;
	[sflag:s7] =	ssyncset.done $0x0  }
0xa0: {  	[sflag:s7] =	ssyncadd.s32 s5;
	_ =	sdelay $0x1  }
0xa1: {  	s23 =	simm.s32 $0x1B8B  }
0xa2: {  	_ =	swait.ge [sflag:s23], $0x1  }
0xa3: {  	[sflag:s23] =	ssyncset.done $0x0  }
0xa4: {  	[sflag:s23] =	ssyncadd.s32 $0xFFFFFFFF  }
0xa5: {  	s5 =	sld [smem:$0x0]  }
0xa6: {  	s6 =	sand.u32 $0xFFFFFFFE, s1  }
0xa7: {  	p0 =	sne.s32 s1, s6  }
0xa8: {  	s6 =	sshll.u32 @p0 s6, $0xE  }
0xa9: {  	s6 =	sadd.s32 @p0 $0x11B8D, s6;
	s7 =	sshll.u32 @p0 s5, $0x11  }
0xaa: {  	s6 =	sor.u32 @p0 s7, s6  }
0xab: {  	[sflag:s6] =	ssyncadd.remote.s32 @p0 $0x1;
	_ =	sdelay $0x1  }
0xac: {  	s6 =	simm.s32 @p0 $0x1B8D  }
0xad: {  	_ =	swait.eq @p0 [sflag:s6], $0x1  }
0xae: {  	[sflag:s6] =	ssyncadd.s32 @p0 $0xFFFFFFFF  }
0xaf: {  	s7 =	sshll.u32 @!p0 s1, $0xE  }
0xb0: {  	s7 =	sor.u32 @!p0 $0x4000, s7;
	s6 =	simm.s32 @!p0 $0x1B8D  }
0xb1: {  	s5 =	sshll.u32 @!p0 s5, $0x11;
	s7 =	sadd.s32 @!p0 $0x11B8D, s7;
	_ =	swait.eq @!p0 [sflag:s6], $0x1  }
0xb2: {  	s5 =	sor.u32 @!p0 s5, s7;
	[sflag:s6] =	ssyncadd.s32 @!p0 $0xFFFFFFFF  }
0xb3: {  	s25 =	simm.s32 $0x1B8E;
	s24 =	sld [smem:$0x3FFE];
	[sflag:s5] =	ssyncadd.remote.s32 @!p0 $0x1  }
0xb4: {  	s26 =	simm.s32 $execute0_lowered;
	[smem:$0x3FD2] =	sst s25  }
0xb5: {  	s6 =	sshll.u32 s26, $0x1;
	_ =	strace $0x8000004C;
	[dreg:$0x1] =	wrdreg $0xFFFFFFFF  }
0xb6: {  	s28 =	simm.s32 $_size_execute0_lowered;
	s4 =	sadd.s32 s4, s6;
	[dreg:$0x0] =	wrdreg $0x0  }
0xb7: {  	s6 =	sshll.u32 s28, $0x1;
	[dreg:$0x2] =	wrdreg s4  }
0xb8: {  	[dreg:$0x3] =	wrdreg s6  }
0xb9: {  	[dreg:$0x4] =	wrdreg $0xC0  }
0xba: {  	_ =	task [dreg:s22], $0x5FFFF  }
0xbb: {  	[dreg:$0x1] =	wrdreg $0xFFFFFFFF  }
0xbc: {  	[dreg:$0x0] =	wrdreg $0x60  }
0xbd: {  	[dreg:$0x2] =	wrdreg s24  }
0xbe: {  	[dreg:$0x3] =	wrdreg s18  }
0xbf: {  	[dreg:$0x4] =	wrdreg $0xA8000  }
0xc0: {  	[dreg:$0x5] =	wrdreg $0x9  }
0xc1: {  	_ =	task.clear_ibuf [dreg:s22], $0x6FFFF;
	_ =	strace $0x9000004C  }
0xc2: {  	s29 =	simm.s32 $0x9;
	_ =	strace $0x8000004E  }
0xc3: {  	_ =	swait.ge [sflag:s29], $0x1  }
0xc4: {  	[sflag:s29] =	ssyncadd.s32 $0xFFFFFFFF  }
0xc5: {  	_ =	strace $0x9000004E  }
0xc6: {  	_ =	sfence  }
0xc7: {  	s30 =	sld [smem:$0x0];
	_ =	sdelay $0x2  }
0xc8: {  	s31 =	sshll.u32 s1, $0xD;
	s1 =	sshrl.u32 s1, $0x2  }
0xc9: {  	s4 =	sand.u32 $0x4000, s31;
	s1 =	sadd.s32 s1, s30  }
0xca: {  	s0 =	sor.u32 s4, s0;
	s1 =	sshll.u32 s1, $0x11  }
0xcb: {  	s0 =	sor.u32 s1, s0  }
0xcc: {  	s0 =	sadd.s32 $0x8F2B, s0  }
0xcd: {  	[sflag:s0] =	ssyncadd.remote.s32 $0x1  }
0xce: {  	_ =	sfence.sel $0xFFFF  }
0xcf: {  	[dreg:$0x0] =	wrdreg $0xFFFFFFFF;
	(pc) =	sbr.abs _section_cstart, $3  }
0xd0: {  	[dreg:$0x1] =	wrdreg $0xFFFFFFFF  }
0xd1: {  	_ =	task.clear_ibuf [dreg:s22], $0x2FFFF;
	_ =	strace $0x9FFFFFFF  }
0xd2: {  	(tm) =	ssettm $0x7FFFFFFF  }
0xd3: {  	_ =	shalt  }
tec
execute0_lowered:
.L_overlay_start_1:
0x0: {  	(tag) =	ssettag $0x1  }
0x1: {  	s4 =	rddreg [dreg:$0x0]  }
0x2: {  	s6 =	rddreg [dreg:$0x1]  }
0x3: {  	s0 =	srdreg.scid;
	s1 =	stileid.u32  }
0x4: {  	s2 =	rddreg [dreg:$0x2];
	s8 =	smul.u32 $0x13C00, s1  }
0x5: {  	s3 =	simm.s32 $0x0;
	s15 =	simm.s32 $0x80;
	s28 =	smul.u32 $0x4F000, s1  }
0x6: {  	s16 =	simm.s32 $0x2;
	s17 =	simm.s32 $0x0;
	s13 =	smul.u32 $0x500, s1  }
0x7: {  	s5 =	sand.u32 $0x1, s0;
	s0 =	rddreg [dreg:$0x3];
	s14 =	smul.u32 $0x28000, s1  }
0x8: {  	[smem:$0x7FF] =	sst s3;
	s30 =	sshll.u32 s1, $0x6;
	s7 =	smul.u32 $0x280000, s5  }
0x9: {  	s9 =	smul.u32 $0x13C000, s5;
	_ =	strace $0x8000004D;
	s11 =	ssub.s32 $0x2, s5  }
0xa: {  	s5 =	smul.u32 $0x5000, s5;
	s26 =	sshrl.u32 s8, $0x3;
	s12 =	sshrl.u32 s11, $0x1  }
0xb: {  	s10 =	sadd.s32 s7, s4;
	s7 =	sadd.s32 s26, s4;
	s8 =	sadd.s32 s8, s9  }
0xc: {  	s9 =	sshrl.u32 s28, $0x2;
	s11 =	ssub.s32 s11, s12;
	s13 =	sadd.s32 s13, s5  }
0xd: {  	s5 =	sor.u32 $0x1C03, s30;
	s12 =	simm.s32 $0x2800;
	s8 =	sshrl.u32 s8, $0x3  }
0xe: {  	s29 =	sadd.s32 s9, s2;
	s6 =	sadd.s32 s6, s13;
	s31 =	sadd.s32 s14, s10  }
0xf: {  	s13 =	simm.s32 $0x6800;
	s14 =	simm.s32 $0x1;
	s8 =	sadd.s32 s8, s4  }
0x10: {  	s4 =	sadd.s32 $0x5600, s7;
	s9 =	sadd.s32 $0x1E40C00, s31;
	s10 =	sshrl.u32 s29, $0x3  }
0x11: {  	s7 =	sadd.s32 $0x7BE00, s8;
	s8 =	smax.u32 s11, $0x1;
	s11 =	simm.s32 $0x3  }
.LBB2_1:
0x12: {  	[spmem:s10], [sflag:s5] =	dma.local [hbm:s4], $0x2780  }
0x13: {  	_ =	swait.ge [sflag:s11], $0x2780  }
0x14: {  	[sflag:s11] =	ssyncset.done $0x0  }
0x15: {  	[sflag:s11] =	ssyncadd.s32 $0xFFFFD880  }
0x16: {  	[tilespmem:s3], [sflag:$0x3] =	stream.linear.gather [hbm4b:s6+s3], $0x2800, $0x38;
	[tilespmem:$0x1E400] =	vst v63  }
0x17: {  	_ =	swait.ge [sflag:s11], $0x2800  }
0x18: {  	[sflag:s11] =	ssyncset.done $0x0  }
0x19: {  	[sflag:s11] =	ssyncadd.s32 $0xFFFFD800  }
0x1a: {  	[bflag:$0x0] =	sbarrier.arrive $0xFFFF  }
0x1b: {  	[tilespmem:s12], [sflag:$0x1] =	stream.linear.gather [hbm4b:s9+s3], $0x4000, $0x38;
	[tilespmem:$0x1E400] =	vst v63  }
0x1c: {  	s18 =	sadd.s32 $0x800, s9  }
0x1d: {  	[tilespmem:s13], [sflag:$0x2] =	stream.linear.gather [hbm4b:s18+s3], $0x4000, $0x38;
	[tilespmem:$0x1E400] =	vst v63  }
0x1e: {  	_ =	swait.ge [sflag:s14], $0x4000  }
0x1f: {  	[sflag:s14] =	ssyncset.done $0x0  }
0x20: {  	s30 =	simm.s32 $0x0;
	[sflag:s14] =	ssyncadd.s32 $0xFFFFC000  }
0x21: {  	[spmem:s2] =	stream.indirect.scatter.add.f32 [tilespmem:s12], [sflag:$0x3], $0x80, s30, s15, $0xb8;
	[tilespmem:$0x1E400] =	vst v63  }
0x22: {  	_ =	swait.ge [sflag:s11], $0x4000  }
0x23: {  	[sflag:s11] =	ssyncset.done $0x0  }
0x24: {  	[sflag:s11] =	ssyncadd.s32 $0xFFFFC000  }
0x25: {  	_ =	swait.ge [sflag:s16], $0x4000  }
0x26: {  	[sflag:s16] =	ssyncset.done $0x0  }
0x27: {  	s31 =	simm.s32 $0x80;
	[sflag:s16] =	ssyncadd.s32 $0xFFFFC000  }
0x28: {  	[spmem:s2] =	stream.indirect.scatter.add.f32 [tilespmem:s13], [sflag:$0x3], $0x80, s31, s15, $0xb8;
	[tilespmem:$0x1E400] =	vst v63  }
0x29: {  	_ =	swait.ge [sflag:s11], $0x4000  }
0x2a: {  	s19 =	smov.u32 s9;
	s18 =	simm.s32 $0x400;
	[sflag:s11] =	ssyncset.done $0x0  }
.LBB2_2:
0x2b: {  	p0 =	sne.s32 s18, $0x9C00;
	[sflag:s11] =	ssyncadd.s32 $0xFFFFC000;
	s19 =	sadd.s32 $0x1000, s19  }
0x2c: {  	[tilespmem:s12], [sflag:$0x1] =	stream.linear.gather [hbm4b:s19+s3], $0x4000, $0x38;
	[tilespmem:$0x1E400] =	vst v63  }
0x2d: {  	s21 =	smov.u32 s18;
	s18 =	sadd.s32 $0x400, s18;
	s20 =	sadd.s32 $0x800, s19  }
0x2e: {  	[tilespmem:s13], [sflag:$0x2] =	stream.linear.gather [hbm4b:s20+s3], $0x4000, $0x38;
	[tilespmem:$0x1E400] =	vst v63  }
0x2f: {  	_ =	swait.ge [sflag:s14], $0x4000  }
0x30: {  	[sflag:s14] =	ssyncset.done $0x0  }
0x31: {  	s20 =	sshra.s32 s21, $0x2;
	[sflag:s14] =	ssyncadd.s32 $0xFFFFC000  }
0x32: {  	[spmem:s2] =	stream.indirect.scatter.add.f32 [tilespmem:s12], [sflag:$0x3], $0x80, s20, s15, $0xb8;
	[tilespmem:$0x1E400] =	vst v63  }
0x33: {  	_ =	swait.ge [sflag:s11], $0x4000  }
0x34: {  	[sflag:s11] =	ssyncset.done $0x0  }
0x35: {  	[sflag:s11] =	ssyncadd.s32 $0xFFFFC000  }
0x36: {  	_ =	swait.ge [sflag:s16], $0x4000  }
.Ltmp0:
0x37: {  	[sflag:s16] =	ssyncset.done $0x0;
	(pc) =	sbr.rel @p0 .LBB2_2-.Ltmp0, $4  }
0x38: {  	s20 =	sadd.s32 $0x80, s20;
	[sflag:s16] =	ssyncadd.s32 $0xFFFFC000  }
0x39: {  	[spmem:s2] =	stream.indirect.scatter.add.f32 [tilespmem:s13], [sflag:$0x3], $0x80, s20, s15, $0xb8;
	[tilespmem:$0x1E400] =	vst v63  }
0x3a: {  	_ =	swait.ge [sflag:s11], $0x4000  }
0x3b: {  	[sflag:s11] =	ssyncset.done $0x0  }
0x3c: {  	s17 =	sadd.s32 $0x1, s17  }
0x3d: {  	[sflag:s11] =	ssyncadd.s32 $0xFFFFC000;
	p0 =	sne.s32 s17, s8  }
.Ltmp1:
0x3e: {  	[bflag:$0x0] =	sbarrier.arrive $0xFFFF;
	(pc) =	sbr.rel @p0 .LBB2_1-.Ltmp1, $4  }
0x3f: {  	[hbm:s7], [sflag:s5] =	dma.local [spmem:s10], $0x2780  }
0x40: {  	_ =	swait.ge [sflag:s11], $0x2780  }
0x41: {  	[sflag:s11] =	ssyncset.done $0x0  }
0x42: {  	[sflag:s11] =	ssyncadd.s32 $0xFFFFD880  }
0x43: {  	_ =	sfence.sel $0x180000  }
0x44: {  	[bflag:$0x0] =	sbarrier.arrive $0xFFFF  }
0x45: {  	p0 =	sne.s32 s1, $0x0;
	_ =	strace $0x9000004D  }
0x46: {  	s0 =	sadd.s32 @!p0 $0x100000, s0;
	[bflag:$0x2] =	sbarrier.arrive $0xFFFF  }
0x47: {  	[sflag:s0] =	ssyncadd.tile.s32 @!p0 $0x1;
	_ =	shalt  }
.Lfunc_end2:
_tile_overlayer_lowered:
.L_overlay_start_2:
0x48: {  	(tag) =	ssettag $0x2  }
0x49: {  	s0 =	rddreg [dreg:$0x0];
	s2 =	stileid.u32  }
0x4a: {  	s1 =	rddreg [dreg:$0x1];
	p0 =	sne.s32 s2, $0x0  }
0x4b: {  	s3 =	rddreg [dreg:$0x2];
	[bflag:$0x3] =	sbarrier.arrive $0xFFFF;
	s2 =	simm.s32 @!p0 $0x1C03  }
0x4c: {  	[timem:s3], [sflag:s2] =	dma.local @!p0 [hbm:s0], s1  }
0x4d: {  	s0 =	simm.s32 @!p0 $0x3  }
0x4e: {  	_ =	swait.ge @!p0 [sflag:s0], s1  }
0x4f: {  	s1 =	ssub.s32 @!p0 $0x0, s1;
	[sflag:s0] =	ssyncset.done @!p0 $0x0  }
0x50: {  	[sflag:s0] =	ssyncadd.s32 @!p0 s1  }
0x51: {  	[bflag:$0x3] =	sbarrier.arrive $0xFFFF  }
0x52: {  	_ =	shalt  }

// kernel: kernel.14.cloned.1.call-start
scs
__scs_entry_jumppad:
0x0: {  	(pc) =	sbr.rel $0x88, $3  }
0x1: {  	(tag) =	ssettag $0x0;
	lr =	simm.s32 $0x1  }
0x2: {  	[smem:$0x3F89] =	sst lr;
	_ =	strace $0xD0000000  }
0x3: {  	_ = 	snop  }
0x4: {  	_ = 	snop  }
0x5: {  	_ = 	snop  }
0x6: {  	_ = 	snop  }
0x7: {  	_ = 	snop  }
__scs_overlays_trampoline_lowered:
0x8: {  	[smem:$0x3F98] =	sst s0  }
0x9: {  	[smem:$0x3F99] =	sst s1  }
0xa: {  	[smem:$0x3F9A] =	sst s2  }
0xb: {  	[smem:$0x3F9B] =	sst s3  }
0xc: {  	[smem:$0x3F9C] =	sst s4  }
0xd: {  	[smem:$0x3F9D] =	sst s5  }
0xe: {  	[smem:$0x3F9E] =	sst s6  }
0xf: {  	[smem:$0x3F9F] =	sst s7  }
0x10: {  	[smem:$0x3FA0] =	sst s8  }
0x11: {  	[smem:$0x3FA1] =	sst s9;
	s0 =	simm.s32 @!p0 $0x0  }
0x12: {  	s1 =	sld [smem:$0x3F87];
	s0 =	simm.s32 @p0 $0x1  }
0x13: {  	[smem:$0x3FA2] =	sst s0;
	s0 =	simm.s32 @!p1 $0x0  }
0x14: {  	s2 =	sld [smem:$0x3F86];
	s0 =	simm.s32 @p1 $0x1  }
0x15: {  	[smem:$0x3FA3] =	sst s0;
	s0 =	simm.s32 @!p2 $0x0  }
0x16: {  	s3 =	sld [smem:$0x3FDB];
	s0 =	simm.s32 @p2 $0x1  }
0x17: {  	s4 =	simm.s32 $0x1BF5;
	[smem:$0x3FA5] =	sst s0  }
0x18: {  	s0 =	sld [smem:$0x3F88];
	_ =	swait.ge [sflag:s4], $0x0  }
0x19: {  	s7 =	sld [smem:$0x3F89]  }
0x1a: {  	s8 =	sadd.s32 $0xFFFFE003, lr  }
0x1b: {  	s9 =	sadd.s32 $0xFFFFFEF7, lr;
	s5 =	simm.s32 $0xFFFFFFFF;
	p2 =	slt.u32 s8, $0xFFFFF086  }
0x1c: {  	p1 =	slt.u32 s9, $0xF7A;
	s5 =	simm.s32 @!p2 $0x0  }
0x1d: {  	s5 =	simm.s32 @p1 $0x1;
	p0 =	seq.s32 s7, s2  }
0x1e: {  	s7 =	smul.u32 @!p0 $0xF7A, s2;
	p2 =	seq.s32 @!p0 s5, $0x0  }
0x1f: {  	s9 =	smul.u32 $0xF7A, s1;
	s8 =	simm.s32 @!p0 $0x1BF5;
	p2 =	por !p2, p0  }
0x20: {  	[sflag:s8] =	ssyncset.s32 @!p0 $0xFFFFF086;
	s6 =	sadd.s32 @!p0 s3, s7;
	s7 =	simm.s32 @!p0 $0x108  }
0x21: {  	s3 =	sadd.s32 s3, s9;
	s6 =	sadd.s32 @!p0 $0x88, s6;
	s7 =	simm.s32 @p2 $0x1082  }
0x22: {  	[simem:s7], [sflag:s8] =	dma.local @!p0 [hbm:s6], $0xF7A  }
0x23: {  	s9 =	sor.u32 $0xD0000000, s2;
	s6 =	simm.s32 $0x108;
	_ =	swait.ge @!p0 [sflag:s8], $0x0  }
0x24: {  	s3 =	sadd.s32 $0x88, s3;
	s6 =	simm.s32 @!p1 $0x1082;
	[sflag:s4] =	ssyncset.s32 $0xFFFFF086  }
0x25: {  	[simem:s6], [sflag:s4] =	dma.local [hbm:s3], $0xF7A  }
0x26: {  	[smem:$0x3F89] =	sst s1;
	(tag) =	ssettag s2;
	_ =	strace s9  }
0x27: {  	s1 =	sld [smem:$0x3F99]  }
0x28: {  	s2 =	sld [smem:$0x3F9A]  }
0x29: {  	s4 =	sld [smem:$0x3F9C]  }
0x2a: {  	p0 =	seq.s32 s5, $0x0;
	s5 =	sld [smem:$0x3F9D]  }
0x2b: {  	s6 =	sld [smem:$0x3F9E]  }
0x2c: {  	s7 =	sld [smem:$0x3F9F]  }
0x2d: {  	s3 =	simm.s32 $0x108;
	s8 =	sld [smem:$0x3FA0]  }
0x2e: {  	s3 =	simm.s32 @!p0 $0x1082;
	s9 =	sld [smem:$0x3FA1]  }
0x2f: {  	lr =	sadd.s32 s0, s3;
	s0 =	sld [smem:$0x3F98]  }
0x30: {  	s3 =	sld [smem:$0x3F9B]  }
0x31: {  	[smem:$0x3FA4] =	sst s10  }
0x32: {  	s10 =	sld [smem:$0x3FA2];
	_ =	sdelay $0x3  }
0x33: {  	p0 =	seq.s32 s10, $0x1;
	s10 =	sld [smem:$0x3FA4];
	_ =	sdelay $0x3  }
0x34: {  	[smem:$0x3FA4] =	sst s10  }
0x35: {  	s10 =	sld [smem:$0x3FA3];
	_ =	sdelay $0x3  }
0x36: {  	p1 =	seq.s32 s10, $0x1;
	s10 =	sld [smem:$0x3FA4];
	_ =	sdelay $0x3  }
0x37: {  	[smem:$0x3FA4] =	sst s10  }
0x38: {  	s10 =	sld [smem:$0x3FA5]  }
0x39: {  	_ = 	snop;
	(pc) =	sbr.ind lr, $3  }
0x3a: {  	_ = 	snop  }
0x3b: {  	_ = 	snop  }
0x3c: {  	p2 =	seq.s32 s10, $0x1;
	s10 =	sld [smem:$0x3FA4]  }
0x3d: {  	_ =	shalt  }
0x3e: {  	_ =	shalt  }
0x3f: {  	_ =	shalt  }
0x40: {  	_ =	shalt  }
0x41: {  	_ =	shalt  }
0x42: {  	_ =	shalt  }
0x43: {  	_ =	shalt  }
0x44: {  	_ =	shalt  }
0x45: {  	_ =	shalt  }
0x46: {  	_ =	shalt  }
0x47: {  	_ =	shalt  }
0x48: {  	_ =	shalt  }
0x49: {  	_ =	shalt  }
0x4a: {  	_ =	shalt  }
0x4b: {  	_ =	shalt  }
0x4c: {  	_ =	shalt  }
0x4d: {  	_ =	shalt  }
0x4e: {  	_ =	shalt  }
0x4f: {  	_ =	shalt  }
0x50: {  	_ =	shalt  }
0x51: {  	_ =	shalt  }
0x52: {  	_ =	shalt  }
0x53: {  	_ =	shalt  }
0x54: {  	_ =	shalt  }
0x55: {  	_ =	shalt  }
0x56: {  	_ =	shalt  }
0x57: {  	_ =	shalt  }
0x58: {  	_ =	shalt  }
0x59: {  	_ =	shalt  }
0x5a: {  	_ =	shalt  }
0x5b: {  	_ =	shalt  }
0x5c: {  	_ =	shalt  }
0x5d: {  	_ =	shalt  }
0x5e: {  	_ =	shalt  }
0x5f: {  	_ =	shalt  }
0x60: {  	_ =	shalt  }
0x61: {  	_ =	shalt  }
0x62: {  	_ =	shalt  }
0x63: {  	_ =	shalt  }
0x64: {  	_ =	shalt  }
0x65: {  	_ =	shalt  }
0x66: {  	_ =	shalt  }
0x67: {  	_ =	shalt  }
0x68: {  	_ =	shalt  }
0x69: {  	_ =	shalt  }
0x6a: {  	_ =	shalt  }
0x6b: {  	_ =	shalt  }
0x6c: {  	_ =	shalt  }
0x6d: {  	_ =	shalt  }
0x6e: {  	_ =	shalt  }
0x6f: {  	_ =	shalt  }
0x70: {  	_ =	shalt  }
0x71: {  	_ =	shalt  }
0x72: {  	_ =	shalt  }
0x73: {  	_ =	shalt  }
0x74: {  	_ =	shalt  }
0x75: {  	_ =	shalt  }
0x76: {  	_ =	shalt  }
0x77: {  	_ =	shalt  }
0x78: {  	_ =	shalt  }
0x79: {  	_ =	shalt  }
0x7a: {  	_ =	shalt  }
0x7b: {  	_ =	shalt  }
0x7c: {  	_ =	shalt  }
0x7d: {  	_ =	shalt  }
0x7e: {  	_ =	shalt  }
0x7f: {  	_ =	shalt  }
0x80: {  	_ =	shalt  }
0x81: {  	_ =	shalt  }
0x82: {  	_ =	shalt  }
0x83: {  	_ =	shalt  }
0x84: {  	_ =	shalt  }
0x85: {  	_ =	shalt  }
0x86: {  	_ =	shalt  }
0x87: {  	_ =	shalt  }
.Lfunc_end0:
.L_simem_size_0:
called_computation.2_lowered:
.L_overlay_start_0:
0x88: {  	s2 =	sld [smem:$0x3FD9]  }
0x89: {  	s3 =	sld [smem:$0x3FFE];
	_ =	sdelay $0x1  }
0x8a: {  	s1 =	srdreg.scid  }
0x8b: {  	s0 =	sand.u32 $0x1, s1  }
0x8c: {  	s17 =	sshll.u32 s0, $0xA;
	s2 =	sadd.s32 s3, s2  }
0x8d: {  	s2 =	sadd.s32 s2, s17  }
0x8e: {  	[smem:$0x3FB0] =	sst s2  }
0x8f: {  	_ = 	snop  }
0x90: {  	s2 =	sld [smem:$0x3FD0];
	(tm) =	ssettm $0x1  }
0x91: {  	s18 =	sld [smem:$0x3FFB];
	_ =	sdelay $0x3  }
0x92: {  	_ =	strace s18  }
0x93: {  	s3 =	sld [smem:$0x3FFC];
	_ =	sdelay $0x3  }
0x94: {  	_ =	strace s3  }
0x95: {  	s3 =	sld [smem:$0x3FFD];
	_ =	sdelay $0x3  }
0x96: {  	_ =	strace s3  }
0x97: {  	_ =	strace $0x8FFFFFFF  }
0x98: {  	s19 =	sld [smem:$0x3FDB];
	_ =	sdelay $0x1  }
0x99: {  	s4 =	simm.s32 $_scs_section_size  }
0x9a: {  	s5 =	simm.s32 $_size__tile_overlayer_lowered;
	s6 =	simm.s32 $_tile_overlayer_lowered  }
0x9b: {  	s22 =	simm.s32 $0x1BFF;
	s21 =	sshll.u32 s6, $0x1;
	s3 =	sadd.s32 s4, s19  }
0x9c: {  	s7 =	simm.s32 $0x0;
	s20 =	sshll.u32 s5, $0x1;
	s5 =	sadd.s32 s21, s3  }
0x9d: {  	[timem:s7], [sflag:s22] =	dma.local [hbm:s5], s20  }
0x9e: {  	_ =	swait.ge [sflag:s22], s20  }
0x9f: {  	s4 =	ssub.s32 $0x0, s20;
	[sflag:s22] =	ssyncset.done $0x0  }
0xa0: {  	[sflag:s22] =	ssyncadd.s32 s4;
	_ =	sdelay $0x1  }
0xa1: {  	s23 =	simm.s32 $0x1B8B  }
0xa2: {  	_ =	swait.ge [sflag:s23], $0x1  }
0xa3: {  	[sflag:s23] =	ssyncset.done $0x0  }
0xa4: {  	s25 =	simm.s32 $0x1B8E;
	s24 =	sld [smem:$0x3FFE];
	[sflag:s23] =	ssyncadd.s32 $0xFFFFFFFF  }
0xa5: {  	s26 =	simm.s32 $execute0_lowered;
	[smem:$0x3FD2] =	sst s25  }
0xa6: {  	s5 =	sshll.u32 s26, $0x1;
	_ =	strace $0x80000049;
	[dreg:$0x1] =	wrdreg $0xFFFFFFFF  }
0xa7: {  	s28 =	simm.s32 $_size_execute0_lowered;
	s3 =	sadd.s32 s3, s5;
	[dreg:$0x0] =	wrdreg $0x0  }
0xa8: {  	s5 =	sshll.u32 s28, $0x1;
	[dreg:$0x2] =	wrdreg s3  }
0xa9: {  	[dreg:$0x3] =	wrdreg s5  }
0xaa: {  	[dreg:$0x4] =	wrdreg $0xC0  }
0xab: {  	_ =	task [dreg:s7], $0x5FFFF  }
0xac: {  	[dreg:$0x1] =	wrdreg $0xFFFFFFFF  }
0xad: {  	[dreg:$0x0] =	wrdreg $0x60  }
0xae: {  	[dreg:$0x2] =	wrdreg s24  }
0xaf: {  	[dreg:$0x3] =	wrdreg s2  }
0xb0: {  	[dreg:$0x4] =	wrdreg $0xA8000  }
0xb1: {  	[dreg:$0x5] =	wrdreg $0xA  }
0xb2: {  	_ =	task.clear_ibuf [dreg:s7], $0x6FFFF;
	_ =	strace $0x90000049  }
0xb3: {  	s29 =	simm.s32 $0xA;
	_ =	strace $0x8000004B  }
0xb4: {  	_ =	swait.ge [sflag:s29], $0x1  }
0xb5: {  	[sflag:s29] =	ssyncadd.s32 $0xFFFFFFFF  }
0xb6: {  	_ =	strace $0x9000004B  }
0xb7: {  	_ =	sfence  }
0xb8: {  	s30 =	sld [smem:$0x0];
	_ =	sdelay $0x2  }
0xb9: {  	s31 =	sshll.u32 s1, $0xD;
	s1 =	sshrl.u32 s1, $0x2  }
0xba: {  	s3 =	sand.u32 $0x4000, s31;
	s1 =	sadd.s32 s1, s30  }
0xbb: {  	s0 =	sor.u32 s3, s0;
	s1 =	sshll.u32 s1, $0x11  }
0xbc: {  	s0 =	sor.u32 s1, s0  }
0xbd: {  	s0 =	sadd.s32 $0x8F2B, s0  }
0xbe: {  	[sflag:s0] =	ssyncadd.remote.s32 $0x1  }
0xbf: {  	_ =	sfence.sel $0xFFFF  }
0xc0: {  	[dreg:$0x0] =	wrdreg $0xFFFFFFFF;
	(pc) =	sbr.abs _section_cstart, $3  }
0xc1: {  	[dreg:$0x1] =	wrdreg $0xFFFFFFFF  }
0xc2: {  	_ =	task.clear_ibuf [dreg:s7], $0x2FFFF;
	_ =	strace $0x9FFFFFFF  }
0xc3: {  	(tm) =	ssettm $0x7FFFFFFF  }
tec
execute0_lowered:
.L_overlay_start_1:
0x0: {  	(tag) =	ssettag $0x1  }
0x1: {  	s4 =	rddreg [dreg:$0x0]  }
0x2: {  	s6 =	rddreg [dreg:$0x1]  }
0x3: {  	s0 =	srdreg.scid;
	s1 =	stileid.u32  }
0x4: {  	s2 =	rddreg [dreg:$0x2];
	s8 =	smul.u32 $0x13C00, s1  }
0x5: {  	s3 =	simm.s32 $0x0;
	s15 =	simm.s32 $0x80;
	s28 =	smul.u32 $0x4F000, s1  }
0x6: {  	s16 =	simm.s32 $0x2;
	s17 =	simm.s32 $0x0;
	s13 =	smul.u32 $0x500, s1  }
0x7: {  	s5 =	sand.u32 $0x1, s0;
	s0 =	rddreg [dreg:$0x3];
	s14 =	smul.u32 $0x28000, s1  }
0x8: {  	[smem:$0x7FF] =	sst s3;
	s30 =	sshll.u32 s1, $0x6;
	s7 =	smul.u32 $0x280000, s5  }
0x9: {  	s9 =	smul.u32 $0x13C000, s5;
	_ =	strace $0x8000004A;
	s11 =	ssub.s32 $0x2, s5  }
0xa: {  	s5 =	smul.u32 $0x5000, s5;
	s26 =	sshrl.u32 s8, $0x3;
	s12 =	sshrl.u32 s11, $0x1  }
0xb: {  	s10 =	sadd.s32 s7, s4;
	s7 =	sadd.s32 s26, s4;
	s8 =	sadd.s32 s8, s9  }
0xc: {  	s9 =	sshrl.u32 s28, $0x2;
	s11 =	ssub.s32 s11, s12;
	s13 =	sadd.s32 s13, s5  }
0xd: {  	s5 =	sor.u32 $0x1C03, s30;
	s12 =	simm.s32 $0x2800;
	s8 =	sshrl.u32 s8, $0x3  }
0xe: {  	s29 =	sadd.s32 s9, s2;
	s6 =	sadd.s32 s6, s13;
	s31 =	sadd.s32 s14, s10  }
0xf: {  	s13 =	simm.s32 $0x6800;
	s14 =	simm.s32 $0x1;
	s8 =	sadd.s32 s8, s4  }
0x10: {  	s4 =	sadd.s32 $0x5600, s7;
	s9 =	sadd.s32 $0x1940C00, s31;
	s10 =	sshrl.u32 s29, $0x3  }
0x11: {  	s7 =	sadd.s32 $0x2CE00, s8;
	s8 =	smax.u32 s11, $0x1;
	s11 =	simm.s32 $0x3  }
.LBB2_1:
0x12: {  	[spmem:s10], [sflag:s5] =	dma.local [hbm:s4], $0x2780  }
0x13: {  	_ =	swait.ge [sflag:s11], $0x2780  }
0x14: {  	[sflag:s11] =	ssyncset.done $0x0  }
0x15: {  	[sflag:s11] =	ssyncadd.s32 $0xFFFFD880  }
0x16: {  	[tilespmem:s3], [sflag:$0x3] =	stream.linear.gather [hbm4b:s6+s3], $0x2800, $0x38;
	[tilespmem:$0x1E400] =	vst v63  }
0x17: {  	_ =	swait.ge [sflag:s11], $0x2800  }
0x18: {  	[sflag:s11] =	ssyncset.done $0x0  }
0x19: {  	[sflag:s11] =	ssyncadd.s32 $0xFFFFD800  }
0x1a: {  	[bflag:$0x0] =	sbarrier.arrive $0xFFFF  }
0x1b: {  	[tilespmem:s12], [sflag:$0x1] =	stream.linear.gather [hbm4b:s9+s3], $0x4000, $0x38;
	[tilespmem:$0x1E400] =	vst v63  }
0x1c: {  	s18 =	sadd.s32 $0x800, s9  }
0x1d: {  	[tilespmem:s13], [sflag:$0x2] =	stream.linear.gather [hbm4b:s18+s3], $0x4000, $0x38;
	[tilespmem:$0x1E400] =	vst v63  }
0x1e: {  	_ =	swait.ge [sflag:s14], $0x4000  }
0x1f: {  	[sflag:s14] =	ssyncset.done $0x0  }
0x20: {  	s30 =	simm.s32 $0x0;
	[sflag:s14] =	ssyncadd.s32 $0xFFFFC000  }
0x21: {  	[spmem:s2] =	stream.indirect.scatter.add.f32 [tilespmem:s12], [sflag:$0x3], $0x80, s30, s15, $0xb8;
	[tilespmem:$0x1E400] =	vst v63  }
0x22: {  	_ =	swait.ge [sflag:s11], $0x4000  }
0x23: {  	[sflag:s11] =	ssyncset.done $0x0  }
0x24: {  	[sflag:s11] =	ssyncadd.s32 $0xFFFFC000  }
0x25: {  	_ =	swait.ge [sflag:s16], $0x4000  }
0x26: {  	[sflag:s16] =	ssyncset.done $0x0  }
0x27: {  	s31 =	simm.s32 $0x80;
	[sflag:s16] =	ssyncadd.s32 $0xFFFFC000  }
0x28: {  	[spmem:s2] =	stream.indirect.scatter.add.f32 [tilespmem:s13], [sflag:$0x3], $0x80, s31, s15, $0xb8;
	[tilespmem:$0x1E400] =	vst v63  }
0x29: {  	_ =	swait.ge [sflag:s11], $0x4000  }
0x2a: {  	s19 =	smov.u32 s9;
	s18 =	simm.s32 $0x400;
	[sflag:s11] =	ssyncset.done $0x0  }
.LBB2_2:
0x2b: {  	p0 =	sne.s32 s18, $0x9C00;
	[sflag:s11] =	ssyncadd.s32 $0xFFFFC000;
	s19 =	sadd.s32 $0x1000, s19  }
0x2c: {  	[tilespmem:s12], [sflag:$0x1] =	stream.linear.gather [hbm4b:s19+s3], $0x4000, $0x38;
	[tilespmem:$0x1E400] =	vst v63  }
0x2d: {  	s21 =	smov.u32 s18;
	s18 =	sadd.s32 $0x400, s18;
	s20 =	sadd.s32 $0x800, s19  }
0x2e: {  	[tilespmem:s13], [sflag:$0x2] =	stream.linear.gather [hbm4b:s20+s3], $0x4000, $0x38;
	[tilespmem:$0x1E400] =	vst v63  }
0x2f: {  	_ =	swait.ge [sflag:s14], $0x4000  }
0x30: {  	[sflag:s14] =	ssyncset.done $0x0  }
0x31: {  	s20 =	sshra.s32 s21, $0x2;
	[sflag:s14] =	ssyncadd.s32 $0xFFFFC000  }
0x32: {  	[spmem:s2] =	stream.indirect.scatter.add.f32 [tilespmem:s12], [sflag:$0x3], $0x80, s20, s15, $0xb8;
	[tilespmem:$0x1E400] =	vst v63  }
0x33: {  	_ =	swait.ge [sflag:s11], $0x4000  }
0x34: {  	[sflag:s11] =	ssyncset.done $0x0  }
0x35: {  	[sflag:s11] =	ssyncadd.s32 $0xFFFFC000  }
0x36: {  	_ =	swait.ge [sflag:s16], $0x4000  }
.Ltmp0:
0x37: {  	[sflag:s16] =	ssyncset.done $0x0;
	(pc) =	sbr.rel @p0 .LBB2_2-.Ltmp0, $4  }
0x38: {  	s20 =	sadd.s32 $0x80, s20;
	[sflag:s16] =	ssyncadd.s32 $0xFFFFC000  }
0x39: {  	[spmem:s2] =	stream.indirect.scatter.add.f32 [tilespmem:s13], [sflag:$0x3], $0x80, s20, s15, $0xb8;
	[tilespmem:$0x1E400] =	vst v63  }
0x3a: {  	_ =	swait.ge [sflag:s11], $0x4000  }
0x3b: {  	[sflag:s11] =	ssyncset.done $0x0  }
0x3c: {  	s17 =	sadd.s32 $0x1, s17  }
0x3d: {  	[sflag:s11] =	ssyncadd.s32 $0xFFFFC000;
	p0 =	sne.s32 s17, s8  }
.Ltmp1:
0x3e: {  	[bflag:$0x0] =	sbarrier.arrive $0xFFFF;
	(pc) =	sbr.rel @p0 .LBB2_1-.Ltmp1, $4  }
0x3f: {  	[hbm:s7], [sflag:s5] =	dma.local [spmem:s10], $0x2780  }
0x40: {  	_ =	swait.ge [sflag:s11], $0x2780  }
0x41: {  	[sflag:s11] =	ssyncset.done $0x0  }
0x42: {  	[sflag:s11] =	ssyncadd.s32 $0xFFFFD880  }
0x43: {  	_ =	sfence.sel $0x180000  }
0x44: {  	[bflag:$0x0] =	sbarrier.arrive $0xFFFF  }
0x45: {  	p0 =	sne.s32 s1, $0x0;
	_ =	strace $0x9000004A  }
0x46: {  	s0 =	sadd.s32 @!p0 $0x100000, s0;
	[bflag:$0x2] =	sbarrier.arrive $0xFFFF  }
0x47: {  	[sflag:s0] =	ssyncadd.tile.s32 @!p0 $0x1;
	_ =	shalt  }
.Lfunc_end2:
_tile_overlayer_lowered:
.L_overlay_start_2:
0x48: {  	(tag) =	ssettag $0x2  }
0x49: {  	s0 =	rddreg [dreg:$0x0];
	s2 =	stileid.u32  }
0x4a: {  	s1 =	rddreg [dreg:$0x1];
	p0 =	sne.s32 s2, $0x0  }
0x4b: {  	s3 =	rddreg [dreg:$0x2];
	[bflag:$0x3] =	sbarrier.arrive $0xFFFF;
	s2 =	simm.s32 @!p0 $0x1C03  }
0x4c: {  	[timem:s3], [sflag:s2] =	dma.local @!p0 [hbm:s0], s1  }
0x4d: {  	s0 =	simm.s32 @!p0 $0x3  }
0x4e: {  	_ =	swait.ge @!p0 [sflag:s0], s1  }
0x4f: {  	s1 =	ssub.s32 @!p0 $0x0, s1;
	[sflag:s0] =	ssyncset.done @!p0 $0x0  }
0x50: {  	[sflag:s0] =	ssyncadd.s32 @!p0 s1  }
0x51: {  	[bflag:$0x3] =	sbarrier.arrive $0xFFFF  }
0x52: {  	_ =	shalt  }

// kernel: kernel.8.cloned.1.call-start
scs
__scs_entry_jumppad:
0x0: {  	(pc) =	sbr.rel $0x88, $3  }
0x1: {  	(tag) =	ssettag $0x0;
	lr =	simm.s32 $0x1  }
0x2: {  	[smem:$0x3F89] =	sst lr;
	_ =	strace $0xD0000000  }
0x3: {  	_ = 	snop  }
0x4: {  	_ = 	snop  }
0x5: {  	_ = 	snop  }
0x6: {  	_ = 	snop  }
0x7: {  	_ = 	snop  }
__scs_overlays_trampoline_lowered:
0x8: {  	[smem:$0x3F98] =	sst s0  }
0x9: {  	[smem:$0x3F99] =	sst s1  }
0xa: {  	[smem:$0x3F9A] =	sst s2  }
0xb: {  	[smem:$0x3F9B] =	sst s3  }
0xc: {  	[smem:$0x3F9C] =	sst s4  }
0xd: {  	[smem:$0x3F9D] =	sst s5  }
0xe: {  	[smem:$0x3F9E] =	sst s6  }
0xf: {  	[smem:$0x3F9F] =	sst s7  }
0x10: {  	[smem:$0x3FA0] =	sst s8  }
0x11: {  	[smem:$0x3FA1] =	sst s9;
	s0 =	simm.s32 @!p0 $0x0  }
0x12: {  	s1 =	sld [smem:$0x3F87];
	s0 =	simm.s32 @p0 $0x1  }
0x13: {  	[smem:$0x3FA2] =	sst s0;
	s0 =	simm.s32 @!p1 $0x0  }
0x14: {  	s2 =	sld [smem:$0x3F86];
	s0 =	simm.s32 @p1 $0x1  }
0x15: {  	[smem:$0x3FA3] =	sst s0;
	s0 =	simm.s32 @!p2 $0x0  }
0x16: {  	s3 =	sld [smem:$0x3FDB];
	s0 =	simm.s32 @p2 $0x1  }
0x17: {  	s4 =	simm.s32 $0x1BF5;
	[smem:$0x3FA5] =	sst s0  }
0x18: {  	s0 =	sld [smem:$0x3F88];
	_ =	swait.ge [sflag:s4], $0x0  }
0x19: {  	s7 =	sld [smem:$0x3F89]  }
0x1a: {  	s8 =	sadd.s32 $0xFFFFE003, lr  }
0x1b: {  	s9 =	sadd.s32 $0xFFFFFEF7, lr;
	s5 =	simm.s32 $0xFFFFFFFF;
	p2 =	slt.u32 s8, $0xFFFFF086  }
0x1c: {  	p1 =	slt.u32 s9, $0xF7A;
	s5 =	simm.s32 @!p2 $0x0  }
0x1d: {  	s5 =	simm.s32 @p1 $0x1;
	p0 =	seq.s32 s7, s2  }
0x1e: {  	s7 =	smul.u32 @!p0 $0xF7A, s2;
	p2 =	seq.s32 @!p0 s5, $0x0  }
0x1f: {  	s9 =	smul.u32 $0xF7A, s1;
	s8 =	simm.s32 @!p0 $0x1BF5;
	p2 =	por !p2, p0  }
0x20: {  	[sflag:s8] =	ssyncset.s32 @!p0 $0xFFFFF086;
	s6 =	sadd.s32 @!p0 s3, s7;
	s7 =	simm.s32 @!p0 $0x108  }
0x21: {  	s3 =	sadd.s32 s3, s9;
	s6 =	sadd.s32 @!p0 $0x88, s6;
	s7 =	simm.s32 @p2 $0x1082  }
0x22: {  	[simem:s7], [sflag:s8] =	dma.local @!p0 [hbm:s6], $0xF7A  }
0x23: {  	s9 =	sor.u32 $0xD0000000, s2;
	s6 =	simm.s32 $0x108;
	_ =	swait.ge @!p0 [sflag:s8], $0x0  }
0x24: {  	s3 =	sadd.s32 $0x88, s3;
	s6 =	simm.s32 @!p1 $0x1082;
	[sflag:s4] =	ssyncset.s32 $0xFFFFF086  }
0x25: {  	[simem:s6], [sflag:s4] =	dma.local [hbm:s3], $0xF7A  }
0x26: {  	[smem:$0x3F89] =	sst s1;
	(tag) =	ssettag s2;
	_ =	strace s9  }
0x27: {  	s1 =	sld [smem:$0x3F99]  }
0x28: {  	s2 =	sld [smem:$0x3F9A]  }
0x29: {  	s4 =	sld [smem:$0x3F9C]  }
0x2a: {  	p0 =	seq.s32 s5, $0x0;
	s5 =	sld [smem:$0x3F9D]  }
0x2b: {  	s6 =	sld [smem:$0x3F9E]  }
0x2c: {  	s7 =	sld [smem:$0x3F9F]  }
0x2d: {  	s3 =	simm.s32 $0x108;
	s8 =	sld [smem:$0x3FA0]  }
0x2e: {  	s3 =	simm.s32 @!p0 $0x1082;
	s9 =	sld [smem:$0x3FA1]  }
0x2f: {  	lr =	sadd.s32 s0, s3;
	s0 =	sld [smem:$0x3F98]  }
0x30: {  	s3 =	sld [smem:$0x3F9B]  }
0x31: {  	[smem:$0x3FA4] =	sst s10  }
0x32: {  	s10 =	sld [smem:$0x3FA2];
	_ =	sdelay $0x3  }
0x33: {  	p0 =	seq.s32 s10, $0x1;
	s10 =	sld [smem:$0x3FA4];
	_ =	sdelay $0x3  }
0x34: {  	[smem:$0x3FA4] =	sst s10  }
0x35: {  	s10 =	sld [smem:$0x3FA3];
	_ =	sdelay $0x3  }
0x36: {  	p1 =	seq.s32 s10, $0x1;
	s10 =	sld [smem:$0x3FA4];
	_ =	sdelay $0x3  }
0x37: {  	[smem:$0x3FA4] =	sst s10  }
0x38: {  	s10 =	sld [smem:$0x3FA5]  }
0x39: {  	_ = 	snop;
	(pc) =	sbr.ind lr, $3  }
0x3a: {  	_ = 	snop  }
0x3b: {  	_ = 	snop  }
0x3c: {  	p2 =	seq.s32 s10, $0x1;
	s10 =	sld [smem:$0x3FA4]  }
0x3d: {  	_ =	shalt  }
0x3e: {  	_ =	shalt  }
0x3f: {  	_ =	shalt  }
0x40: {  	_ =	shalt  }
0x41: {  	_ =	shalt  }
0x42: {  	_ =	shalt  }
0x43: {  	_ =	shalt  }
0x44: {  	_ =	shalt  }
0x45: {  	_ =	shalt  }
0x46: {  	_ =	shalt  }
0x47: {  	_ =	shalt  }
0x48: {  	_ =	shalt  }
0x49: {  	_ =	shalt  }
0x4a: {  	_ =	shalt  }
0x4b: {  	_ =	shalt  }
0x4c: {  	_ =	shalt  }
0x4d: {  	_ =	shalt  }
0x4e: {  	_ =	shalt  }
0x4f: {  	_ =	shalt  }
0x50: {  	_ =	shalt  }
0x51: {  	_ =	shalt  }
0x52: {  	_ =	shalt  }
0x53: {  	_ =	shalt  }
0x54: {  	_ =	shalt  }
0x55: {  	_ =	shalt  }
0x56: {  	_ =	shalt  }
0x57: {  	_ =	shalt  }
0x58: {  	_ =	shalt  }
0x59: {  	_ =	shalt  }
0x5a: {  	_ =	shalt  }
0x5b: {  	_ =	shalt  }
0x5c: {  	_ =	shalt  }
0x5d: {  	_ =	shalt  }
0x5e: {  	_ =	shalt  }
0x5f: {  	_ =	shalt  }
0x60: {  	_ =	shalt  }
0x61: {  	_ =	shalt  }
0x62: {  	_ =	shalt  }
0x63: {  	_ =	shalt  }
0x64: {  	_ =	shalt  }
0x65: {  	_ =	shalt  }
0x66: {  	_ =	shalt  }
0x67: {  	_ =	shalt  }
0x68: {  	_ =	shalt  }
0x69: {  	_ =	shalt  }
0x6a: {  	_ =	shalt  }
0x6b: {  	_ =	shalt  }
0x6c: {  	_ =	shalt  }
0x6d: {  	_ =	shalt  }
0x6e: {  	_ =	shalt  }
0x6f: {  	_ =	shalt  }
0x70: {  	_ =	shalt  }
0x71: {  	_ =	shalt  }
0x72: {  	_ =	shalt  }
0x73: {  	_ =	shalt  }
0x74: {  	_ =	shalt  }
0x75: {  	_ =	shalt  }
0x76: {  	_ =	shalt  }
0x77: {  	_ =	shalt  }
0x78: {  	_ =	shalt  }
0x79: {  	_ =	shalt  }
0x7a: {  	_ =	shalt  }
0x7b: {  	_ =	shalt  }
0x7c: {  	_ =	shalt  }
0x7d: {  	_ =	shalt  }
0x7e: {  	_ =	shalt  }
0x7f: {  	_ =	shalt  }
0x80: {  	_ =	shalt  }
0x81: {  	_ =	shalt  }
0x82: {  	_ =	shalt  }
0x83: {  	_ =	shalt  }
0x84: {  	_ =	shalt  }
0x85: {  	_ =	shalt  }
0x86: {  	_ =	shalt  }
0x87: {  	_ =	shalt  }
.Lfunc_end0:
.L_simem_size_0:
called_computation_lowered:
.L_overlay_start_0:
0x88: {  	s2 =	sld [smem:$0x3FD9]  }
0x89: {  	s3 =	sld [smem:$0x3FFE];
	_ =	sdelay $0x1  }
0x8a: {  	s1 =	srdreg.scid  }
0x8b: {  	s0 =	sand.u32 $0x1, s1  }
0x8c: {  	s17 =	sshll.u32 s0, $0xA;
	s2 =	sadd.s32 s3, s2  }
0x8d: {  	s2 =	sadd.s32 s2, s17  }
0x8e: {  	[smem:$0x3FB0] =	sst s2  }
0x8f: {  	_ = 	snop  }
0x90: {  	s2 =	sld [smem:$0x3FD0];
	(tm) =	ssettm $0x1  }
0x91: {  	s18 =	sld [smem:$0x3FFB];
	_ =	sdelay $0x3  }
0x92: {  	_ =	strace s18  }
0x93: {  	s3 =	sld [smem:$0x3FFC];
	_ =	sdelay $0x3  }
0x94: {  	_ =	strace s3  }
0x95: {  	s3 =	sld [smem:$0x3FFD];
	_ =	sdelay $0x3  }
0x96: {  	_ =	strace s3  }
0x97: {  	_ =	strace $0x8FFFFFFF  }
0x98: {  	s19 =	sld [smem:$0x3FDB];
	_ =	sdelay $0x1  }
0x99: {  	s4 =	simm.s32 $_scs_section_size  }
0x9a: {  	s5 =	simm.s32 $_size__tile_overlayer_lowered;
	s6 =	simm.s32 $_tile_overlayer_lowered  }
0x9b: {  	s22 =	simm.s32 $0x1BFF;
	s21 =	sshll.u32 s6, $0x1;
	s3 =	sadd.s32 s4, s19  }
0x9c: {  	s7 =	simm.s32 $0x0;
	s20 =	sshll.u32 s5, $0x1;
	s5 =	sadd.s32 s21, s3  }
0x9d: {  	[timem:s7], [sflag:s22] =	dma.local [hbm:s5], s20  }
0x9e: {  	_ =	swait.ge [sflag:s22], s20  }
0x9f: {  	s4 =	ssub.s32 $0x0, s20;
	[sflag:s22] =	ssyncset.done $0x0  }
0xa0: {  	[sflag:s22] =	ssyncadd.s32 s4;
	_ =	sdelay $0x1  }
0xa1: {  	s23 =	simm.s32 $0x1B8B  }
0xa2: {  	_ =	swait.ge [sflag:s23], $0x1  }
0xa3: {  	[sflag:s23] =	ssyncset.done $0x0  }
0xa4: {  	s25 =	simm.s32 $0x1B8E;
	s24 =	sld [smem:$0x3FFE];
	[sflag:s23] =	ssyncadd.s32 $0xFFFFFFFF  }
0xa5: {  	s26 =	simm.s32 $execute0_lowered;
	[smem:$0x3FD2] =	sst s25  }
0xa6: {  	s5 =	sshll.u32 s26, $0x1;
	_ =	strace $0x80000046;
	[dreg:$0x1] =	wrdreg $0xFFFFFFFF  }
0xa7: {  	s28 =	simm.s32 $_size_execute0_lowered;
	s3 =	sadd.s32 s3, s5;
	[dreg:$0x0] =	wrdreg $0x0  }
0xa8: {  	s5 =	sshll.u32 s28, $0x1;
	[dreg:$0x2] =	wrdreg s3  }
0xa9: {  	[dreg:$0x3] =	wrdreg s5  }
0xaa: {  	[dreg:$0x4] =	wrdreg $0xC0  }
0xab: {  	_ =	task [dreg:s7], $0x5FFFF  }
0xac: {  	[dreg:$0x1] =	wrdreg $0xFFFFFFFF  }
0xad: {  	[dreg:$0x0] =	wrdreg $0x60  }
0xae: {  	[dreg:$0x2] =	wrdreg s24  }
0xaf: {  	[dreg:$0x3] =	wrdreg s2  }
0xb0: {  	[dreg:$0x4] =	wrdreg $0x9  }
0xb1: {  	_ =	task.clear_ibuf [dreg:s7], $0x5FFFF;
	_ =	strace $0x90000046  }
0xb2: {  	s29 =	simm.s32 $0x9;
	_ =	strace $0x80000048  }
0xb3: {  	_ =	swait.ge [sflag:s29], $0x1  }
0xb4: {  	[sflag:s29] =	ssyncadd.s32 $0xFFFFFFFF  }
0xb5: {  	_ =	strace $0x90000048  }
0xb6: {  	_ =	sfence  }
0xb7: {  	s30 =	sld [smem:$0x0];
	_ =	sdelay $0x2  }
0xb8: {  	s31 =	sshll.u32 s1, $0xD;
	s1 =	sshrl.u32 s1, $0x2  }
0xb9: {  	s3 =	sand.u32 $0x4000, s31;
	s1 =	sadd.s32 s1, s30  }
0xba: {  	s0 =	sor.u32 s3, s0;
	s1 =	sshll.u32 s1, $0x11  }
0xbb: {  	s0 =	sor.u32 s1, s0  }
0xbc: {  	s0 =	sadd.s32 $0x8F2B, s0  }
0xbd: {  	[sflag:s0] =	ssyncadd.remote.s32 $0x1  }
0xbe: {  	_ =	sfence.sel $0xFFFF  }
0xbf: {  	[dreg:$0x0] =	wrdreg $0xFFFFFFFF;
	(pc) =	sbr.abs _section_cstart, $3  }
0xc0: {  	[dreg:$0x1] =	wrdreg $0xFFFFFFFF  }
0xc1: {  	_ =	task.clear_ibuf [dreg:s7], $0x2FFFF;
	_ =	strace $0x9FFFFFFF  }
0xc2: {  	(tm) =	ssettm $0x7FFFFFFF  }
0xc3: {  	_ =	shalt  }
tec
execute0_lowered:
.L_overlay_start_1:
0x0: {  	(tag) =	ssettag $0x1  }
0x1: {  	s0 =	rddreg [dreg:$0x0];
	s1 =	srdreg.scid  }
0x2: {  	s2 =	stileid.u32;
	s8 =	rddreg [dreg:$0x1];
	s15 =	simm.s32 $0x7  }
0x3: {  	s17 =	simm.s32 $0x80;
	s26 =	simm.s32 $0xD000;
	s28 =	simm.s32 $0x5  }
0x4: {  	s29 =	simm.s32 $0x3;
	s30 =	simm.s32 $0x6;
	s31 =	simm.s32 $0x0  }
0x5: {  	s1 =	sand.u32 $0x1, s1;
	s3 =	sshll.u32 s2, $0x1;
	s2 =	simm.s32 $0x0  }
0x6: {  	s4 =	sadd.s32 $0x36E00, s0;
	s5 =	sadd.s32 $0x5E600, s0;
	s9 =	sor.u32 s1, s3  }
0x7: {  	s7 =	sadd.s32 $0x55E600, s0;
	[smem:$0x7FF] =	sst s2;
	s10 =	smul.u32 $0x500, s9  }
0x8: {  	s3 =	sadd.s32 $0xF600, s0;
	s1 =	ssub.s32 $0x2, s1;
	s6 =	smul.u32 $0x2800, s9  }
0x9: {  	_ =	strace $0x80000047;
	s18 =	sshrl.u32 s1, $0x1;
	s9 =	smul.u32 $0x140000, s9  }
0xa: {  	[dreg:$0x5] =	wrdreg s26;
	s26 =	simm.s32 $0x2;
	s11 =	sadd.s32 s10, s0  }
0xb: {  	s0 =	ssub.s32 s1, s18;
	s20 =	sor.u32 $0x80, s6;
	s21 =	sor.u32 $0x100, s6  }
0xc: {  	s9 =	sshrl.u32 s9, $0x3;
	s8 =	sadd.s32 s8, s10;
	[dreg:$0x3] =	wrdreg s20  }
0xd: {  	s18 =	simm.s32 $0x5000;
	s19 =	sadd.s32 $0x5600, s11;
	[dreg:$0x7] =	wrdreg s8  }
0xe: {  	[dreg:$0x4] =	wrdreg s21;
	s22 =	sadd.s32 $0x27000, s9;
	s24 =	sadd.s32 $0x27800, s9  }
0xf: {  	s14 =	smax.u32 s0, $0x1;
	s20 =	simm.s32 $0x9000;
	[dreg:$0x6] =	wrdreg s19  }
0x10: {  	s23 =	sadd.s32 s5, s22;
	s1 =	sadd.s32 s7, s22;
	s25 =	sadd.s32 s5, s24  }
0x11: {  	s13 =	sadd.s32 s7, s24;
	s19 =	simm.s32 $0x11000;
	[dreg:$0x8] =	wrdreg s23  }
0x12: {  	s22 =	simm.s32 $0x15000;
	s24 =	simm.s32 $0x1;
	[dreg:$0x9] =	wrdreg s1  }
0x13: {  	[dreg:$0xa] =	wrdreg s25;
	s23 =	simm.s32 $0x19000;
	s25 =	simm.s32 $0x4  }
.LBB2_1:
0x14: {  	s0 =	rddreg [dreg:$0x6]  }
0x15: {  	[tilespmem:s2], [sflag:$0x7] =	stream.linear.gather [hbm4b:s0+s2], $0x2800, $0x38;
	[tilespmem:$0x1D000] =	vst v63  }
0x16: {  	_ =	swait.ge [sflag:s15], $0x2800  }
0x17: {  	[sflag:s15] =	ssyncset.done $0x0  }
0x18: {  	s1 =	simm.s32 $0x2800;
	s10 =	rddreg [dreg:$0x7];
	[sflag:s15] =	ssyncadd.s32 $0xFFFFD800  }
0x19: {  	[tilespmem:s1], [sflag:$0x7] =	stream.linear.gather [hbm4b:s10+s2], $0x2800, $0x38;
	[tilespmem:$0x1D000] =	vst v63  }
0x1a: {  	_ =	swait.ge [sflag:s15], $0x2800  }
0x1b: {  	[sflag:s15] =	ssyncset.done $0x0  }
0x1c: {  	[sflag:s15] =	ssyncadd.s32 $0xFFFFD800  }
0x1d: {  	[tilespmem:s18], [sflag:$0x1] =	stream.indirect.gather [hbm4b:s3+s17], $0x80, s2, s17, $0xb8;
	[tilespmem:$0x1D000] =	vst v63  }
0x1e: {  	p0 =	por $0x1, $0x1  }
0x1f: {  	[tilespmem:s19], [sflag:$0x1] =	stream.indirect.gather [hbm4b:s4+s17], $0x80, s1, s17, $0xb8;
	[tilespmem:$0x1D000] =	vst v63  }
0x20: {  	p0 =	por p0, p0  }
0x21: {  	[tilespmem:s20], [sflag:$0x2] =	stream.indirect.gather [hbm4b:s3+s17], $0x80, s17, s17, $0xb8;
	[tilespmem:$0x1D000] =	vst v63  }
0x22: {  	s11 =	simm.s32 $0x2880;
	s0 =	simm.s32 @!p0 $0x6  }
0x23: {  	[tilespmem:s22], [sflag:$0x2] =	stream.indirect.gather [hbm4b:s4+s17], $0x80, s11, s17, $0xb8;
	[tilespmem:$0x1D000] =	vst v63  }
0x24: {  	s8 =	simm.s32 @p0 $0x100;
	s9 =	simm.s32 @p0 $0xD000;
	s1 =	simm.s32 @p0 $0x80  }
0x25: {  	[tilespmem:s9], [sflag:$0x3] =	stream.indirect.gather @p0 [hbm4b:s3+s1], $0x80, s8, s1, $0xb8;
	[tilespmem:$0x1D000] =	vst v63  }
0x26: {  	_ =	swait.ge @!p0 [sflag:s0], $0x4000  }
0x27: {  	[sflag:s0] =	ssyncset.done @!p0 $0x0  }
0x28: {  	[sflag:s0] =	ssyncadd.s32 @!p0 $0xFFFFC000  }
0x29: {  	_ =	swait.ge @!p0 [sflag:s0], $0x4000  }
0x2a: {  	s1 =	simm.s32 $0x2900;
	s8 =	simm.s32 $0x100;
	[sflag:s0] =	ssyncset.done @!p0 $0x0  }
0x2b: {  	s9 =	simm.s32 @!p0 $0xD000;
	[sflag:s0] =	ssyncadd.s32 @!p0 $0xFFFFC000;
	s0 =	simm.s32 @!p0 $0x80  }
0x2c: {  	[tilespmem:s9], [sflag:$0x3] =	stream.indirect.gather @!p0 [hbm4b:s3+s0], $0x80, s8, s0, $0xb8;
	[tilespmem:$0x1D000] =	vst v63  }
0x2d: {  	s1 =	simm.s32 @p0 $0x2900  }
0x2e: {  	[tilespmem:s23], [sflag:$0x3] =	stream.indirect.gather [hbm4b:s4+s17], $0x80, s1, s17, $0xb8;
	[tilespmem:$0x1D000] =	vst v63  }
0x2f: {  	_ =	swait.ge [sflag:s24], $0x4000  }
0x30: {  	s0 =	simm.s32 $0x0;
	[sflag:s24] =	ssyncset.done $0x0  }
0x31: {  	s0 =	simm.s32 @p0 $0x0;
	[sflag:s24] =	ssyncadd.s32 $0xFFFFC000  }
0x32: {  	s12 =	sadd.s32 s6, s0;
	_ =	swait.ge [sflag:s24], $0x4000  }
0x33: {  	s1 =	sshll.u32 s12, $0x4;
	[sflag:s24] =	ssyncset.done $0x0  }
0x34: {  	s16 =	sadd.s32 s5, s1;
	[sflag:s24] =	ssyncadd.s32 $0xFFFFC000  }
0x35: {  	[hbm4b:s16+s2] =	stream.linear.scatter [tilespmem:s18], [sflag:$0x4], $0x4000, $0x38;
	[tilespmem:$0x1D000] =	vst v63  }
0x36: {  	s1 =	sadd.s32 s7, s1  }
0x37: {  	[hbm4b:s1+s2] =	stream.linear.scatter [tilespmem:s19], [sflag:$0x4], $0x4000, $0x38;
	[tilespmem:$0x1D000] =	vst v63  }
0x38: {  	_ =	swait.ge [sflag:s25], $0x4000  }
0x39: {  	[sflag:s25] =	ssyncset.done $0x0  }
0x3a: {  	[sflag:s25] =	ssyncadd.s32 $0xFFFFC000  }
0x3b: {  	_ =	swait.ge [sflag:s25], $0x4000  }
0x3c: {  	[sflag:s25] =	ssyncset.done $0x0  }
0x3d: {  	s21 =	sadd.s32 $0x180, s0;
	[sflag:s25] =	ssyncadd.s32 $0xFFFFC000  }
0x3e: {  	[tilespmem:s18], [sflag:$0x1] =	stream.indirect.gather [hbm4b:s3+s17], $0x80, s21, s17, $0xb8;
	[tilespmem:$0x1D000] =	vst v63  }
0x3f: {  	s8 =	sadd.s32 $0x2980, s0  }
0x40: {  	[tilespmem:s19], [sflag:$0x1] =	stream.indirect.gather [hbm4b:s4+s17], $0x80, s8, s17, $0xb8;
	[tilespmem:$0x1D000] =	vst v63  }
0x41: {  	_ =	swait.ge [sflag:s26], $0x4000  }
0x42: {  	[sflag:s26] =	ssyncset.done $0x0  }
0x43: {  	[sflag:s26] =	ssyncadd.s32 $0xFFFFC000  }
0x44: {  	_ =	swait.ge [sflag:s26], $0x4000  }
0x45: {  	s9 =	rddreg [dreg:$0x3]  }
0x46: {  	s1 =	sadd.s32 s0, s9  }
0x47: {  	[sflag:s26] =	ssyncset.done $0x0;
	s1 =	sshll.u32 s1, $0x4  }
0x48: {  	[sflag:s26] =	ssyncadd.s32 $0xFFFFC000;
	s10 =	sadd.s32 s5, s1  }
0x49: {  	[hbm4b:s10+s2] =	stream.linear.scatter [tilespmem:s20], [sflag:$0x5], $0x4000, $0x38;
	[tilespmem:$0x1D000] =	vst v63  }
0x4a: {  	s1 =	sadd.s32 s7, s1  }
0x4b: {  	[hbm4b:s1+s2] =	stream.linear.scatter [tilespmem:s22], [sflag:$0x5], $0x4000, $0x38;
	[tilespmem:$0x1D000] =	vst v63  }
0x4c: {  	_ =	swait.ge [sflag:s28], $0x4000  }
0x4d: {  	[sflag:s28] =	ssyncset.done $0x0  }
0x4e: {  	[sflag:s28] =	ssyncadd.s32 $0xFFFFC000  }
0x4f: {  	_ =	swait.ge [sflag:s28], $0x4000  }
0x50: {  	[sflag:s28] =	ssyncset.done $0x0  }
0x51: {  	s11 =	sadd.s32 $0x200, s0;
	[sflag:s28] =	ssyncadd.s32 $0xFFFFC000  }
0x52: {  	[tilespmem:s20], [sflag:$0x2] =	stream.indirect.gather [hbm4b:s3+s17], $0x80, s11, s17, $0xb8;
	[tilespmem:$0x1D000] =	vst v63  }
0x53: {  	s12 =	sadd.s32 $0x2A00, s0  }
0x54: {  	[tilespmem:s22], [sflag:$0x2] =	stream.indirect.gather [hbm4b:s4+s17], $0x80, s12, s17, $0xb8;
	[tilespmem:$0x1D000] =	vst v63  }
0x55: {  	_ =	swait.ge [sflag:s29], $0x4000  }
0x56: {  	[sflag:s29] =	ssyncset.done $0x0  }
0x57: {  	[sflag:s29] =	ssyncadd.s32 $0xFFFFC000  }
0x58: {  	p6 =	por $0x0, $0x0;
	_ =	swait.ge [sflag:s29], $0x4000  }
0x59: {  	p0 =	por p6, p6;
	s16 =	rddreg [dreg:$0x4]  }
0x5a: {  	s8 =	simm.s32 $0x300;
	s9 =	simm.s32 $0x180;
	s0 =	sadd.s32 s0, s16  }
0x5b: {  	s1 =	simm.s32 @!p0 $0x6;
	[sflag:s29] =	ssyncset.done $0x0;
	s10 =	sshll.u32 s0, $0x4  }
0x5c: {  	s21 =	rddreg [dreg:$0x5];
	[sflag:s29] =	ssyncadd.s32 $0xFFFFC000;
	s0 =	sadd.s32 s5, s10  }
0x5d: {  	[hbm4b:s0+s2] =	stream.linear.scatter [tilespmem:s21], [sflag:$0x6], $0x4000, $0x38;
	[tilespmem:$0x1D000] =	vst v63  }
0x5e: {  	s10 =	sadd.s32 s7, s10;
	s0 =	simm.s32 $0x280;
	s21 =	simm.s32 $0x2A80  }
.LBB2_2:
0x5f: {  	[hbm4b:s10+s2] =	stream.linear.scatter [tilespmem:s23], [sflag:$0x6], $0x4000, $0x38;
	[tilespmem:$0x1D000] =	vst v63  }
0x60: {  	s16 =	simm.s32 @p0 $0x80;
	s11 =	simm.s32 @p0 $0x100;
	s12 =	simm.s32 @p0 $0xD000  }
0x61: {  	[tilespmem:s12], [sflag:$0x3] =	stream.indirect.gather @p0 [hbm4b:s3+s16], $0x80, s11, s16, $0xb8;
	[tilespmem:$0x1D000] =	vst v63  }
0x62: {  	_ =	swait.ge @!p0 [sflag:s1], $0x4000  }
0x63: {  	[sflag:s1] =	ssyncset.done @!p0 $0x0  }
0x64: {  	[sflag:s1] =	ssyncadd.s32 @!p0 $0xFFFFC000  }
0x65: {  	_ =	swait.ge @!p0 [sflag:s1], $0x4000  }
0x66: {  	[sflag:s1] =	ssyncset.done @!p0 $0x0  }
0x67: {  	s11 =	simm.s32 @!p0 $0xD000;
	[sflag:s1] =	ssyncadd.s32 @!p0 $0xFFFFC000;
	s1 =	simm.s32 @!p0 $0x80  }
0x68: {  	[tilespmem:s11], [sflag:$0x3] =	stream.indirect.gather @!p0 [hbm4b:s3+s1], $0x80, s0, s1, $0xb8;
	[tilespmem:$0x1D000] =	vst v63  }
0x69: {  	s1 =	smov.u32 s21  }
0x6a: {  	s1 =	simm.s32 @p0 $0x2900  }
0x6b: {  	[tilespmem:s23], [sflag:$0x3] =	stream.indirect.gather [hbm4b:s4+s17], $0x80, s1, s17, $0xb8;
	[tilespmem:$0x1D000] =	vst v63  }
0x6c: {  	_ =	swait.ge [sflag:s24], $0x4000  }
0x6d: {  	s1 =	smov.u32 s9;
	[sflag:s24] =	ssyncset.done $0x0  }
0x6e: {  	s10 =	smov.u32 s8;
	s1 =	simm.s32 @p0 $0x0;
	[sflag:s24] =	ssyncadd.s32 $0xFFFFC000  }
0x6f: {  	p2 =	seq.s32 s10, $0x0;
	s11 =	sadd.s32 s6, s1;
	_ =	swait.ge [sflag:s24], $0x4000  }
0x70: {  	s9 =	smov.u32 s10;
	s10 =	sshll.u32 s11, $0x4;
	[sflag:s24] =	ssyncset.done $0x0  }
0x71: {  	s12 =	sadd.s32 s5, s10;
	[sflag:s24] =	ssyncadd.s32 $0xFFFFC000  }
0x72: {  	[hbm4b:s12+s2] =	stream.linear.scatter [tilespmem:s18], [sflag:$0x4], $0x4000, $0x38;
	[tilespmem:$0x1D000] =	vst v63  }
0x73: {  	s10 =	sadd.s32 s7, s10  }
0x74: {  	[hbm4b:s10+s2] =	stream.linear.scatter [tilespmem:s19], [sflag:$0x4], $0x4000, $0x38;
	[tilespmem:$0x1D000] =	vst v63  }
0x75: {  	_ =	swait.ge [sflag:s25], $0x4000  }
0x76: {  	[sflag:s25] =	ssyncset.done $0x0  }
0x77: {  	[sflag:s25] =	ssyncadd.s32 $0xFFFFC000  }
0x78: {  	_ =	swait.ge [sflag:s25], $0x4000  }
0x79: {  	[sflag:s25] =	ssyncset.done $0x0  }
0x7a: {  	s16 =	sadd.s32 $0x180, s1;
	[sflag:s25] =	ssyncadd.s32 $0xFFFFC000  }
0x7b: {  	[tilespmem:s18], [sflag:$0x1] =	stream.indirect.gather [hbm4b:s3+s17], $0x80, s16, s17, $0xb8;
	[tilespmem:$0x1D000] =	vst v63  }
0x7c: {  	s11 =	sadd.s32 $0x2980, s1  }
0x7d: {  	[tilespmem:s19], [sflag:$0x1] =	stream.indirect.gather [hbm4b:s4+s17], $0x80, s11, s17, $0xb8;
	[tilespmem:$0x1D000] =	vst v63  }
0x7e: {  	_ =	swait.ge [sflag:s26], $0x4000  }
0x7f: {  	[sflag:s26] =	ssyncset.done $0x0  }
0x80: {  	[sflag:s26] =	ssyncadd.s32 $0xFFFFC000  }
0x81: {  	_ =	swait.ge [sflag:s26], $0x4000  }
0x82: {  	s12 =	rddreg [dreg:$0x3]  }
0x83: {  	s10 =	sadd.s32 s1, s12  }
0x84: {  	[sflag:s26] =	ssyncset.done $0x0;
	s10 =	sshll.u32 s10, $0x4  }
0x85: {  	[sflag:s26] =	ssyncadd.s32 $0xFFFFC000;
	s16 =	sadd.s32 s5, s10  }
0x86: {  	[hbm4b:s16+s2] =	stream.linear.scatter [tilespmem:s20], [sflag:$0x5], $0x4000, $0x38;
	[tilespmem:$0x1D000] =	vst v63  }
0x87: {  	s10 =	sadd.s32 s7, s10  }
0x88: {  	[hbm4b:s10+s2] =	stream.linear.scatter [tilespmem:s22], [sflag:$0x5], $0x4000, $0x38;
	[tilespmem:$0x1D000] =	vst v63  }
0x89: {  	_ =	swait.ge [sflag:s28], $0x4000  }
0x8a: {  	[sflag:s28] =	ssyncset.done $0x0  }
0x8b: {  	[sflag:s28] =	ssyncadd.s32 $0xFFFFC000  }
0x8c: {  	_ =	swait.ge [sflag:s28], $0x4000  }
0x8d: {  	[sflag:s28] =	ssyncset.done $0x0  }
0x8e: {  	s12 =	sadd.s32 $0x200, s1;
	[sflag:s28] =	ssyncadd.s32 $0xFFFFC000  }
0x8f: {  	[tilespmem:s20], [sflag:$0x2] =	stream.indirect.gather [hbm4b:s3+s17], $0x80, s12, s17, $0xb8;
	[tilespmem:$0x1D000] =	vst v63  }
0x90: {  	s16 =	sadd.s32 $0x2A00, s1  }
0x91: {  	[tilespmem:s22], [sflag:$0x2] =	stream.indirect.gather [hbm4b:s4+s17], $0x80, s16, s17, $0xb8;
	[tilespmem:$0x1D000] =	vst v63  }
0x92: {  	_ =	swait.ge [sflag:s29], $0x4000  }
0x93: {  	[sflag:s29] =	ssyncset.done $0x0  }
0x94: {  	[sflag:s29] =	ssyncadd.s32 $0xFFFFC000  }
0x95: {  	s8 =	sadd.s32 $0x180, s8;
	_ =	swait.ge [sflag:s29], $0x4000  }
0x96: {  	p1 =	sne.s32 s8, $0x2700;
	s11 =	rddreg [dreg:$0x4]  }
.Ltmp0:
0x97: {  	s0 =	sadd.s32 $0x180, s0;
	s1 =	sadd.s32 s1, s11;
	(pc) =	sbr.rel @p1 .LBB2_2-.Ltmp0, $4  }
0x98: {  	p0 =	por p2, p2;
	[sflag:s29] =	ssyncset.done $0x0;
	s16 =	sshll.u32 s1, $0x4  }
0x99: {  	s12 =	rddreg [dreg:$0x5];
	[sflag:s29] =	ssyncadd.s32 $0xFFFFC000;
	s1 =	sadd.s32 s5, s16  }
0x9a: {  	[hbm4b:s1+s2] =	stream.linear.scatter [tilespmem:s12], [sflag:$0x6], $0x4000, $0x38;
	[tilespmem:$0x1D000] =	vst v63  }
0x9b: {  	s21 =	sadd.s32 $0x180, s21;
	s10 =	sadd.s32 s7, s16;
	s1 =	simm.s32 @!p0 $0x6  }
0x9c: {  	[hbm4b:s10+s2] =	stream.linear.scatter [tilespmem:s23], [sflag:$0x6], $0x4000, $0x38;
	[tilespmem:$0x1D000] =	vst v63  }
0x9d: {  	s8 =	simm.s32 @p0 $0x80;
	s10 =	simm.s32 @p0 $0x100;
	s11 =	simm.s32 @p0 $0xD000  }
0x9e: {  	[tilespmem:s11], [sflag:$0x3] =	stream.indirect.gather @p0 [hbm4b:s3+s8], $0x80, s10, s8, $0xb8;
	[tilespmem:$0x1D000] =	vst v63  }
0x9f: {  	_ =	swait.ge @!p0 [sflag:s1], $0x4000  }
0xa0: {  	[sflag:s1] =	ssyncset.done @!p0 $0x0  }
0xa1: {  	[sflag:s1] =	ssyncadd.s32 @!p0 $0xFFFFC000  }
0xa2: {  	_ =	swait.ge @!p0 [sflag:s1], $0x4000  }
0xa3: {  	[sflag:s1] =	ssyncset.done @!p0 $0x0  }
0xa4: {  	s8 =	simm.s32 @!p0 $0xD000;
	[sflag:s1] =	ssyncadd.s32 @!p0 $0xFFFFC000;
	s1 =	simm.s32 @!p0 $0x80  }
0xa5: {  	[tilespmem:s8], [sflag:$0x3] =	stream.indirect.gather @!p0 [hbm4b:s3+s1], $0x80, s0, s1, $0xb8;
	[tilespmem:$0x1D000] =	vst v63  }
0xa6: {  	s21 =	simm.s32 @p0 $0x2900  }
0xa7: {  	[tilespmem:s23], [sflag:$0x3] =	stream.indirect.gather [hbm4b:s4+s17], $0x80, s21, s17, $0xb8;
	[tilespmem:$0x1D000] =	vst v63  }
0xa8: {  	_ =	swait.ge [sflag:s24], $0x4000  }
0xa9: {  	[sflag:s24] =	ssyncset.done $0x0  }
0xaa: {  	s9 =	simm.s32 @p0 $0x0;
	[sflag:s24] =	ssyncadd.s32 $0xFFFFC000  }
0xab: {  	s1 =	sadd.s32 s6, s9;
	_ =	swait.ge [sflag:s24], $0x4000  }
0xac: {  	s0 =	sshll.u32 s1, $0x4;
	[sflag:s24] =	ssyncset.done $0x0  }
0xad: {  	s8 =	sadd.s32 s5, s0;
	[sflag:s24] =	ssyncadd.s32 $0xFFFFC000  }
0xae: {  	[hbm4b:s8+s2] =	stream.linear.scatter [tilespmem:s18], [sflag:$0x4], $0x4000, $0x38;
	[tilespmem:$0x1D000] =	vst v63  }
0xaf: {  	s0 =	sadd.s32 s7, s0  }
0xb0: {  	[hbm4b:s0+s2] =	stream.linear.scatter [tilespmem:s19], [sflag:$0x4], $0x4000, $0x38;
	[tilespmem:$0x1D000] =	vst v63  }
0xb1: {  	_ =	swait.ge [sflag:s25], $0x4000  }
0xb2: {  	[sflag:s25] =	ssyncset.done $0x0  }
0xb3: {  	[sflag:s25] =	ssyncadd.s32 $0xFFFFC000  }
0xb4: {  	_ =	swait.ge [sflag:s25], $0x4000  }
0xb5: {  	[sflag:s25] =	ssyncset.done $0x0  }
0xb6: {  	s10 =	sadd.s32 $0x180, s9;
	[sflag:s25] =	ssyncadd.s32 $0xFFFFC000  }
0xb7: {  	[tilespmem:s18], [sflag:$0x1] =	stream.indirect.gather [hbm4b:s3+s17], $0x80, s10, s17, $0xb8;
	[tilespmem:$0x1D000] =	vst v63  }
0xb8: {  	s11 =	sadd.s32 $0x2980, s9  }
0xb9: {  	[tilespmem:s19], [sflag:$0x1] =	stream.indirect.gather [hbm4b:s4+s17], $0x80, s11, s17, $0xb8;
	[tilespmem:$0x1D000] =	vst v63  }
0xba: {  	_ =	swait.ge [sflag:s26], $0x4000  }
0xbb: {  	[sflag:s26] =	ssyncset.done $0x0  }
0xbc: {  	[sflag:s26] =	ssyncadd.s32 $0xFFFFC000  }
0xbd: {  	_ =	swait.ge [sflag:s26], $0x4000  }
0xbe: {  	s12 =	rddreg [dreg:$0x3]  }
0xbf: {  	s0 =	sadd.s32 s9, s12  }
0xc0: {  	[sflag:s26] =	ssyncset.done $0x0;
	s0 =	sshll.u32 s0, $0x4  }
0xc1: {  	[sflag:s26] =	ssyncadd.s32 $0xFFFFC000;
	s16 =	sadd.s32 s5, s0  }
0xc2: {  	[hbm4b:s16+s2] =	stream.linear.scatter [tilespmem:s20], [sflag:$0x5], $0x4000, $0x38;
	[tilespmem:$0x1D000] =	vst v63  }
0xc3: {  	s0 =	sadd.s32 s7, s0  }
0xc4: {  	[hbm4b:s0+s2] =	stream.linear.scatter [tilespmem:s22], [sflag:$0x5], $0x4000, $0x38;
	[tilespmem:$0x1D000] =	vst v63  }
0xc5: {  	_ =	swait.ge [sflag:s28], $0x4000  }
0xc6: {  	[sflag:s28] =	ssyncset.done $0x0  }
0xc7: {  	[sflag:s28] =	ssyncadd.s32 $0xFFFFC000  }
0xc8: {  	_ =	swait.ge [sflag:s28], $0x4000  }
0xc9: {  	[sflag:s28] =	ssyncset.done $0x0  }
0xca: {  	s21 =	sadd.s32 $0x200, s9;
	[sflag:s28] =	ssyncadd.s32 $0xFFFFC000  }
0xcb: {  	[tilespmem:s20], [sflag:$0x2] =	stream.indirect.gather [hbm4b:s3+s17], $0x80, s21, s17, $0xb8;
	[tilespmem:$0x1D000] =	vst v63  }
0xcc: {  	s1 =	sadd.s32 $0x2A00, s9  }
0xcd: {  	[tilespmem:s22], [sflag:$0x2] =	stream.indirect.gather [hbm4b:s4+s17], $0x80, s1, s17, $0xb8;
	[tilespmem:$0x1D000] =	vst v63  }
0xce: {  	_ =	swait.ge [sflag:s29], $0x4000  }
0xcf: {  	[sflag:s29] =	ssyncset.done $0x0  }
0xd0: {  	[sflag:s29] =	ssyncadd.s32 $0xFFFFC000  }
0xd1: {  	_ =	swait.ge [sflag:s29], $0x4000  }
0xd2: {  	s8 =	rddreg [dreg:$0x4]  }
0xd3: {  	s0 =	sadd.s32 s9, s8  }
0xd4: {  	[sflag:s29] =	ssyncset.done $0x0;
	s0 =	sshll.u32 s0, $0x4  }
0xd5: {  	s10 =	rddreg [dreg:$0x5];
	[sflag:s29] =	ssyncadd.s32 $0xFFFFC000;
	s11 =	sadd.s32 s5, s0  }
0xd6: {  	[hbm4b:s11+s2] =	stream.linear.scatter [tilespmem:s10], [sflag:$0x6], $0x4000, $0x38;
	[tilespmem:$0x1D000] =	vst v63  }
0xd7: {  	s0 =	sadd.s32 s7, s0  }
0xd8: {  	[hbm4b:s0+s2] =	stream.linear.scatter [tilespmem:s23], [sflag:$0x6], $0x4000, $0x38;
	[tilespmem:$0x1D000] =	vst v63  }
0xd9: {  	_ =	swait.ge [sflag:s30], $0x4000  }
0xda: {  	[sflag:s30] =	ssyncset.done $0x0  }
0xdb: {  	[sflag:s30] =	ssyncadd.s32 $0xFFFFC000  }
0xdc: {  	_ =	swait.ge [sflag:s30], $0x4000  }
0xdd: {  	[sflag:s30] =	ssyncset.done $0x0  }
0xde: {  	[sflag:s30] =	ssyncadd.s32 $0xFFFFC000  }
0xdf: {  	_ =	swait.ge [sflag:s24], $0x4000  }
0xe0: {  	[sflag:s24] =	ssyncset.done $0x0  }
0xe1: {  	[sflag:s24] =	ssyncadd.s32 $0xFFFFC000  }
0xe2: {  	_ =	swait.ge [sflag:s24], $0x4000  }
0xe3: {  	[sflag:s24] =	ssyncset.done $0x0  }
0xe4: {  	s12 =	rddreg [dreg:$0x8];
	[sflag:s24] =	ssyncadd.s32 $0xFFFFC000  }
0xe5: {  	[hbm4b:s12+s2] =	stream.linear.scatter [tilespmem:s18], [sflag:$0x4], $0x4000, $0x38;
	[tilespmem:$0x1D000] =	vst v63  }
0xe6: {  	s16 =	rddreg [dreg:$0x9]  }
0xe7: {  	[hbm4b:s16+s2] =	stream.linear.scatter [tilespmem:s19], [sflag:$0x4], $0x4000, $0x38;
	[tilespmem:$0x1D000] =	vst v63  }
0xe8: {  	_ =	swait.ge [sflag:s25], $0x4000  }
0xe9: {  	[sflag:s25] =	ssyncset.done $0x0  }
0xea: {  	[sflag:s25] =	ssyncadd.s32 $0xFFFFC000  }
0xeb: {  	_ =	swait.ge [sflag:s25], $0x4000  }
0xec: {  	[sflag:s25] =	ssyncset.done $0x0  }
0xed: {  	[sflag:s25] =	ssyncadd.s32 $0xFFFFC000  }
0xee: {  	_ =	swait.ge [sflag:s26], $0x4000  }
0xef: {  	[sflag:s26] =	ssyncset.done $0x0  }
0xf0: {  	[sflag:s26] =	ssyncadd.s32 $0xFFFFC000  }
0xf1: {  	_ =	swait.ge [sflag:s26], $0x4000  }
0xf2: {  	[sflag:s26] =	ssyncset.done $0x0  }
0xf3: {  	s21 =	rddreg [dreg:$0xa];
	[sflag:s26] =	ssyncadd.s32 $0xFFFFC000  }
0xf4: {  	[hbm4b:s21+s2] =	stream.linear.scatter [tilespmem:s20], [sflag:$0x5], $0x4000, $0x38;
	[tilespmem:$0x1D000] =	vst v63  }
0xf5: {  	s31 =	sadd.s32 $0x1, s31  }
0xf6: {  	[hbm4b:s13+s2] =	stream.linear.scatter [tilespmem:s22], [sflag:$0x5], $0x4000, $0x38;
	[tilespmem:$0x1D000] =	vst v63  }
0xf7: {  	p0 =	sne.s32 s31, s14;
	_ =	swait.ge [sflag:s28], $0x4000  }
.Ltmp1:
0xf8: {  	[sflag:s28] =	ssyncset.done $0x0;
	(pc) =	sbr.rel @p0 .LBB2_1-.Ltmp1, $4  }
0xf9: {  	[sflag:s28] =	ssyncadd.s32 $0xFFFFC000  }
0xfa: {  	_ =	swait.ge [sflag:s28], $0x4000  }
0xfb: {  	[sflag:s28] =	ssyncset.done $0x0  }
0xfc: {  	[sflag:s28] =	ssyncadd.s32 $0xFFFFC000  }
0xfd: {  	_ =	sfence.sel $0x180000  }
0xfe: {  	[bflag:$0x0] =	sbarrier.arrive $0xFFFF  }
0xff: {  	_ =	strace $0x90000047  }
0x100: {  	s0 =	stileid.u32;
	[bflag:$0x2] =	sbarrier.arrive $0xFFFF  }
0x101: {  	p0 =	sne.s32 s0, $0x0;
	s0 =	rddreg [dreg:$0x2]  }
0x102: {  	s0 =	sadd.s32 @!p0 $0x100000, s0  }
0x103: {  	[sflag:s0] =	ssyncadd.tile.s32 @!p0 $0x1;
	_ =	shalt  }
.Lfunc_end2:
_tile_overlayer_lowered:
.L_overlay_start_2:
0x104: {  	(tag) =	ssettag $0x2  }
0x105: {  	s0 =	rddreg [dreg:$0x0];
	s2 =	stileid.u32  }
0x106: {  	s1 =	rddreg [dreg:$0x1];
	p0 =	sne.s32 s2, $0x0  }
0x107: {  	s3 =	rddreg [dreg:$0x2];
	[bflag:$0x3] =	sbarrier.arrive $0xFFFF;
	s2 =	simm.s32 @!p0 $0x1C07  }
0x108: {  	[timem:s3], [sflag:s2] =	dma.local @!p0 [hbm:s0], s1  }
0x109: {  	s0 =	simm.s32 @!p0 $0x7  }
0x10a: {  	_ =	swait.ge @!p0 [sflag:s0], s1  }
0x10b: {  	s1 =	ssub.s32 @!p0 $0x0, s1;
	[sflag:s0] =	ssyncset.done @!p0 $0x0  }
0x10c: {  	[sflag:s0] =	ssyncadd.s32 @!p0 s1  }
0x10d: {  	[bflag:$0x3] =	sbarrier.arrive $0xFFFF  }
0x10e: {  	_ =	shalt  }

</sc_bundles>
